<compile_context>
chip_gen: v7x
topology: tpu7x:2x2x1
jax: 0.10.2.dev20260603
libtpu: 0.0.44.dev20260713+nightly
codegen_flags: <defaults>
</compile_context>

<pallas_src>
import functools

import jax
import jax.numpy as jnp
from jax import lax
from jax.experimental import pallas as pl
from jax.experimental.pallas import tpu as pltpu
from jax.experimental.pallas import tpu_sc as plsc

_NUM_CORES = 2
_NUM_SUBCORES = 16
_NUM_WORKERS = _NUM_CORES * _NUM_SUBCORES
_LANES = 16


def _tc_cols_body(idx_ref, table_ref, c0_ref, c1_ref, win, sem):
    d = win.shape[0]
    outs = (c0_ref, c1_ref)
    for k in range(2):
        base = (idx_ref[k] // 128) * 128
        cp = pltpu.make_async_copy(
            table_ref.at[:, pl.ds(base, 128)], win, sem)
        cp.start()
        cp.wait()
        off = idx_ref[k] % 128
        lane = jax.lax.broadcasted_iota(jnp.int32, (d, 128), 1)
        col = jnp.sum(
            jnp.where(lane == off, win[...], 0.0), axis=1, keepdims=True)
        outs[k][...] = jnp.broadcast_to(col, (d, _LANES))


def _sc_bcast_body(chunk, d, c0_hbm, c1_hbm, o0_hbm, o1_hbm,
                   c0_v, c1_v, buf0, buf1, sem0, sem1):
    wid = lax.axis_index("s") * _NUM_CORES + lax.axis_index("c")
    base = wid * chunk

    pltpu.sync_copy(c0_hbm, c0_v)
    pltpu.sync_copy(c1_hbm, c1_v)

    nlane = chunk // _LANES
    for i in range(d):
        v0 = c0_v[i, pl.ds(0, _LANES)]
        v1 = c1_v[i, pl.ds(0, _LANES)]

        def fill(c, carry, i=i, v0=v0, v1=v1):
            buf0[i, pl.ds(c * _LANES, _LANES)] = v0
            buf1[i, pl.ds(c * _LANES, _LANES)] = v1
            return carry

        lax.fori_loop(0, nlane, fill, 0)

    cp0 = pltpu.make_async_copy(buf0, o0_hbm.at[:, pl.ds(base, chunk)], sem0)
    cp1 = pltpu.make_async_copy(buf1, o1_hbm.at[:, pl.ds(base, chunk)], sem1)
    cp0.start()
    cp1.start()
    cp0.wait()
    cp1.wait()


def kernel(rel, table, indices):
    batch = rel.shape[0]
    d = table.shape[1]
    chunk = batch // _NUM_WORKERS
    table_t = table.T

    cols_sds = jax.ShapeDtypeStruct((d, _LANES), jnp.float32)
    c0, c1 = pl.pallas_call(
        _tc_cols_body,
        grid_spec=pltpu.PrefetchScalarGridSpec(
            num_scalar_prefetch=1,
            grid=(1,),
            in_specs=[pl.BlockSpec(memory_space=pl.ANY)],
            out_specs=[
                pl.BlockSpec((d, _LANES), lambda i, idx: (0, 0)),
                pl.BlockSpec((d, _LANES), lambda i, idx: (0, 0)),
            ],
            scratch_shapes=[
                pltpu.VMEM((d, 128), jnp.float32),
                pltpu.SemaphoreType.DMA,
            ],
        ),
        out_shape=[cols_sds, cols_sds],
    )(indices.astype(jnp.int32), table_t)

    mesh = plsc.VectorSubcoreMesh(core_axis_name="c", subcore_axis_name="s")
    out_sds = jax.ShapeDtypeStruct((d, batch), jnp.float32)
    sc_call = pl.kernel(
        functools.partial(_sc_bcast_body, chunk, d),
        out_type=[out_sds, out_sds],
        mesh=mesh,
        scratch_types=[
            pltpu.VMEM((d, _LANES), jnp.float32),
            pltpu.VMEM((d, _LANES), jnp.float32),
            pltpu.VMEM((d, chunk), jnp.float32),
            pltpu.VMEM((d, chunk), jnp.float32),
            pltpu.SemaphoreType.DMA,
            pltpu.SemaphoreType.DMA,
        ],
    )
    o0, o1 = sc_call(c0, c1)
    return (o0.T, o1.T)

# --- scband reference (transcript-rebuilt; emitter-appended) ---
"""Pipeline reference for scband-symbolic-reformulator-23725399343303 (READ-ONLY COPY).

The authoritative reference and input builder live on the scoring server;
editing this copy changes nothing except your own understanding.
"""

import jax, jax.numpy as jnp
import numpy as np

BATCH = 16384
VOCAB = 100000
EMBED_DIM = 64
INDICES = np.array([3, 17], dtype=np.int64)


def setup_inputs(seed: int = 0) -> dict:
    key = jax.random.key(seed)
    k1, k2 = jax.random.split(key)
    rel = jax.random.normal(k1, (BATCH, EMBED_DIM), dtype=jnp.float32)
    table = jax.random.normal(k2, (VOCAB, EMBED_DIM), dtype=jnp.float32)
    indices = jnp.asarray(INDICES)
    return {"rel": rel, "table": table, "indices": indices}


def reference(rel, table, indices):
    batch_size = rel.shape[0]
    # embedding lookup: res = embeddings(indices)
    res = jnp.take(table, indices, axis=0)  # [nb_indices, embedding_size]
    nb_indices, embedding_size = res.shape[0], res.shape[1]
    # res.view(1, nb, d).repeat(batch, 1, 1)
    res = jnp.tile(res.reshape(1, nb_indices, embedding_size), (batch_size, 1, 1))
    # torch.split(res, 1, dim=1) then view to [batch, d]
    outs = tuple(res[:, i, :].reshape(res.shape[0], res.shape[2]) for i in range(nb_indices))
    return outs

if __name__ == "__main__":
    import jax
    _d = setup_inputs()
    print(jax.jit(kernel)(*tuple(_d.values())))

</pallas_src>

<mosaic_0001>
#map = affine_map<(d0, d1) -> (0, 0)>
module attributes {stable_mosaic.version = 14 : i64} {
  func.func @_sc_bcast_body(%arg0: i32, %arg1: i32, %arg2: memref<64x16xf32, #tpu.memory_space<hbm>>, %arg3: memref<64x16xf32, #tpu.memory_space<hbm>>, %arg4: memref<64x16384xf32, #tpu.memory_space<hbm>>, %arg5: memref<64x16384xf32, #tpu.memory_space<hbm>>, %arg6: memref<64x16xf32, #tpu.memory_space<vmem>>, %arg7: memref<64x16xf32, #tpu.memory_space<vmem>>, %arg8: memref<64x512xf32, #tpu.memory_space<vmem>>, %arg9: memref<64x512xf32, #tpu.memory_space<vmem>>, %arg10: memref<!tpu.dma_semaphore, #tpu.memory_space<semaphore_mem>>, %arg11: memref<!tpu.dma_semaphore, #tpu.memory_space<semaphore_mem>>) attributes {dimension_semantics = [#tpu.dimension_semantics<core_parallel>, #tpu.dimension_semantics<subcore_parallel>], iteration_bounds = array<i64: 2, 16>, scalar_prefetch = 0 : i64, scratch_operands = 6 : i64, tpu.core_type = #tpu.core_type<sc_vector_subcore>, window_params = [{transform_indices = #map}, {transform_indices = #map}, {transform_indices = #map}, {transform_indices = #map}]} {
    %mul3A = arith.constant 2 : i32
    %mul3A_0 = arith.muli %arg1, %mul3A : i32
    %add3A = arith.addi %mul3A_0, %arg0 : i32
    %mul3A_1 = arith.constant 512 : i32
    %mul3A_2 = arith.muli %add3A, %mul3A_1 : i32
    "tpu.region"() ({
      %run_scoped3A = tpu.sem_alloc : memref<!tpu.dma_semaphore, #tpu.memory_space<semaphore_mem>>
      tpu.enqueue_dma source(%arg2 : memref<64x16xf32, #tpu.memory_space<hbm>>) target(%arg6 : memref<64x16xf32, #tpu.memory_space<vmem>>) target_semaphore(%run_scoped3A : memref<!tpu.dma_semaphore, #tpu.memory_space<semaphore_mem>>)
      tpu.wait_dma2 semaphore(%run_scoped3A : memref<!tpu.dma_semaphore, #tpu.memory_space<semaphore_mem>>) src(%arg2 : memref<64x16xf32, #tpu.memory_space<hbm>>) dst(%arg6 : memref<64x16xf32, #tpu.memory_space<vmem>>)
      tpu.yield
    }) : () -> ()
    "tpu.region"() ({
      %run_scoped3A = tpu.sem_alloc : memref<!tpu.dma_semaphore, #tpu.memory_space<semaphore_mem>>
      tpu.enqueue_dma source(%arg3 : memref<64x16xf32, #tpu.memory_space<hbm>>) target(%arg7 : memref<64x16xf32, #tpu.memory_space<vmem>>) target_semaphore(%run_scoped3A : memref<!tpu.dma_semaphore, #tpu.memory_space<semaphore_mem>>)
      tpu.wait_dma2 semaphore(%run_scoped3A : memref<!tpu.dma_semaphore, #tpu.memory_space<semaphore_mem>>) src(%arg3 : memref<64x16xf32, #tpu.memory_space<hbm>>) dst(%arg7 : memref<64x16xf32, #tpu.memory_space<vmem>>)
      tpu.yield
    }) : () -> ()
    %get3A = arith.constant 0 : i32
    %get3A_3 = arith.index_cast %get3A : i32 to index
    %get3A_4 = arith.constant 0 : index
    %get3A_5 = tpu.vector_load %arg6[%get3A_3, %get3A_4] {strides = array<i32>} : memref<64x16xf32, #tpu.memory_space<vmem>>, vector<1x16xf32>,
    %get3A_6 = vector.shape_cast %get3A_5 : vector<1x16xf32> to vector<16xf32>
    %get3A_7 = arith.constant 0 : i32
    %get3A_8 = arith.index_cast %get3A_7 : i32 to index
    %get3A_9 = arith.constant 0 : index
    %get3A_10 = tpu.vector_load %arg7[%get3A_8, %get3A_9] {strides = array<i32>} : memref<64x16xf32, #tpu.memory_space<vmem>>, vector<1x16xf32>,
    %get3A_11 = vector.shape_cast %get3A_10 : vector<1x16xf32> to vector<16xf32>
    %scan3A = arith.constant 0 : i32
    %scan3A_12 = arith.constant 0 : i32
    %scan3A_13 = arith.constant 32 : i32
    %scan3A_14 = arith.addi %scan3A_12, %scan3A_13 : i32
    %scan3A_15 = arith.constant 1 : i32
    scf.for %scan3A_1039 = %scan3A_12 to %scan3A_14 step %scan3A_15  : i32 {
      %mul3A_1040 = arith.constant 16 : i32
      %mul3A_1041 = arith.muli %scan3A_1039, %mul3A_1040 : i32
      %swap3A = arith.constant 0 : i32
      %swap3A_1042 = arith.index_cast %swap3A : i32 to index
      %swap3A_1043 = arith.index_cast %mul3A_1041 : i32 to index
      %swap3A_1044 = tpu.vector_load %arg8[%swap3A_1042, %swap3A_1043] {strides = array<i32>} : memref<64x512xf32, #tpu.memory_space<vmem>>, vector<1x16xf32>,
      %swap3A_1045 = vector.shape_cast %swap3A_1044 : vector<1x16xf32> to vector<16xf32>
      %swap3A_1046 = vector.shape_cast %get3A_6 : vector<16xf32> to vector<1x16xf32>
      tpu.vector_store %arg8[%swap3A_1042, %swap3A_1043], %swap3A_1046 {strides = array<i32>} : memref<64x512xf32, #tpu.memory_space<vmem>>, vector<1x16xf32>,
      %mul3A_1047 = arith.constant 16 : i32
      %mul3A_1048 = arith.muli %scan3A_1039, %mul3A_1047 : i32
      %swap3A_1049 = arith.constant 0 : i32
      %swap3A_1050 = arith.index_cast %swap3A_1049 : i32 to index
      %swap3A_1051 = arith.index_cast %mul3A_1048 : i32 to index
      %swap3A_1052 = tpu.vector_load %arg9[%swap3A_1050, %swap3A_1051] {strides = array<i32>} : memref<64x512xf32, #tpu.memory_space<vmem>>, vector<1x16xf32>,
      %swap3A_1053 = vector.shape_cast %swap3A_1052 : vector<1x16xf32> to vector<16xf32>
      %swap3A_1054 = vector.shape_cast %get3A_11 : vector<16xf32> to vector<1x16xf32>
      tpu.vector_store %arg9[%swap3A_1050, %swap3A_1051], %swap3A_1054 {strides = array<i32>} : memref<64x512xf32, #tpu.memory_space<vmem>>, vector<1x16xf32>,
    }
    %scan3A_16 = arith.constant 32 : i32
    %get3A_17 = arith.constant 1 : i32
    %get3A_18 = arith.index_cast %get3A_17 : i32 to index
    %get3A_19 = arith.constant 0 : index
    %get3A_20 = tpu.vector_load %arg6[%get3A_18, %get3A_19] {strides = array<i32>} : memref<64x16xf32, #tpu.memory_space<vmem>>, vector<1x16xf32>,
    %get3A_21 = vector.shape_cast %get3A_20 : vector<1x16xf32> to vector<16xf32>
    %get3A_22 = arith.constant 1 : i32
    %get3A_23 = arith.index_cast %get3A_22 : i32 to index
    %get3A_24 = arith.constant 0 : index
    %get3A_25 = tpu.vector_load %arg7[%get3A_23, %get3A_24] {strides = array<i32>} : memref<64x16xf32, #tpu.memory_space<vmem>>, vector<1x16xf32>,
    %get3A_26 = vector.shape_cast %get3A_25 : vector<1x16xf32> to vector<16xf32>
    %scan3A_27 = arith.constant 0 : i32
    %scan3A_28 = arith.constant 0 : i32
    %scan3A_29 = arith.constant 32 : i32
    %scan3A_30 = arith.addi %scan3A_28, %scan3A_29 : i32
    %scan3A_31 = arith.constant 1 : i32
    scf.for %scan3A_1039 = %scan3A_28 to %scan3A_30 step %scan3A_31  : i32 {
      %mul3A_1040 = arith.constant 16 : i32
      %mul3A_1041 = arith.muli %scan3A_1039, %mul3A_1040 : i32
      %swap3A = arith.constant 1 : i32
      %swap3A_1042 = arith.index_cast %swap3A : i32 to index
      %swap3A_1043 = arith.index_cast %mul3A_1041 : i32 to index
      %swap3A_1044 = tpu.vector_load %arg8[%swap3A_1042, %swap3A_1043] {strides = array<i32>} : memref<64x512xf32, #tpu.memory_space<vmem>>, vector<1x16xf32>,
      %swap3A_1045 = vector.shape_cast %swap3A_1044 : vector<1x16xf32> to vector<16xf32>
      %swap3A_1046 = vector.shape_cast %get3A_21 : vector<16xf32> to vector<1x16xf32>
      tpu.vector_store %arg8[%swap3A_1042, %swap3A_1043], %swap3A_1046 {strides = array<i32>} : memref<64x512xf32, #tpu.memory_space<vmem>>, vector<1x16xf32>,
      %mul3A_1047 = arith.constant 16 : i32
      %mul3A_1048 = arith.muli %scan3A_1039, %mul3A_1047 : i32
      %swap3A_1049 = arith.constant 1 : i32
      %swap3A_1050 = arith.index_cast %swap3A_1049 : i32 to index
      %swap3A_1051 = arith.index_cast %mul3A_1048 : i32 to index
      %swap3A_1052 = tpu.vector_load %arg9[%swap3A_1050, %swap3A_1051] {strides = array<i32>} : memref<64x512xf32, #tpu.memory_space<vmem>>, vector<1x16xf32>,
      %swap3A_1053 = vector.shape_cast %swap3A_1052 : vector<1x16xf32> to vector<16xf32>
      %swap3A_1054 = vector.shape_cast %get3A_26 : vector<16xf32> to vector<1x16xf32>
      tpu.vector_store %arg9[%swap3A_1050, %swap3A_1051], %swap3A_1054 {strides = array<i32>} : memref<64x512xf32, #tpu.memory_space<vmem>>, vector<1x16xf32>,
    }
    %scan3A_32 = arith.constant 32 : i32
    %get3A_33 = arith.constant 2 : i32
    %get3A_34 = arith.index_cast %get3A_33 : i32 to index
    %get3A_35 = arith.constant 0 : index
    %get3A_36 = tpu.vector_load %arg6[%get3A_34, %get3A_35] {strides = array<i32>} : memref<64x16xf32, #tpu.memory_space<vmem>>, vector<1x16xf32>,
    %get3A_37 = vector.shape_cast %get3A_36 : vector<1x16xf32> to vector<16xf32>
    %get3A_38 = arith.constant 2 : i32
    %get3A_39 = arith.index_cast %get3A_38 : i32 to index
    %get3A_40 = arith.constant 0 : index
    %get3A_41 = tpu.vector_load %arg7[%get3A_39, %get3A_40] {strides = array<i32>} : memref<64x16xf32, #tpu.memory_space<vmem>>, vector<1x16xf32>,
    %get3A_42 = vector.shape_cast %get3A_41 : vector<1x16xf32> to vector<16xf32>
    %scan3A_43 = arith.constant 0 : i32
    %scan3A_44 = arith.constant 0 : i32
    %scan3A_45 = arith.constant 32 : i32
    %scan3A_46 = arith.addi %scan3A_44, %scan3A_45 : i32
    %scan3A_47 = arith.constant 1 : i32
    scf.for %scan3A_1039 = %scan3A_44 to %scan3A_46 step %scan3A_47  : i32 {
      %mul3A_1040 = arith.constant 16 : i32
      %mul3A_1041 = arith.muli %scan3A_1039, %mul3A_1040 : i32
      %swap3A = arith.constant 2 : i32
      %swap3A_1042 = arith.index_cast %swap3A : i32 to index
      %swap3A_1043 = arith.index_cast %mul3A_1041 : i32 to index
      %swap3A_1044 = tpu.vector_load %arg8[%swap3A_1042, %swap3A_1043] {strides = array<i32>} : memref<64x512xf32, #tpu.memory_space<vmem>>, vector<1x16xf32>,
      %swap3A_1045 = vector.shape_cast %swap3A_1044 : vector<1x16xf32> to vector<16xf32>
      %swap3A_1046 = vector.shape_cast %get3A_37 : vector<16xf32> to vector<1x16xf32>
      tpu.vector_store %arg8[%swap3A_1042, %swap3A_1043], %swap3A_1046 {strides = array<i32>} : memref<64x512xf32, #tpu.memory_space<vmem>>, vector<1x16xf32>,
      %mul3A_1047 = arith.constant 16 : i32
      %mul3A_1048 = arith.muli %scan3A_1039, %mul3A_1047 : i32
      %swap3A_1049 = arith.constant 2 : i32
      %swap3A_1050 = arith.index_cast %swap3A_1049 : i32 to index
      %swap3A_1051 = arith.index_cast %mul3A_1048 : i32 to index
      %swap3A_1052 = tpu.vector_load %arg9[%swap3A_1050, %swap3A_1051] {strides = array<i32>} : memref<64x512xf32, #tpu.memory_space<vmem>>, vector<1x16xf32>,
      %swap3A_1053 = vector.shape_cast %swap3A_1052 : vector<1x16xf32> to vector<16xf32>
      %swap3A_1054 = vector.shape_cast %get3A_42 : vector<16xf32> to vector<1x16xf32>
      tpu.vector_store %arg9[%swap3A_1050, %swap3A_1051], %swap3A_1054 {strides = array<i32>} : memref<64x512xf32, #tpu.memory_space<vmem>>, vector<1x16xf32>,
    }
    %scan3A_48 = arith.constant 32 : i32
    %get3A_49 = arith.constant 3 : i32
    %get3A_50 = arith.index_cast %get3A_49 : i32 to index
    %get3A_51 = arith.constant 0 : index
    %get3A_52 = tpu.vector_load %arg6[%get3A_50, %get3A_51] {strides = array<i32>} : memref<64x16xf32, #tpu.memory_space<vmem>>, vector<1x16xf32>,
    %get3A_53 = vector.shape_cast %get3A_52 : vector<1x16xf32> to vector<16xf32>
    %get3A_54 = arith.constant 3 : i32
    %get3A_55 = arith.index_cast %get3A_54 : i32 to index
    %get3A_56 = arith.constant 0 : index
    %get3A_57 = tpu.vector_load %arg7[%get3A_55, %get3A_56] {strides = array<i32>} : memref<64x16xf32, #tpu.memory_space<vmem>>, vector<1x16xf32>,
    %get3A_58 = vector.shape_cast %get3A_57 : vector<1x16xf32> to vector<16xf32>
    %scan3A_59 = arith.constant 0 : i32
    %scan3A_60 = arith.constant 0 : i32
    %scan3A_61 = arith.constant 32 : i32
    %scan3A_62 = arith.addi %scan3A_60, %scan3A_61 : i32
    %scan3A_63 = arith.constant 1 : i32
    scf.for %scan3A_1039 = %scan3A_60 to %scan3A_62 step %scan3A_63  : i32 {
      %mul3A_1040 = arith.constant 16 : i32
      %mul3A_1041 = arith.muli %scan3A_1039, %mul3A_1040 : i32
      %swap3A = arith.constant 3 : i32
      %swap3A_1042 = arith.index_cast %swap3A : i32 to index
      %swap3A_1043 = arith.index_cast %mul3A_1041 : i32 to index
      %swap3A_1044 = tpu.vector_load %arg8[%swap3A_1042, %swap3A_1043] {strides = array<i32>} : memref<64x512xf32, #tpu.memory_space<vmem>>, vector<1x16xf32>,
      %swap3A_1045 = vector.shape_cast %swap3A_1044 : vector<1x16xf32> to vector<16xf32>
      %swap3A_1046 = vector.shape_cast %get3A_53 : vector<16xf32> to vector<1x16xf32>
      tpu.vector_store %arg8[%swap3A_1042, %swap3A_1043], %swap3A_1046 {strides = array<i32>} : memref<64x512xf32, #tpu.memory_space<vmem>>, vector<1x16xf32>,
      %mul3A_1047 = arith.constant 16 : i32
      %mul3A_1048 = arith.muli %scan3A_1039, %mul3A_1047 : i32
      %swap3A_1049 = arith.constant 3 : i32
      %swap3A_1050 = arith.index_cast %swap3A_1049 : i32 to index
      %swap3A_1051 = arith.index_cast %mul3A_1048 : i32 to index
      %swap3A_1052 = tpu.vector_load %arg9[%swap3A_1050, %swap3A_1051] {strides = array<i32>} : memref<64x512xf32, #tpu.memory_space<vmem>>, vector<1x16xf32>,
      %swap3A_1053 = vector.shape_cast %swap3A_1052 : vector<1x16xf32> to vector<16xf32>
      %swap3A_1054 = vector.shape_cast %get3A_58 : vector<16xf32> to vector<1x16xf32>
      tpu.vector_store %arg9[%swap3A_1050, %swap3A_1051], %swap3A_1054 {strides = array<i32>} : memref<64x512xf32, #tpu.memory_space<vmem>>, vector<1x16xf32>,
    }
    %scan3A_64 = arith.constant 32 : i32
    %get3A_65 = arith.constant 4 : i32
    %get3A_66 = arith.index_cast %get3A_65 : i32 to index
    %get3A_67 = arith.constant 0 : index
    %get3A_68 = tpu.vector_load %arg6[%get3A_66, %get3A_67] {strides = array<i32>} : memref<64x16xf32, #tpu.memory_space<vmem>>, vector<1x16xf32>,
    %get3A_69 = vector.shape_cast %get3A_68 : vector<1x16xf32> to vector<16xf32>
    %get3A_70 = arith.constant 4 : i32
    %get3A_71 = arith.index_cast %get3A_70 : i32 to index
    %get3A_72 = arith.constant 0 : index
    %get3A_73 = tpu.vector_load %arg7[%get3A_71, %get3A_72] {strides = array<i32>} : memref<64x16xf32, #tpu.memory_space<vmem>>, vector<1x16xf32>,
    %get3A_74 = vector.shape_cast %get3A_73 : vector<1x16xf32> to vector<16xf32>
    %scan3A_75 = arith.constant 0 : i32
    %scan3A_76 = arith.constant 0 : i32
    %scan3A_77 = arith.constant 32 : i32
    %scan3A_78 = arith.addi %scan3A_76, %scan3A_77 : i32
    %scan3A_79 = arith.constant 1 : i32
    scf.for %scan3A_1039 = %scan3A_76 to %scan3A_78 step %scan3A_79  : i32 {
      %mul3A_1040 = arith.constant 16 : i32
      %mul3A_1041 = arith.muli %scan3A_1039, %mul3A_1040 : i32
      %swap3A = arith.constant 4 : i32
      %swap3A_1042 = arith.index_cast %swap3A : i32 to index
      %swap3A_1043 = arith.index_cast %mul3A_1041 : i32 to index
      %swap3A_1044 = tpu.vector_load %arg8[%swap3A_1042, %swap3A_1043] {strides = array<i32>} : memref<64x512xf32, #tpu.memory_space<vmem>>, vector<1x16xf32>,
      %swap3A_1045 = vector.shape_cast %swap3A_1044 : vector<1x16xf32> to vector<16xf32>
      %swap3A_1046 = vector.shape_cast %get3A_69 : vector<16xf32> to vector<1x16xf32>
      tpu.vector_store %arg8[%swap3A_1042, %swap3A_1043], %swap3A_1046 {strides = array<i32>} : memref<64x512xf32, #tpu.memory_space<vmem>>, vector<1x16xf32>,
      %mul3A_1047 = arith.constant 16 : i32
      %mul3A_1048 = arith.muli %scan3A_1039, %mul3A_1047 : i32
      %swap3A_1049 = arith.constant 4 : i32
      %swap3A_1050 = arith.index_cast %swap3A_1049 : i32 to index
      %swap3A_1051 = arith.index_cast %mul3A_1048 : i32 to index
      %swap3A_1052 = tpu.vector_load %arg9[%swap3A_1050, %swap3A_1051] {strides = array<i32>} : memref<64x512xf32, #tpu.memory_space<vmem>>, vector<1x16xf32>,
      %swap3A_1053 = vector.shape_cast %swap3A_1052 : vector<1x16xf32> to vector<16xf32>
      %swap3A_1054 = vector.shape_cast %get3A_74 : vector<16xf32> to vector<1x16xf32>
      tpu.vector_store %arg9[%swap3A_1050, %swap3A_1051], %swap3A_1054 {strides = array<i32>} : memref<64x512xf32, #tpu.memory_space<vmem>>, vector<1x16xf32>,
    }
    %scan3A_80 = arith.constant 32 : i32
    %get3A_81 = arith.constant 5 : i32
    %get3A_82 = arith.index_cast %get3A_81 : i32 to index
    %get3A_83 = arith.constant 0 : index
    %get3A_84 = tpu.vector_load %arg6[%get3A_82, %get3A_83] {strides = array<i32>} : memref<64x16xf32, #tpu.memory_space<vmem>>, vector<1x16xf32>,
    %get3A_85 = vector.shape_cast %get3A_84 : vector<1x16xf32> to vector<16xf32>
    %get3A_86 = arith.constant 5 : i32
    %get3A_87 = arith.index_cast %get3A_86 : i32 to index
    %get3A_88 = arith.constant 0 : index
    %get3A_89 = tpu.vector_load %arg7[%get3A_87, %get3A_88] {strides = array<i32>} : memref<64x16xf32, #tpu.memory_space<vmem>>, vector<1x16xf32>,
    %get3A_90 = vector.shape_cast %get3A_89 : vector<1x16xf32> to vector<16xf32>
    %scan3A_91 = arith.constant 0 : i32
    %scan3A_92 = arith.constant 0 : i32
    %scan3A_93 = arith.constant 32 : i32
    %scan3A_94 = arith.addi %scan3A_92, %scan3A_93 : i32
    %scan3A_95 = arith.constant 1 : i32
    scf.for %scan3A_1039 = %scan3A_92 to %scan3A_94 step %scan3A_95  : i32 {
      %mul3A_1040 = arith.constant 16 : i32
      %mul3A_1041 = arith.muli %scan3A_1039, %mul3A_1040 : i32
      %swap3A = arith.constant 5 : i32
      %swap3A_1042 = arith.index_cast %swap3A : i32 to index
      %swap3A_1043 = arith.index_cast %mul3A_1041 : i32 to index
      %swap3A_1044 = tpu.vector_load %arg8[%swap3A_1042, %swap3A_1043] {strides = array<i32>} : memref<64x512xf32, #tpu.memory_space<vmem>>, vector<1x16xf32>,
      %swap3A_1045 = vector.shape_cast %swap3A_1044 : vector<1x16xf32> to vector<16xf32>
      %swap3A_1046 = vector.shape_cast %get3A_85 : vector<16xf32> to vector<1x16xf32>
      tpu.vector_store %arg8[%swap3A_1042, %swap3A_1043], %swap3A_1046 {strides = array<i32>} : memref<64x512xf32, #tpu.memory_space<vmem>>, vector<1x16xf32>,
      %mul3A_1047 = arith.constant 16 : i32
      %mul3A_1048 = arith.muli %scan3A_1039, %mul3A_1047 : i32
      %swap3A_1049 = arith.constant 5 : i32
      %swap3A_1050 = arith.index_cast %swap3A_1049 : i32 to index
      %swap3A_1051 = arith.index_cast %mul3A_1048 : i32 to index
      %swap3A_1052 = tpu.vector_load %arg9[%swap3A_1050, %swap3A_1051] {strides = array<i32>} : memref<64x512xf32, #tpu.memory_space<vmem>>, vector<1x16xf32>,
      %swap3A_1053 = vector.shape_cast %swap3A_1052 : vector<1x16xf32> to vector<16xf32>
      %swap3A_1054 = vector.shape_cast %get3A_90 : vector<16xf32> to vector<1x16xf32>
      tpu.vector_store %arg9[%swap3A_1050, %swap3A_1051], %swap3A_1054 {strides = array<i32>} : memref<64x512xf32, #tpu.memory_space<vmem>>, vector<1x16xf32>,
    }
    %scan3A_96 = arith.constant 32 : i32
    %get3A_97 = arith.constant 6 : i32
    %get3A_98 = arith.index_cast %get3A_97 : i32 to index
    %get3A_99 = arith.constant 0 : index
    %get3A_100 = tpu.vector_load %arg6[%get3A_98, %get3A_99] {strides = array<i32>} : memref<64x16xf32, #tpu.memory_space<vmem>>, vector<1x16xf32>,
    %get3A_101 = vector.shape_cast %get3A_100 : vector<1x16xf32> to vector<16xf32>
    %get3A_102 = arith.constant 6 : i32
    %get3A_103 = arith.index_cast %get3A_102 : i32 to index
    %get3A_104 = arith.constant 0 : index
    %get3A_105 = tpu.vector_load %arg7[%get3A_103, %get3A_104] {strides = array<i32>} : memref<64x16xf32, #tpu.memory_space<vmem>>, vector<1x16xf32>,
    %get3A_106 = vector.shape_cast %get3A_105 : vector<1x16xf32> to vector<16xf32>
    %scan3A_107 = arith.constant 0 : i32
    %scan3A_108 = arith.constant 0 : i32
    %scan3A_109 = arith.constant 32 : i32
    %scan3A_110 = arith.addi %scan3A_108, %scan3A_109 : i32
    %scan3A_111 = arith.constant 1 : i32
    scf.for %scan3A_1039 = %scan3A_108 to %scan3A_110 step %scan3A_111  : i32 {
      %mul3A_1040 = arith.constant 16 : i32
      %mul3A_1041 = arith.muli %scan3A_1039, %mul3A_1040 : i32
      %swap3A = arith.constant 6 : i32
      %swap3A_1042 = arith.index_cast %swap3A : i32 to index
      %swap3A_1043 = arith.index_cast %mul3A_1041 : i32 to index
      %swap3A_1044 = tpu.vector_load %arg8[%swap3A_1042, %swap3A_1043] {strides = array<i32>} : memref<64x512xf32, #tpu.memory_space<vmem>>, vector<1x16xf32>,
      %swap3A_1045 = vector.shape_cast %swap3A_1044 : vector<1x16xf32> to vector<16xf32>
      %swap3A_1046 = vector.shape_cast %get3A_101 : vector<16xf32> to vector<1x16xf32>
      tpu.vector_store %arg8[%swap3A_1042, %swap3A_1043], %swap3A_1046 {strides = array<i32>} : memref<64x512xf32, #tpu.memory_space<vmem>>, vector<1x16xf32>,
      %mul3A_1047 = arith.constant 16 : i32
      %mul3A_1048 = arith.muli %scan3A_1039, %mul3A_1047 : i32
      %swap3A_1049 = arith.constant 6 : i32
      %swap3A_1050 = arith.index_cast %swap3A_1049 : i32 to index
      %swap3A_1051 = arith.index_cast %mul3A_1048 : i32 to index
      %swap3A_1052 = tpu.vector_load %arg9[%swap3A_1050, %swap3A_1051] {strides = array<i32>} : memref<64x512xf32, #tpu.memory_space<vmem>>, vector<1x16xf32>,
      %swap3A_1053 = vector.shape_cast %swap3A_1052 : vector<1x16xf32> to vector<16xf32>
      %swap3A_1054 = vector.shape_cast %get3A_106 : vector<16xf32> to vector<1x16xf32>
      tpu.vector_store %arg9[%swap3A_1050, %swap3A_1051], %swap3A_1054 {strides = array<i32>} : memref<64x512xf32, #tpu.memory_space<vmem>>, vector<1x16xf32>,
    }
    %scan3A_112 = arith.constant 32 : i32
    %get3A_113 = arith.constant 7 : i32
    %get3A_114 = arith.index_cast %get3A_113 : i32 to index
    %get3A_115 = arith.constant 0 : index
    %get3A_116 = tpu.vector_load %arg6[%get3A_114, %get3A_115] {strides = array<i32>} : memref<64x16xf32, #tpu.memory_space<vmem>>, vector<1x16xf32>,
    %get3A_117 = vector.shape_cast %get3A_116 : vector<1x16xf32> to vector<16xf32>
    %get3A_118 = arith.constant 7 : i32
    %get3A_119 = arith.index_cast %get3A_118 : i32 to index
    %get3A_120 = arith.constant 0 : index
    %get3A_121 = tpu.vector_load %arg7[%get3A_119, %get3A_120] {strides = array<i32>} : memref<64x16xf32, #tpu.memory_space<vmem>>, vector<1x16xf32>,
    %get3A_122 = vector.shape_cast %get3A_121 : vector<1x16xf32> to vector<16xf32>
    %scan3A_123 = arith.constant 0 : i32
    %scan3A_124 = arith.constant 0 : i32
    %scan3A_125 = arith.constant 32 : i32
    %scan3A_126 = arith.addi %scan3A_124, %scan3A_125 : i32
    %scan3A_127 = arith.constant 1 : i32
    scf.for %scan3A_1039 = %scan3A_124 to %scan3A_126 step %scan3A_127  : i32 {
      %mul3A_1040 = arith.constant 16 : i32
      %mul3A_1041 = arith.muli %scan3A_1039, %mul3A_1040 : i32
      %swap3A = arith.constant 7 : i32
      %swap3A_1042 = arith.index_cast %swap3A : i32 to index
      %swap3A_1043 = arith.index_cast %mul3A_1041 : i32 to index
      %swap3A_1044 = tpu.vector_load %arg8[%swap3A_1042, %swap3A_1043] {strides = array<i32>} : memref<64x512xf32, #tpu.memory_space<vmem>>, vector<1x16xf32>,
      %swap3A_1045 = vector.shape_cast %swap3A_1044 : vector<1x16xf32> to vector<16xf32>
      %swap3A_1046 = vector.shape_cast %get3A_117 : vector<16xf32> to vector<1x16xf32>
      tpu.vector_store %arg8[%swap3A_1042, %swap3A_1043], %swap3A_1046 {strides = array<i32>} : memref<64x512xf32, #tpu.memory_space<vmem>>, vector<1x16xf32>,
      %mul3A_1047 = arith.constant 16 : i32
      %mul3A_1048 = arith.muli %scan3A_1039, %mul3A_1047 : i32
      %swap3A_1049 = arith.constant 7 : i32
      %swap3A_1050 = arith.index_cast %swap3A_1049 : i32 to index
      %swap3A_1051 = arith.index_cast %mul3A_1048 : i32 to index
      %swap3A_1052 = tpu.vector_load %arg9[%swap3A_1050, %swap3A_1051] {strides = array<i32>} : memref<64x512xf32, #tpu.memory_space<vmem>>, vector<1x16xf32>,
      %swap3A_1053 = vector.shape_cast %swap3A_1052 : vector<1x16xf32> to vector<16xf32>
      %swap3A_1054 = vector.shape_cast %get3A_122 : vector<16xf32> to vector<1x16xf32>
      tpu.vector_store %arg9[%swap3A_1050, %swap3A_1051], %swap3A_1054 {strides = array<i32>} : memref<64x512xf32, #tpu.memory_space<vmem>>, vector<1x16xf32>,
    }
    %scan3A_128 = arith.constant 32 : i32
    %get3A_129 = arith.constant 8 : i32
    %get3A_130 = arith.index_cast %get3A_129 : i32 to index
    %get3A_131 = arith.constant 0 : index
    %get3A_132 = tpu.vector_load %arg6[%get3A_130, %get3A_131] {strides = array<i32>} : memref<64x16xf32, #tpu.memory_space<vmem>>, vector<1x16xf32>,
    %get3A_133 = vector.shape_cast %get3A_132 : vector<1x16xf32> to vector<16xf32>
    %get3A_134 = arith.constant 8 : i32
    %get3A_135 = arith.index_cast %get3A_134 : i32 to index
    %get3A_136 = arith.constant 0 : index
    %get3A_137 = tpu.vector_load %arg7[%get3A_135, %get3A_136] {strides = array<i32>} : memref<64x16xf32, #tpu.memory_space<vmem>>, vector<1x16xf32>,
    %get3A_138 = vector.shape_cast %get3A_137 : vector<1x16xf32> to vector<16xf32>
    %scan3A_139 = arith.constant 0 : i32
    %scan3A_140 = arith.constant 0 : i32
    %scan3A_141 = arith.constant 32 : i32
    %scan3A_142 = arith.addi %scan3A_140, %scan3A_141 : i32
    %scan3A_143 = arith.constant 1 : i32
    scf.for %scan3A_1039 = %scan3A_140 to %scan3A_142 step %scan3A_143  : i32 {
      %mul3A_1040 = arith.constant 16 : i32
      %mul3A_1041 = arith.muli %scan3A_1039, %mul3A_1040 : i32
      %swap3A = arith.constant 8 : i32
      %swap3A_1042 = arith.index_cast %swap3A : i32 to index
      %swap3A_1043 = arith.index_cast %mul3A_1041 : i32 to index
      %swap3A_1044 = tpu.vector_load %arg8[%swap3A_1042, %swap3A_1043] {strides = array<i32>} : memref<64x512xf32, #tpu.memory_space<vmem>>, vector<1x16xf32>,
      %swap3A_1045 = vector.shape_cast %swap3A_1044 : vector<1x16xf32> to vector<16xf32>
      %swap3A_1046 = vector.shape_cast %get3A_133 : vector<16xf32> to vector<1x16xf32>
      tpu.vector_store %arg8[%swap3A_1042, %swap3A_1043], %swap3A_1046 {strides = array<i32>} : memref<64x512xf32, #tpu.memory_space<vmem>>, vector<1x16xf32>,
      %mul3A_1047 = arith.constant 16 : i32
      %mul3A_1048 = arith.muli %scan3A_1039, %mul3A_1047 : i32
      %swap3A_1049 = arith.constant 8 : i32
      %swap3A_1050 = arith.index_cast %swap3A_1049 : i32 to index
      %swap3A_1051 = arith.index_cast %mul3A_1048 : i32 to index
      %swap3A_1052 = tpu.vector_load %arg9[%swap3A_1050, %swap3A_1051] {strides = array<i32>} : memref<64x512xf32, #tpu.memory_space<vmem>>, vector<1x16xf32>,
      %swap3A_1053 = vector.shape_cast %swap3A_1052 : vector<1x16xf32> to vector<16xf32>
      %swap3A_1054 = vector.shape_cast %get3A_138 : vector<16xf32> to vector<1x16xf32>
      tpu.vector_store %arg9[%swap3A_1050, %swap3A_1051], %swap3A_1054 {strides = array<i32>} : memref<64x512xf32, #tpu.memory_space<vmem>>, vector<1x16xf32>,
    }
    %scan3A_144 = arith.constant 32 : i32
    %get3A_145 = arith.constant 9 : i32
    %get3A_146 = arith.index_cast %get3A_145 : i32 to index
    %get3A_147 = arith.constant 0 : index
    %get3A_148 = tpu.vector_load %arg6[%get3A_146, %get3A_147] {strides = array<i32>} : memref<64x16xf32, #tpu.memory_space<vmem>>, vector<1x16xf32>,
    %get3A_149 = vector.shape_cast %get3A_148 : vector<1x16xf32> to vector<16xf32>
    %get3A_150 = arith.constant 9 : i32
    %get3A_151 = arith.index_cast %get3A_150 : i32 to index
    %get3A_152 = arith.constant 0 : index
    %get3A_153 = tpu.vector_load %arg7[%get3A_151, %get3A_152] {strides = array<i32>} : memref<64x16xf32, #tpu.memory_space<vmem>>, vector<1x16xf32>,
    %get3A_154 = vector.shape_cast %get3A_153 : vector<1x16xf32> to vector<16xf32>
    %scan3A_155 = arith.constant 0 : i32
    %scan3A_156 = arith.constant 0 : i32
    %scan3A_157 = arith.constant 32 : i32
    %scan3A_158 = arith.addi %scan3A_156, %scan3A_157 : i32
    %scan3A_159 = arith.constant 1 : i32
    scf.for %scan3A_1039 = %scan3A_156 to %scan3A_158 step %scan3A_159  : i32 {
      %mul3A_1040 = arith.constant 16 : i32
      %mul3A_1041 = arith.muli %scan3A_1039, %mul3A_1040 : i32
      %swap3A = arith.constant 9 : i32
      %swap3A_1042 = arith.index_cast %swap3A : i32 to index
      %swap3A_1043 = arith.index_cast %mul3A_1041 : i32 to index
      %swap3A_1044 = tpu.vector_load %arg8[%swap3A_1042, %swap3A_1043] {strides = array<i32>} : memref<64x512xf32, #tpu.memory_space<vmem>>, vector<1x16xf32>,
      %swap3A_1045 = vector.shape_cast %swap3A_1044 : vector<1x16xf32> to vector<16xf32>
      %swap3A_1046 = vector.shape_cast %get3A_149 : vector<16xf32> to vector<1x16xf32>
      tpu.vector_store %arg8[%swap3A_1042, %swap3A_1043], %swap3A_1046 {strides = array<i32>} : memref<64x512xf32, #tpu.memory_space<vmem>>, vector<1x16xf32>,
      %mul3A_1047 = arith.constant 16 : i32
      %mul3A_1048 = arith.muli %scan3A_1039, %mul3A_1047 : i32
      %swap3A_1049 = arith.constant 9 : i32
      %swap3A_1050 = arith.index_cast %swap3A_1049 : i32 to index
      %swap3A_1051 = arith.index_cast %mul3A_1048 : i32 to index
      %swap3A_1052 = tpu.vector_load %arg9[%swap3A_1050, %swap3A_1051] {strides = array<i32>} : memref<64x512xf32, #tpu.memory_space<vmem>>, vector<1x16xf32>,
      %swap3A_1053 = vector.shape_cast %swap3A_1052 : vector<1x16xf32> to vector<16xf32>
      %swap3A_1054 = vector.shape_cast %get3A_154 : vector<16xf32> to vector<1x16xf32>
      tpu.vector_store %arg9[%swap3A_1050, %swap3A_1051], %swap3A_1054 {strides = array<i32>} : memref<64x512xf32, #tpu.memory_space<vmem>>, vector<1x16xf32>,
    }
    %scan3A_160 = arith.constant 32 : i32
    %get3A_161 = arith.constant 10 : i32
    %get3A_162 = arith.index_cast %get3A_161 : i32 to index
    %get3A_163 = arith.constant 0 : index
    %get3A_164 = tpu.vector_load %arg6[%get3A_162, %get3A_163] {strides = array<i32>} : memref<64x16xf32, #tpu.memory_space<vmem>>, vector<1x16xf32>,
    %get3A_165 = vector.shape_cast %get3A_164 : vector<1x16xf32> to vector<16xf32>
    %get3A_166 = arith.constant 10 : i32
    %get3A_167 = arith.index_cast %get3A_166 : i32 to index
    %get3A_168 = arith.constant 0 : index
    %get3A_169 = tpu.vector_load %arg7[%get3A_167, %get3A_168] {strides = array<i32>} : memref<64x16xf32, #tpu.memory_space<vmem>>, vector<1x16xf32>,
    %get3A_170 = vector.shape_cast %get3A_169 : vector<1x16xf32> to vector<16xf32>
    %scan3A_171 = arith.constant 0 : i32
    %scan3A_172 = arith.constant 0 : i32
    %scan3A_173 = arith.constant 32 : i32
    %scan3A_174 = arith.addi %scan3A_172, %scan3A_173 : i32
    %scan3A_175 = arith.constant 1 : i32
    scf.for %scan3A_1039 = %scan3A_172 to %scan3A_174 step %scan3A_175  : i32 {
      %mul3A_1040 = arith.constant 16 : i32
      %mul3A_1041 = arith.muli %scan3A_1039, %mul3A_1040 : i32
      %swap3A = arith.constant 10 : i32
      %swap3A_1042 = arith.index_cast %swap3A : i32 to index
      %swap3A_1043 = arith.index_cast %mul3A_1041 : i32 to index
      %swap3A_1044 = tpu.vector_load %arg8[%swap3A_1042, %swap3A_1043] {strides = array<i32>} : memref<64x512xf32, #tpu.memory_space<vmem>>, vector<1x16xf32>,
      %swap3A_1045 = vector.shape_cast %swap3A_1044 : vector<1x16xf32> to vector<16xf32>
      %swap3A_1046 = vector.shape_cast %get3A_165 : vector<16xf32> to vector<1x16xf32>
      tpu.vector_store %arg8[%swap3A_1042, %swap3A_1043], %swap3A_1046 {strides = array<i32>} : memref<64x512xf32, #tpu.memory_space<vmem>>, vector<1x16xf32>,
      %mul3A_1047 = arith.constant 16 : i32
      %mul3A_1048 = arith.muli %scan3A_1039, %mul3A_1047 : i32
      %swap3A_1049 = arith.constant 10 : i32
      %swap3A_1050 = arith.index_cast %swap3A_1049 : i32 to index
      %swap3A_1051 = arith.index_cast %mul3A_1048 : i32 to index
      %swap3A_1052 = tpu.vector_load %arg9[%swap3A_1050, %swap3A_1051] {strides = array<i32>} : memref<64x512xf32, #tpu.memory_space<vmem>>, vector<1x16xf32>,
      %swap3A_1053 = vector.shape_cast %swap3A_1052 : vector<1x16xf32> to vector<16xf32>
      %swap3A_1054 = vector.shape_cast %get3A_170 : vector<16xf32> to vector<1x16xf32>
      tpu.vector_store %arg9[%swap3A_1050, %swap3A_1051], %swap3A_1054 {strides = array<i32>} : memref<64x512xf32, #tpu.memory_space<vmem>>, vector<1x16xf32>,
    }
    %scan3A_176 = arith.constant 32 : i32
    %get3A_177 = arith.constant 11 : i32
    %get3A_178 = arith.index_cast %get3A_177 : i32 to index
    %get3A_179 = arith.constant 0 : index
    %get3A_180 = tpu.vector_load %arg6[%get3A_178, %get3A_179] {strides = array<i32>} : memref<64x16xf32, #tpu.memory_space<vmem>>, vector<1x16xf32>,
    %get3A_181 = vector.shape_cast %get3A_180 : vector<1x16xf32> to vector<16xf32>
    %get3A_182 = arith.constant 11 : i32
    %get3A_183 = arith.index_cast %get3A_182 : i32 to index
    %get3A_184 = arith.constant 0 : index
    %get3A_185 = tpu.vector_load %arg7[%get3A_183, %get3A_184] {strides = array<i32>} : memref<64x16xf32, #tpu.memory_space<vmem>>, vector<1x16xf32>,
    %get3A_186 = vector.shape_cast %get3A_185 : vector<1x16xf32> to vector<16xf32>
    %scan3A_187 = arith.constant 0 : i32
    %scan3A_188 = arith.constant 0 : i32
    %scan3A_189 = arith.constant 32 : i32
    %scan3A_190 = arith.addi %scan3A_188, %scan3A_189 : i32
    %scan3A_191 = arith.constant 1 : i32
    scf.for %scan3A_1039 = %scan3A_188 to %scan3A_190 step %scan3A_191  : i32 {
      %mul3A_1040 = arith.constant 16 : i32
      %mul3A_1041 = arith.muli %scan3A_1039, %mul3A_1040 : i32
      %swap3A = arith.constant 11 : i32
      %swap3A_1042 = arith.index_cast %swap3A : i32 to index
      %swap3A_1043 = arith.index_cast %mul3A_1041 : i32 to index
      %swap3A_1044 = tpu.vector_load %arg8[%swap3A_1042, %swap3A_1043] {strides = array<i32>} : memref<64x512xf32, #tpu.memory_space<vmem>>, vector<1x16xf32>,
      %swap3A_1045 = vector.shape_cast %swap3A_1044 : vector<1x16xf32> to vector<16xf32>
      %swap3A_1046 = vector.shape_cast %get3A_181 : vector<16xf32> to vector<1x16xf32>
      tpu.vector_store %arg8[%swap3A_1042, %swap3A_1043], %swap3A_1046 {strides = array<i32>} : memref<64x512xf32, #tpu.memory_space<vmem>>, vector<1x16xf32>,
      %mul3A_1047 = arith.constant 16 : i32
      %mul3A_1048 = arith.muli %scan3A_1039, %mul3A_1047 : i32
      %swap3A_1049 = arith.constant 11 : i32
      %swap3A_1050 = arith.index_cast %swap3A_1049 : i32 to index
      %swap3A_1051 = arith.index_cast %mul3A_1048 : i32 to index
      %swap3A_1052 = tpu.vector_load %arg9[%swap3A_1050, %swap3A_1051] {strides = array<i32>} : memref<64x512xf32, #tpu.memory_space<vmem>>, vector<1x16xf32>,
      %swap3A_1053 = vector.shape_cast %swap3A_1052 : vector<1x16xf32> to vector<16xf32>
      %swap3A_1054 = vector.shape_cast %get3A_186 : vector<16xf32> to vector<1x16xf32>
      tpu.vector_store %arg9[%swap3A_1050, %swap3A_1051], %swap3A_1054 {strides = array<i32>} : memref<64x512xf32, #tpu.memory_space<vmem>>, vector<1x16xf32>,
    }
    %scan3A_192 = arith.constant 32 : i32
    %get3A_193 = arith.constant 12 : i32
    %get3A_194 = arith.index_cast %get3A_193 : i32 to index
    %get3A_195 = arith.constant 0 : index
    %get3A_196 = tpu.vector_load %arg6[%get3A_194, %get3A_195] {strides = array<i32>} : memref<64x16xf32, #tpu.memory_space<vmem>>, vector<1x16xf32>,
    %get3A_197 = vector.shape_cast %get3A_196 : vector<1x16xf32> to vector<16xf32>
    %get3A_198 = arith.constant 12 : i32
    %get3A_199 = arith.index_cast %get3A_198 : i32 to index
    %get3A_200 = arith.constant 0 : index
    %get3A_201 = tpu.vector_load %arg7[%get3A_199, %get3A_200] {strides = array<i32>} : memref<64x16xf32, #tpu.memory_space<vmem>>, vector<1x16xf32>,
    %get3A_202 = vector.shape_cast %get3A_201 : vector<1x16xf32> to vector<16xf32>
    %scan3A_203 = arith.constant 0 : i32
    %scan3A_204 = arith.constant 0 : i32
    %scan3A_205 = arith.constant 32 : i32
    %scan3A_206 = arith.addi %scan3A_204, %scan3A_205 : i32
    %scan3A_207 = arith.constant 1 : i32
    scf.for %scan3A_1039 = %scan3A_204 to %scan3A_206 step %scan3A_207  : i32 {
      %mul3A_1040 = arith.constant 16 : i32
      %mul3A_1041 = arith.muli %scan3A_1039, %mul3A_1040 : i32
      %swap3A = arith.constant 12 : i32
      %swap3A_1042 = arith.index_cast %swap3A : i32 to index
      %swap3A_1043 = arith.index_cast %mul3A_1041 : i32 to index
      %swap3A_1044 = tpu.vector_load %arg8[%swap3A_1042, %swap3A_1043] {strides = array<i32>} : memref<64x512xf32, #tpu.memory_space<vmem>>, vector<1x16xf32>,
      %swap3A_1045 = vector.shape_cast %swap3A_1044 : vector<1x16xf32> to vector<16xf32>
      %swap3A_1046 = vector.shape_cast %get3A_197 : vector<16xf32> to vector<1x16xf32>
      tpu.vector_store %arg8[%swap3A_1042, %swap3A_1043], %swap3A_1046 {strides = array<i32>} : memref<64x512xf32, #tpu.memory_space<vmem>>, vector<1x16xf32>,
      %mul3A_1047 = arith.constant 16 : i32
      %mul3A_1048 = arith.muli %scan3A_1039, %mul3A_1047 : i32
      %swap3A_1049 = arith.constant 12 : i32
      %swap3A_1050 = arith.index_cast %swap3A_1049 : i32 to index
      %swap3A_1051 = arith.index_cast %mul3A_1048 : i32 to index
      %swap3A_1052 = tpu.vector_load %arg9[%swap3A_1050, %swap3A_1051] {strides = array<i32>} : memref<64x512xf32, #tpu.memory_space<vmem>>, vector<1x16xf32>,
      %swap3A_1053 = vector.shape_cast %swap3A_1052 : vector<1x16xf32> to vector<16xf32>
      %swap3A_1054 = vector.shape_cast %get3A_202 : vector<16xf32> to vector<1x16xf32>
      tpu.vector_store %arg9[%swap3A_1050, %swap3A_1051], %swap3A_1054 {strides = array<i32>} : memref<64x512xf32, #tpu.memory_space<vmem>>, vector<1x16xf32>,
    }
    %scan3A_208 = arith.constant 32 : i32
    %get3A_209 = arith.constant 13 : i32
    %get3A_210 = arith.index_cast %get3A_209 : i32 to index
    %get3A_211 = arith.constant 0 : index
    %get3A_212 = tpu.vector_load %arg6[%get3A_210, %get3A_211] {strides = array<i32>} : memref<64x16xf32, #tpu.memory_space<vmem>>, vector<1x16xf32>,
    %get3A_213 = vector.shape_cast %get3A_212 : vector<1x16xf32> to vector<16xf32>
    %get3A_214 = arith.constant 13 : i32
    %get3A_215 = arith.index_cast %get3A_214 : i32 to index
    %get3A_216 = arith.constant 0 : index
    %get3A_217 = tpu.vector_load %arg7[%get3A_215, %get3A_216] {strides = array<i32>} : memref<64x16xf32, #tpu.memory_space<vmem>>, vector<1x16xf32>,
    %get3A_218 = vector.shape_cast %get3A_217 : vector<1x16xf32> to vector<16xf32>
    %scan3A_219 = arith.constant 0 : i32
    %scan3A_220 = arith.constant 0 : i32
    %scan3A_221 = arith.constant 32 : i32
    %scan3A_222 = arith.addi %scan3A_220, %scan3A_221 : i32
    %scan3A_223 = arith.constant 1 : i32
    scf.for %scan3A_1039 = %scan3A_220 to %scan3A_222 step %scan3A_223  : i32 {
      %mul3A_1040 = arith.constant 16 : i32
      %mul3A_1041 = arith.muli %scan3A_1039, %mul3A_1040 : i32
      %swap3A = arith.constant 13 : i32
      %swap3A_1042 = arith.index_cast %swap3A : i32 to index
      %swap3A_1043 = arith.index_cast %mul3A_1041 : i32 to index
      %swap3A_1044 = tpu.vector_load %arg8[%swap3A_1042, %swap3A_1043] {strides = array<i32>} : memref<64x512xf32, #tpu.memory_space<vmem>>, vector<1x16xf32>,
      %swap3A_1045 = vector.shape_cast %swap3A_1044 : vector<1x16xf32> to vector<16xf32>
      %swap3A_1046 = vector.shape_cast %get3A_213 : vector<16xf32> to vector<1x16xf32>
      tpu.vector_store %arg8[%swap3A_1042, %swap3A_1043], %swap3A_1046 {strides = array<i32>} : memref<64x512xf32, #tpu.memory_space<vmem>>, vector<1x16xf32>,
      %mul3A_1047 = arith.constant 16 : i32
      %mul3A_1048 = arith.muli %scan3A_1039, %mul3A_1047 : i32
      %swap3A_1049 = arith.constant 13 : i32
      %swap3A_1050 = arith.index_cast %swap3A_1049 : i32 to index
      %swap3A_1051 = arith.index_cast %mul3A_1048 : i32 to index
      %swap3A_1052 = tpu.vector_load %arg9[%swap3A_1050, %swap3A_1051] {strides = array<i32>} : memref<64x512xf32, #tpu.memory_space<vmem>>, vector<1x16xf32>,
      %swap3A_1053 = vector.shape_cast %swap3A_1052 : vector<1x16xf32> to vector<16xf32>
      %swap3A_1054 = vector.shape_cast %get3A_218 : vector<16xf32> to vector<1x16xf32>
      tpu.vector_store %arg9[%swap3A_1050, %swap3A_1051], %swap3A_1054 {strides = array<i32>} : memref<64x512xf32, #tpu.memory_space<vmem>>, vector<1x16xf32>,
    }
    %scan3A_224 = arith.constant 32 : i32
    %get3A_225 = arith.constant 14 : i32
    %get3A_226 = arith.index_cast %get3A_225 : i32 to index
    %get3A_227 = arith.constant 0 : index
    %get3A_228 = tpu.vector_load %arg6[%get3A_226, %get3A_227] {strides = array<i32>} : memref<64x16xf32, #tpu.memory_space<vmem>>, vector<1x16xf32>,
    %get3A_229 = vector.shape_cast %get3A_228 : vector<1x16xf32> to vector<16xf32>
    %get3A_230 = arith.constant 14 : i32
    %get3A_231 = arith.index_cast %get3A_230 : i32 to index
    %get3A_232 = arith.constant 0 : index
    %get3A_233 = tpu.vector_load %arg7[%get3A_231, %get3A_232] {strides = array<i32>} : memref<64x16xf32, #tpu.memory_space<vmem>>, vector<1x16xf32>,
    %get3A_234 = vector.shape_cast %get3A_233 : vector<1x16xf32> to vector<16xf32>
    %scan3A_235 = arith.constant 0 : i32
    %scan3A_236 = arith.constant 0 : i32
    %scan3A_237 = arith.constant 32 : i32
    %scan3A_238 = arith.addi %scan3A_236, %scan3A_237 : i32
    %scan3A_239 = arith.constant 1 : i32
    scf.for %scan3A_1039 = %scan3A_236 to %scan3A_238 step %scan3A_239  : i32 {
      %mul3A_1040 = arith.constant 16 : i32
      %mul3A_1041 = arith.muli %scan3A_1039, %mul3A_1040 : i32
      %swap3A = arith.constant 14 : i32
      %swap3A_1042 = arith.index_cast %swap3A : i32 to index
      %swap3A_1043 = arith.index_cast %mul3A_1041 : i32 to index
      %swap3A_1044 = tpu.vector_load %arg8[%swap3A_1042, %swap3A_1043] {strides = array<i32>} : memref<64x512xf32, #tpu.memory_space<vmem>>, vector<1x16xf32>,
      %swap3A_1045 = vector.shape_cast %swap3A_1044 : vector<1x16xf32> to vector<16xf32>
      %swap3A_1046 = vector.shape_cast %get3A_229 : vector<16xf32> to vector<1x16xf32>
      tpu.vector_store %arg8[%swap3A_1042, %swap3A_1043], %swap3A_1046 {strides = array<i32>} : memref<64x512xf32, #tpu.memory_space<vmem>>, vector<1x16xf32>,
      %mul3A_1047 = arith.constant 16 : i32
      %mul3A_1048 = arith.muli %scan3A_1039, %mul3A_1047 : i32
      %swap3A_1049 = arith.constant 14 : i32
      %swap3A_1050 = arith.index_cast %swap3A_1049 : i32 to index
      %swap3A_1051 = arith.index_cast %mul3A_1048 : i32 to index
      %swap3A_1052 = tpu.vector_load %arg9[%swap3A_1050, %swap3A_1051] {strides = array<i32>} : memref<64x512xf32, #tpu.memory_space<vmem>>, vector<1x16xf32>,
      %swap3A_1053 = vector.shape_cast %swap3A_1052 : vector<1x16xf32> to vector<16xf32>
      %swap3A_1054 = vector.shape_cast %get3A_234 : vector<16xf32> to vector<1x16xf32>
      tpu.vector_store %arg9[%swap3A_1050, %swap3A_1051], %swap3A_1054 {strides = array<i32>} : memref<64x512xf32, #tpu.memory_space<vmem>>, vector<1x16xf32>,
    }
    %scan3A_240 = arith.constant 32 : i32
    %get3A_241 = arith.constant 15 : i32
    %get3A_242 = arith.index_cast %get3A_241 : i32 to index
    %get3A_243 = arith.constant 0 : index
    %get3A_244 = tpu.vector_load %arg6[%get3A_242, %get3A_243] {strides = array<i32>} : memref<64x16xf32, #tpu.memory_space<vmem>>, vector<1x16xf32>,
    %get3A_245 = vector.shape_cast %get3A_244 : vector<1x16xf32> to vector<16xf32>
    %get3A_246 = arith.constant 15 : i32
    %get3A_247 = arith.index_cast %get3A_246 : i32 to index
    %get3A_248 = arith.constant 0 : index
    %get3A_249 = tpu.vector_load %arg7[%get3A_247, %get3A_248] {strides = array<i32>} : memref<64x16xf32, #tpu.memory_space<vmem>>, vector<1x16xf32>,
    %get3A_250 = vector.shape_cast %get3A_249 : vector<1x16xf32> to vector<16xf32>
    %scan3A_251 = arith.constant 0 : i32
    %scan3A_252 = arith.constant 0 : i32
    %scan3A_253 = arith.constant 32 : i32
    %scan3A_254 = arith.addi %scan3A_252, %scan3A_253 : i32
    %scan3A_255 = arith.constant 1 : i32
    scf.for %scan3A_1039 = %scan3A_252 to %scan3A_254 step %scan3A_255  : i32 {
      %mul3A_1040 = arith.constant 16 : i32
      %mul3A_1041 = arith.muli %scan3A_1039, %mul3A_1040 : i32
      %swap3A = arith.constant 15 : i32
      %swap3A_1042 = arith.index_cast %swap3A : i32 to index
      %swap3A_1043 = arith.index_cast %mul3A_1041 : i32 to index
      %swap3A_1044 = tpu.vector_load %arg8[%swap3A_1042, %swap3A_1043] {strides = array<i32>} : memref<64x512xf32, #tpu.memory_space<vmem>>, vector<1x16xf32>,
      %swap3A_1045 = vector.shape_cast %swap3A_1044 : vector<1x16xf32> to vector<16xf32>
      %swap3A_1046 = vector.shape_cast %get3A_245 : vector<16xf32> to vector<1x16xf32>
      tpu.vector_store %arg8[%swap3A_1042, %swap3A_1043], %swap3A_1046 {strides = array<i32>} : memref<64x512xf32, #tpu.memory_space<vmem>>, vector<1x16xf32>,
      %mul3A_1047 = arith.constant 16 : i32
      %mul3A_1048 = arith.muli %scan3A_1039, %mul3A_1047 : i32
      %swap3A_1049 = arith.constant 15 : i32
      %swap3A_1050 = arith.index_cast %swap3A_1049 : i32 to index
      %swap3A_1051 = arith.index_cast %mul3A_1048 : i32 to index
      %swap3A_1052 = tpu.vector_load %arg9[%swap3A_1050, %swap3A_1051] {strides = array<i32>} : memref<64x512xf32, #tpu.memory_space<vmem>>, vector<1x16xf32>,
      %swap3A_1053 = vector.shape_cast %swap3A_1052 : vector<1x16xf32> to vector<16xf32>
      %swap3A_1054 = vector.shape_cast %get3A_250 : vector<16xf32> to vector<1x16xf32>
      tpu.vector_store %arg9[%swap3A_1050, %swap3A_1051], %swap3A_1054 {strides = array<i32>} : memref<64x512xf32, #tpu.memory_space<vmem>>, vector<1x16xf32>,
    }
    %scan3A_256 = arith.constant 32 : i32
    %get3A_257 = arith.constant 16 : i32
    %get3A_258 = arith.index_cast %get3A_257 : i32 to index
    %get3A_259 = arith.constant 0 : index
    %get3A_260 = tpu.vector_load %arg6[%get3A_258, %get3A_259] {strides = array<i32>} : memref<64x16xf32, #tpu.memory_space<vmem>>, vector<1x16xf32>,
    %get3A_261 = vector.shape_cast %get3A_260 : vector<1x16xf32> to vector<16xf32>
    %get3A_262 = arith.constant 16 : i32
    %get3A_263 = arith.index_cast %get3A_262 : i32 to index
    %get3A_264 = arith.constant 0 : index
    %get3A_265 = tpu.vector_load %arg7[%get3A_263, %get3A_264] {strides = array<i32>} : memref<64x16xf32, #tpu.memory_space<vmem>>, vector<1x16xf32>,
    %get3A_266 = vector.shape_cast %get3A_265 : vector<1x16xf32> to vector<16xf32>
    %scan3A_267 = arith.constant 0 : i32
    %scan3A_268 = arith.constant 0 : i32
    %scan3A_269 = arith.constant 32 : i32
    %scan3A_270 = arith.addi %scan3A_268, %scan3A_269 : i32
    %scan3A_271 = arith.constant 1 : i32
    scf.for %scan3A_1039 = %scan3A_268 to %scan3A_270 step %scan3A_271  : i32 {
      %mul3A_1040 = arith.constant 16 : i32
      %mul3A_1041 = arith.muli %scan3A_1039, %mul3A_1040 : i32
      %swap3A = arith.constant 16 : i32
      %swap3A_1042 = arith.index_cast %swap3A : i32 to index
      %swap3A_1043 = arith.index_cast %mul3A_1041 : i32 to index
      %swap3A_1044 = tpu.vector_load %arg8[%swap3A_1042, %swap3A_1043] {strides = array<i32>} : memref<64x512xf32, #tpu.memory_space<vmem>>, vector<1x16xf32>,
      %swap3A_1045 = vector.shape_cast %swap3A_1044 : vector<1x16xf32> to vector<16xf32>
      %swap3A_1046 = vector.shape_cast %get3A_261 : vector<16xf32> to vector<1x16xf32>
      tpu.vector_store %arg8[%swap3A_1042, %swap3A_1043], %swap3A_1046 {strides = array<i32>} : memref<64x512xf32, #tpu.memory_space<vmem>>, vector<1x16xf32>,
      %mul3A_1047 = arith.constant 16 : i32
      %mul3A_1048 = arith.muli %scan3A_1039, %mul3A_1047 : i32
      %swap3A_1049 = arith.constant 16 : i32
      %swap3A_1050 = arith.index_cast %swap3A_1049 : i32 to index
      %swap3A_1051 = arith.index_cast %mul3A_1048 : i32 to index
      %swap3A_1052 = tpu.vector_load %arg9[%swap3A_1050, %swap3A_1051] {strides = array<i32>} : memref<64x512xf32, #tpu.memory_space<vmem>>, vector<1x16xf32>,
      %swap3A_1053 = vector.shape_cast %swap3A_1052 : vector<1x16xf32> to vector<16xf32>
      %swap3A_1054 = vector.shape_cast %get3A_266 : vector<16xf32> to vector<1x16xf32>
      tpu.vector_store %arg9[%swap3A_1050, %swap3A_1051], %swap3A_1054 {strides = array<i32>} : memref<64x512xf32, #tpu.memory_space<vmem>>, vector<1x16xf32>,
    }
    %scan3A_272 = arith.constant 32 : i32
    %get3A_273 = arith.constant 17 : i32
    %get3A_274 = arith.index_cast %get3A_273 : i32 to index
    %get3A_275 = arith.constant 0 : index
    %get3A_276 = tpu.vector_load %arg6[%get3A_274, %get3A_275] {strides = array<i32>} : memref<64x16xf32, #tpu.memory_space<vmem>>, vector<1x16xf32>,
    %get3A_277 = vector.shape_cast %get3A_276 : vector<1x16xf32> to vector<16xf32>
    %get3A_278 = arith.constant 17 : i32
    %get3A_279 = arith.index_cast %get3A_278 : i32 to index
    %get3A_280 = arith.constant 0 : index
    %get3A_281 = tpu.vector_load %arg7[%get3A_279, %get3A_280] {strides = array<i32>} : memref<64x16xf32, #tpu.memory_space<vmem>>, vector<1x16xf32>,
    %get3A_282 = vector.shape_cast %get3A_281 : vector<1x16xf32> to vector<16xf32>
    %scan3A_283 = arith.constant 0 : i32
    %scan3A_284 = arith.constant 0 : i32
    %scan3A_285 = arith.constant 32 : i32
    %scan3A_286 = arith.addi %scan3A_284, %scan3A_285 : i32
    %scan3A_287 = arith.constant 1 : i32
    scf.for %scan3A_1039 = %scan3A_284 to %scan3A_286 step %scan3A_287  : i32 {
      %mul3A_1040 = arith.constant 16 : i32
      %mul3A_1041 = arith.muli %scan3A_1039, %mul3A_1040 : i32
      %swap3A = arith.constant 17 : i32
      %swap3A_1042 = arith.index_cast %swap3A : i32 to index
      %swap3A_1043 = arith.index_cast %mul3A_1041 : i32 to index
      %swap3A_1044 = tpu.vector_load %arg8[%swap3A_1042, %swap3A_1043] {strides = array<i32>} : memref<64x512xf32, #tpu.memory_space<vmem>>, vector<1x16xf32>,
      %swap3A_1045 = vector.shape_cast %swap3A_1044 : vector<1x16xf32> to vector<16xf32>
      %swap3A_1046 = vector.shape_cast %get3A_277 : vector<16xf32> to vector<1x16xf32>
      tpu.vector_store %arg8[%swap3A_1042, %swap3A_1043], %swap3A_1046 {strides = array<i32>} : memref<64x512xf32, #tpu.memory_space<vmem>>, vector<1x16xf32>,
      %mul3A_1047 = arith.constant 16 : i32
      %mul3A_1048 = arith.muli %scan3A_1039, %mul3A_1047 : i32
      %swap3A_1049 = arith.constant 17 : i32
      %swap3A_1050 = arith.index_cast %swap3A_1049 : i32 to index
      %swap3A_1051 = arith.index_cast %mul3A_1048 : i32 to index
      %swap3A_1052 = tpu.vector_load %arg9[%swap3A_1050, %swap3A_1051] {strides = array<i32>} : memref<64x512xf32, #tpu.memory_space<vmem>>, vector<1x16xf32>,
      %swap3A_1053 = vector.shape_cast %swap3A_1052 : vector<1x16xf32> to vector<16xf32>
      %swap3A_1054 = vector.shape_cast %get3A_282 : vector<16xf32> to vector<1x16xf32>
      tpu.vector_store %arg9[%swap3A_1050, %swap3A_1051], %swap3A_1054 {strides = array<i32>} : memref<64x512xf32, #tpu.memory_space<vmem>>, vector<1x16xf32>,
    }
    %scan3A_288 = arith.constant 32 : i32
    %get3A_289 = arith.constant 18 : i32
    %get3A_290 = arith.index_cast %get3A_289 : i32 to index
    %get3A_291 = arith.constant 0 : index
    %get3A_292 = tpu.vector_load %arg6[%get3A_290, %get3A_291] {strides = array<i32>} : memref<64x16xf32, #tpu.memory_space<vmem>>, vector<1x16xf32>,
    %get3A_293 = vector.shape_cast %get3A_292 : vector<1x16xf32> to vector<16xf32>
    %get3A_294 = arith.constant 18 : i32
    %get3A_295 = arith.index_cast %get3A_294 : i32 to index
    %get3A_296 = arith.constant 0 : index
    %get3A_297 = tpu.vector_load %arg7[%get3A_295, %get3A_296] {strides = array<i32>} : memref<64x16xf32, #tpu.memory_space<vmem>>, vector<1x16xf32>,
    %get3A_298 = vector.shape_cast %get3A_297 : vector<1x16xf32> to vector<16xf32>
    %scan3A_299 = arith.constant 0 : i32
    %scan3A_300 = arith.constant 0 : i32
    %scan3A_301 = arith.constant 32 : i32
    %scan3A_302 = arith.addi %scan3A_300, %scan3A_301 : i32
    %scan3A_303 = arith.constant 1 : i32
    scf.for %scan3A_1039 = %scan3A_300 to %scan3A_302 step %scan3A_303  : i32 {
      %mul3A_1040 = arith.constant 16 : i32
      %mul3A_1041 = arith.muli %scan3A_1039, %mul3A_1040 : i32
      %swap3A = arith.constant 18 : i32
      %swap3A_1042 = arith.index_cast %swap3A : i32 to index
      %swap3A_1043 = arith.index_cast %mul3A_1041 : i32 to index
      %swap3A_1044 = tpu.vector_load %arg8[%swap3A_1042, %swap3A_1043] {strides = array<i32>} : memref<64x512xf32, #tpu.memory_space<vmem>>, vector<1x16xf32>,
      %swap3A_1045 = vector.shape_cast %swap3A_1044 : vector<1x16xf32> to vector<16xf32>
      %swap3A_1046 = vector.shape_cast %get3A_293 : vector<16xf32> to vector<1x16xf32>
      tpu.vector_store %arg8[%swap3A_1042, %swap3A_1043], %swap3A_1046 {strides = array<i32>} : memref<64x512xf32, #tpu.memory_space<vmem>>, vector<1x16xf32>,
      %mul3A_1047 = arith.constant 16 : i32
      %mul3A_1048 = arith.muli %scan3A_1039, %mul3A_1047 : i32
      %swap3A_1049 = arith.constant 18 : i32
      %swap3A_1050 = arith.index_cast %swap3A_1049 : i32 to index
      %swap3A_1051 = arith.index_cast %mul3A_1048 : i32 to index
      %swap3A_1052 = tpu.vector_load %arg9[%swap3A_1050, %swap3A_1051] {strides = array<i32>} : memref<64x512xf32, #tpu.memory_space<vmem>>, vector<1x16xf32>,
      %swap3A_1053 = vector.shape_cast %swap3A_1052 : vector<1x16xf32> to vector<16xf32>
      %swap3A_1054 = vector.shape_cast %get3A_298 : vector<16xf32> to vector<1x16xf32>
      tpu.vector_store %arg9[%swap3A_1050, %swap3A_1051], %swap3A_1054 {strides = array<i32>} : memref<64x512xf32, #tpu.memory_space<vmem>>, vector<1x16xf32>,
    }
    %scan3A_304 = arith.constant 32 : i32
    %get3A_305 = arith.constant 19 : i32
    %get3A_306 = arith.index_cast %get3A_305 : i32 to index
    %get3A_307 = arith.constant 0 : index
    %get3A_308 = tpu.vector_load %arg6[%get3A_306, %get3A_307] {strides = array<i32>} : memref<64x16xf32, #tpu.memory_space<vmem>>, vector<1x16xf32>,
    %get3A_309 = vector.shape_cast %get3A_308 : vector<1x16xf32> to vector<16xf32>
    %get3A_310 = arith.constant 19 : i32
    %get3A_311 = arith.index_cast %get3A_310 : i32 to index
    %get3A_312 = arith.constant 0 : index
    %get3A_313 = tpu.vector_load %arg7[%get3A_311, %get3A_312] {strides = array<i32>} : memref<64x16xf32, #tpu.memory_space<vmem>>, vector<1x16xf32>,
    %get3A_314 = vector.shape_cast %get3A_313 : vector<1x16xf32> to vector<16xf32>
    %scan3A_315 = arith.constant 0 : i32
    %scan3A_316 = arith.constant 0 : i32
    %scan3A_317 = arith.constant 32 : i32
    %scan3A_318 = arith.addi %scan3A_316, %scan3A_317 : i32
    %scan3A_319 = arith.constant 1 : i32
    scf.for %scan3A_1039 = %scan3A_316 to %scan3A_318 step %scan3A_319  : i32 {
      %mul3A_1040 = arith.constant 16 : i32
      %mul3A_1041 = arith.muli %scan3A_1039, %mul3A_1040 : i32
      %swap3A = arith.constant 19 : i32
      %swap3A_1042 = arith.index_cast %swap3A : i32 to index
      %swap3A_1043 = arith.index_cast %mul3A_1041 : i32 to index
      %swap3A_1044 = tpu.vector_load %arg8[%swap3A_1042, %swap3A_1043] {strides = array<i32>} : memref<64x512xf32, #tpu.memory_space<vmem>>, vector<1x16xf32>,
      %swap3A_1045 = vector.shape_cast %swap3A_1044 : vector<1x16xf32> to vector<16xf32>
      %swap3A_1046 = vector.shape_cast %get3A_309 : vector<16xf32> to vector<1x16xf32>
      tpu.vector_store %arg8[%swap3A_1042, %swap3A_1043], %swap3A_1046 {strides = array<i32>} : memref<64x512xf32, #tpu.memory_space<vmem>>, vector<1x16xf32>,
      %mul3A_1047 = arith.constant 16 : i32
      %mul3A_1048 = arith.muli %scan3A_1039, %mul3A_1047 : i32
      %swap3A_1049 = arith.constant 19 : i32
      %swap3A_1050 = arith.index_cast %swap3A_1049 : i32 to index
      %swap3A_1051 = arith.index_cast %mul3A_1048 : i32 to index
      %swap3A_1052 = tpu.vector_load %arg9[%swap3A_1050, %swap3A_1051] {strides = array<i32>} : memref<64x512xf32, #tpu.memory_space<vmem>>, vector<1x16xf32>,
      %swap3A_1053 = vector.shape_cast %swap3A_1052 : vector<1x16xf32> to vector<16xf32>
      %swap3A_1054 = vector.shape_cast %get3A_314 : vector<16xf32> to vector<1x16xf32>
      tpu.vector_store %arg9[%swap3A_1050, %swap3A_1051], %swap3A_1054 {strides = array<i32>} : memref<64x512xf32, #tpu.memory_space<vmem>>, vector<1x16xf32>,
    }
    %scan3A_320 = arith.constant 32 : i32
    %get3A_321 = arith.constant 20 : i32
    %get3A_322 = arith.index_cast %get3A_321 : i32 to index
    %get3A_323 = arith.constant 0 : index
    %get3A_324 = tpu.vector_load %arg6[%get3A_322, %get3A_323] {strides = array<i32>} : memref<64x16xf32, #tpu.memory_space<vmem>>, vector<1x16xf32>,
    %get3A_325 = vector.shape_cast %get3A_324 : vector<1x16xf32> to vector<16xf32>
    %get3A_326 = arith.constant 20 : i32
    %get3A_327 = arith.index_cast %get3A_326 : i32 to index
    %get3A_328 = arith.constant 0 : index
    %get3A_329 = tpu.vector_load %arg7[%get3A_327, %get3A_328] {strides = array<i32>} : memref<64x16xf32, #tpu.memory_space<vmem>>, vector<1x16xf32>,
    %get3A_330 = vector.shape_cast %get3A_329 : vector<1x16xf32> to vector<16xf32>
    %scan3A_331 = arith.constant 0 : i32
    %scan3A_332 = arith.constant 0 : i32
    %scan3A_333 = arith.constant 32 : i32
    %scan3A_334 = arith.addi %scan3A_332, %scan3A_333 : i32
    %scan3A_335 = arith.constant 1 : i32
    scf.for %scan3A_1039 = %scan3A_332 to %scan3A_334 step %scan3A_335  : i32 {
      %mul3A_1040 = arith.constant 16 : i32
      %mul3A_1041 = arith.muli %scan3A_1039, %mul3A_1040 : i32
      %swap3A = arith.constant 20 : i32
      %swap3A_1042 = arith.index_cast %swap3A : i32 to index
      %swap3A_1043 = arith.index_cast %mul3A_1041 : i32 to index
      %swap3A_1044 = tpu.vector_load %arg8[%swap3A_1042, %swap3A_1043] {strides = array<i32>} : memref<64x512xf32, #tpu.memory_space<vmem>>, vector<1x16xf32>,
      %swap3A_1045 = vector.shape_cast %swap3A_1044 : vector<1x16xf32> to vector<16xf32>
      %swap3A_1046 = vector.shape_cast %get3A_325 : vector<16xf32> to vector<1x16xf32>
      tpu.vector_store %arg8[%swap3A_1042, %swap3A_1043], %swap3A_1046 {strides = array<i32>} : memref<64x512xf32, #tpu.memory_space<vmem>>, vector<1x16xf32>,
      %mul3A_1047 = arith.constant 16 : i32
      %mul3A_1048 = arith.muli %scan3A_1039, %mul3A_1047 : i32
      %swap3A_1049 = arith.constant 20 : i32
      %swap3A_1050 = arith.index_cast %swap3A_1049 : i32 to index
      %swap3A_1051 = arith.index_cast %mul3A_1048 : i32 to index
      %swap3A_1052 = tpu.vector_load %arg9[%swap3A_1050, %swap3A_1051] {strides = array<i32>} : memref<64x512xf32, #tpu.memory_space<vmem>>, vector<1x16xf32>,
      %swap3A_1053 = vector.shape_cast %swap3A_1052 : vector<1x16xf32> to vector<16xf32>
      %swap3A_1054 = vector.shape_cast %get3A_330 : vector<16xf32> to vector<1x16xf32>
      tpu.vector_store %arg9[%swap3A_1050, %swap3A_1051], %swap3A_1054 {strides = array<i32>} : memref<64x512xf32, #tpu.memory_space<vmem>>, vector<1x16xf32>,
    }
    %scan3A_336 = arith.constant 32 : i32
    %get3A_337 = arith.constant 21 : i32
    %get3A_338 = arith.index_cast %get3A_337 : i32 to index
    %get3A_339 = arith.constant 0 : index
    %get3A_340 = tpu.vector_load %arg6[%get3A_338, %get3A_339] {strides = array<i32>} : memref<64x16xf32, #tpu.memory_space<vmem>>, vector<1x16xf32>,
    %get3A_341 = vector.shape_cast %get3A_340 : vector<1x16xf32> to vector<16xf32>
    %get3A_342 = arith.constant 21 : i32
    %get3A_343 = arith.index_cast %get3A_342 : i32 to index
    %get3A_344 = arith.constant 0 : index
    %get3A_345 = tpu.vector_load %arg7[%get3A_343, %get3A_344] {strides = array<i32>} : memref<64x16xf32, #tpu.memory_space<vmem>>, vector<1x16xf32>,
    %get3A_346 = vector.shape_cast %get3A_345 : vector<1x16xf32> to vector<16xf32>
    %scan3A_347 = arith.constant 0 : i32
    %scan3A_348 = arith.constant 0 : i32
    %scan3A_349 = arith.constant 32 : i32
    %scan3A_350 = arith.addi %scan3A_348, %scan3A_349 : i32
    %scan3A_351 = arith.constant 1 : i32
    scf.for %scan3A_1039 = %scan3A_348 to %scan3A_350 step %scan3A_351  : i32 {
      %mul3A_1040 = arith.constant 16 : i32
      %mul3A_1041 = arith.muli %scan3A_1039, %mul3A_1040 : i32
      %swap3A = arith.constant 21 : i32
      %swap3A_1042 = arith.index_cast %swap3A : i32 to index
      %swap3A_1043 = arith.index_cast %mul3A_1041 : i32 to index
      %swap3A_1044 = tpu.vector_load %arg8[%swap3A_1042, %swap3A_1043] {strides = array<i32>} : memref<64x512xf32, #tpu.memory_space<vmem>>, vector<1x16xf32>,
      %swap3A_1045 = vector.shape_cast %swap3A_1044 : vector<1x16xf32> to vector<16xf32>
      %swap3A_1046 = vector.shape_cast %get3A_341 : vector<16xf32> to vector<1x16xf32>
      tpu.vector_store %arg8[%swap3A_1042, %swap3A_1043], %swap3A_1046 {strides = array<i32>} : memref<64x512xf32, #tpu.memory_space<vmem>>, vector<1x16xf32>,
      %mul3A_1047 = arith.constant 16 : i32
      %mul3A_1048 = arith.muli %scan3A_1039, %mul3A_1047 : i32
      %swap3A_1049 = arith.constant 21 : i32
      %swap3A_1050 = arith.index_cast %swap3A_1049 : i32 to index
      %swap3A_1051 = arith.index_cast %mul3A_1048 : i32 to index
      %swap3A_1052 = tpu.vector_load %arg9[%swap3A_1050, %swap3A_1051] {strides = array<i32>} : memref<64x512xf32, #tpu.memory_space<vmem>>, vector<1x16xf32>,
      %swap3A_1053 = vector.shape_cast %swap3A_1052 : vector<1x16xf32> to vector<16xf32>
      %swap3A_1054 = vector.shape_cast %get3A_346 : vector<16xf32> to vector<1x16xf32>
      tpu.vector_store %arg9[%swap3A_1050, %swap3A_1051], %swap3A_1054 {strides = array<i32>} : memref<64x512xf32, #tpu.memory_space<vmem>>, vector<1x16xf32>,
    }
    %scan3A_352 = arith.constant 32 : i32
    %get3A_353 = arith.constant 22 : i32
    %get3A_354 = arith.index_cast %get3A_353 : i32 to index
    %get3A_355 = arith.constant 0 : index
    %get3A_356 = tpu.vector_load %arg6[%get3A_354, %get3A_355] {strides = array<i32>} : memref<64x16xf32, #tpu.memory_space<vmem>>, vector<1x16xf32>,
    %get3A_357 = vector.shape_cast %get3A_356 : vector<1x16xf32> to vector<16xf32>
    %get3A_358 = arith.constant 22 : i32
    %get3A_359 = arith.index_cast %get3A_358 : i32 to index
    %get3A_360 = arith.constant 0 : index
    %get3A_361 = tpu.vector_load %arg7[%get3A_359, %get3A_360] {strides = array<i32>} : memref<64x16xf32, #tpu.memory_space<vmem>>, vector<1x16xf32>,
    %get3A_362 = vector.shape_cast %get3A_361 : vector<1x16xf32> to vector<16xf32>
    %scan3A_363 = arith.constant 0 : i32
    %scan3A_364 = arith.constant 0 : i32
    %scan3A_365 = arith.constant 32 : i32
    %scan3A_366 = arith.addi %scan3A_364, %scan3A_365 : i32
    %scan3A_367 = arith.constant 1 : i32
    scf.for %scan3A_1039 = %scan3A_364 to %scan3A_366 step %scan3A_367  : i32 {
      %mul3A_1040 = arith.constant 16 : i32
      %mul3A_1041 = arith.muli %scan3A_1039, %mul3A_1040 : i32
      %swap3A = arith.constant 22 : i32
      %swap3A_1042 = arith.index_cast %swap3A : i32 to index
      %swap3A_1043 = arith.index_cast %mul3A_1041 : i32 to index
      %swap3A_1044 = tpu.vector_load %arg8[%swap3A_1042, %swap3A_1043] {strides = array<i32>} : memref<64x512xf32, #tpu.memory_space<vmem>>, vector<1x16xf32>,
      %swap3A_1045 = vector.shape_cast %swap3A_1044 : vector<1x16xf32> to vector<16xf32>
      %swap3A_1046 = vector.shape_cast %get3A_357 : vector<16xf32> to vector<1x16xf32>
      tpu.vector_store %arg8[%swap3A_1042, %swap3A_1043], %swap3A_1046 {strides = array<i32>} : memref<64x512xf32, #tpu.memory_space<vmem>>, vector<1x16xf32>,
      %mul3A_1047 = arith.constant 16 : i32
      %mul3A_1048 = arith.muli %scan3A_1039, %mul3A_1047 : i32
      %swap3A_1049 = arith.constant 22 : i32
      %swap3A_1050 = arith.index_cast %swap3A_1049 : i32 to index
      %swap3A_1051 = arith.index_cast %mul3A_1048 : i32 to index
      %swap3A_1052 = tpu.vector_load %arg9[%swap3A_1050, %swap3A_1051] {strides = array<i32>} : memref<64x512xf32, #tpu.memory_space<vmem>>, vector<1x16xf32>,
      %swap3A_1053 = vector.shape_cast %swap3A_1052 : vector<1x16xf32> to vector<16xf32>
      %swap3A_1054 = vector.shape_cast %get3A_362 : vector<16xf32> to vector<1x16xf32>
      tpu.vector_store %arg9[%swap3A_1050, %swap3A_1051], %swap3A_1054 {strides = array<i32>} : memref<64x512xf32, #tpu.memory_space<vmem>>, vector<1x16xf32>,
    }
    %scan3A_368 = arith.constant 32 : i32
    %get3A_369 = arith.constant 23 : i32
    %get3A_370 = arith.index_cast %get3A_369 : i32 to index
    %get3A_371 = arith.constant 0 : index
    %get3A_372 = tpu.vector_load %arg6[%get3A_370, %get3A_371] {strides = array<i32>} : memref<64x16xf32, #tpu.memory_space<vmem>>, vector<1x16xf32>,
    %get3A_373 = vector.shape_cast %get3A_372 : vector<1x16xf32> to vector<16xf32>
    %get3A_374 = arith.constant 23 : i32
    %get3A_375 = arith.index_cast %get3A_374 : i32 to index
    %get3A_376 = arith.constant 0 : index
    %get3A_377 = tpu.vector_load %arg7[%get3A_375, %get3A_376] {strides = array<i32>} : memref<64x16xf32, #tpu.memory_space<vmem>>, vector<1x16xf32>,
    %get3A_378 = vector.shape_cast %get3A_377 : vector<1x16xf32> to vector<16xf32>
    %scan3A_379 = arith.constant 0 : i32
    %scan3A_380 = arith.constant 0 : i32
    %scan3A_381 = arith.constant 32 : i32
    %scan3A_382 = arith.addi %scan3A_380, %scan3A_381 : i32
    %scan3A_383 = arith.constant 1 : i32
    scf.for %scan3A_1039 = %scan3A_380 to %scan3A_382 step %scan3A_383  : i32 {
      %mul3A_1040 = arith.constant 16 : i32
      %mul3A_1041 = arith.muli %scan3A_1039, %mul3A_1040 : i32
      %swap3A = arith.constant 23 : i32
      %swap3A_1042 = arith.index_cast %swap3A : i32 to index
      %swap3A_1043 = arith.index_cast %mul3A_1041 : i32 to index
      %swap3A_1044 = tpu.vector_load %arg8[%swap3A_1042, %swap3A_1043] {strides = array<i32>} : memref<64x512xf32, #tpu.memory_space<vmem>>, vector<1x16xf32>,
      %swap3A_1045 = vector.shape_cast %swap3A_1044 : vector<1x16xf32> to vector<16xf32>
      %swap3A_1046 = vector.shape_cast %get3A_373 : vector<16xf32> to vector<1x16xf32>
      tpu.vector_store %arg8[%swap3A_1042, %swap3A_1043], %swap3A_1046 {strides = array<i32>} : memref<64x512xf32, #tpu.memory_space<vmem>>, vector<1x16xf32>,
      %mul3A_1047 = arith.constant 16 : i32
      %mul3A_1048 = arith.muli %scan3A_1039, %mul3A_1047 : i32
      %swap3A_1049 = arith.constant 23 : i32
      %swap3A_1050 = arith.index_cast %swap3A_1049 : i32 to index
      %swap3A_1051 = arith.index_cast %mul3A_1048 : i32 to index
      %swap3A_1052 = tpu.vector_load %arg9[%swap3A_1050, %swap3A_1051] {strides = array<i32>} : memref<64x512xf32, #tpu.memory_space<vmem>>, vector<1x16xf32>,
      %swap3A_1053 = vector.shape_cast %swap3A_1052 : vector<1x16xf32> to vector<16xf32>
      %swap3A_1054 = vector.shape_cast %get3A_378 : vector<16xf32> to vector<1x16xf32>
      tpu.vector_store %arg9[%swap3A_1050, %swap3A_1051], %swap3A_1054 {strides = array<i32>} : memref<64x512xf32, #tpu.memory_space<vmem>>, vector<1x16xf32>,
    }
    %scan3A_384 = arith.constant 32 : i32
    %get3A_385 = arith.constant 24 : i32
    %get3A_386 = arith.index_cast %get3A_385 : i32 to index
    %get3A_387 = arith.constant 0 : index
    %get3A_388 = tpu.vector_load %arg6[%get3A_386, %get3A_387] {strides = array<i32>} : memref<64x16xf32, #tpu.memory_space<vmem>>, vector<1x16xf32>,
    %get3A_389 = vector.shape_cast %get3A_388 : vector<1x16xf32> to vector<16xf32>
    %get3A_390 = arith.constant 24 : i32
    %get3A_391 = arith.index_cast %get3A_390 : i32 to index
    %get3A_392 = arith.constant 0 : index
    %get3A_393 = tpu.vector_load %arg7[%get3A_391, %get3A_392] {strides = array<i32>} : memref<64x16xf32, #tpu.memory_space<vmem>>, vector<1x16xf32>,
    %get3A_394 = vector.shape_cast %get3A_393 : vector<1x16xf32> to vector<16xf32>
    %scan3A_395 = arith.constant 0 : i32
    %scan3A_396 = arith.constant 0 : i32
    %scan3A_397 = arith.constant 32 : i32
    %scan3A_398 = arith.addi %scan3A_396, %scan3A_397 : i32
    %scan3A_399 = arith.constant 1 : i32
    scf.for %scan3A_1039 = %scan3A_396 to %scan3A_398 step %scan3A_399  : i32 {
      %mul3A_1040 = arith.constant 16 : i32
      %mul3A_1041 = arith.muli %scan3A_1039, %mul3A_1040 : i32
      %swap3A = arith.constant 24 : i32
      %swap3A_1042 = arith.index_cast %swap3A : i32 to index
      %swap3A_1043 = arith.index_cast %mul3A_1041 : i32 to index
      %swap3A_1044 = tpu.vector_load %arg8[%swap3A_1042, %swap3A_1043] {strides = array<i32>} : memref<64x512xf32, #tpu.memory_space<vmem>>, vector<1x16xf32>,
      %swap3A_1045 = vector.shape_cast %swap3A_1044 : vector<1x16xf32> to vector<16xf32>
      %swap3A_1046 = vector.shape_cast %get3A_389 : vector<16xf32> to vector<1x16xf32>
      tpu.vector_store %arg8[%swap3A_1042, %swap3A_1043], %swap3A_1046 {strides = array<i32>} : memref<64x512xf32, #tpu.memory_space<vmem>>, vector<1x16xf32>,
      %mul3A_1047 = arith.constant 16 : i32
      %mul3A_1048 = arith.muli %scan3A_1039, %mul3A_1047 : i32
      %swap3A_1049 = arith.constant 24 : i32
      %swap3A_1050 = arith.index_cast %swap3A_1049 : i32 to index
      %swap3A_1051 = arith.index_cast %mul3A_1048 : i32 to index
      %swap3A_1052 = tpu.vector_load %arg9[%swap3A_1050, %swap3A_1051] {strides = array<i32>} : memref<64x512xf32, #tpu.memory_space<vmem>>, vector<1x16xf32>,
      %swap3A_1053 = vector.shape_cast %swap3A_1052 : vector<1x16xf32> to vector<16xf32>
      %swap3A_1054 = vector.shape_cast %get3A_394 : vector<16xf32> to vector<1x16xf32>
      tpu.vector_store %arg9[%swap3A_1050, %swap3A_1051], %swap3A_1054 {strides = array<i32>} : memref<64x512xf32, #tpu.memory_space<vmem>>, vector<1x16xf32>,
    }
    %scan3A_400 = arith.constant 32 : i32
    %get3A_401 = arith.constant 25 : i32
    %get3A_402 = arith.index_cast %get3A_401 : i32 to index
    %get3A_403 = arith.constant 0 : index
    %get3A_404 = tpu.vector_load %arg6[%get3A_402, %get3A_403] {strides = array<i32>} : memref<64x16xf32, #tpu.memory_space<vmem>>, vector<1x16xf32>,
    %get3A_405 = vector.shape_cast %get3A_404 : vector<1x16xf32> to vector<16xf32>
    %get3A_406 = arith.constant 25 : i32
    %get3A_407 = arith.index_cast %get3A_406 : i32 to index
    %get3A_408 = arith.constant 0 : index
    %get3A_409 = tpu.vector_load %arg7[%get3A_407, %get3A_408] {strides = array<i32>} : memref<64x16xf32, #tpu.memory_space<vmem>>, vector<1x16xf32>,
    %get3A_410 = vector.shape_cast %get3A_409 : vector<1x16xf32> to vector<16xf32>
    %scan3A_411 = arith.constant 0 : i32
    %scan3A_412 = arith.constant 0 : i32
    %scan3A_413 = arith.constant 32 : i32
    %scan3A_414 = arith.addi %scan3A_412, %scan3A_413 : i32
    %scan3A_415 = arith.constant 1 : i32
    scf.for %scan3A_1039 = %scan3A_412 to %scan3A_414 step %scan3A_415  : i32 {
      %mul3A_1040 = arith.constant 16 : i32
      %mul3A_1041 = arith.muli %scan3A_1039, %mul3A_1040 : i32
      %swap3A = arith.constant 25 : i32
      %swap3A_1042 = arith.index_cast %swap3A : i32 to index
      %swap3A_1043 = arith.index_cast %mul3A_1041 : i32 to index
      %swap3A_1044 = tpu.vector_load %arg8[%swap3A_1042, %swap3A_1043] {strides = array<i32>} : memref<64x512xf32, #tpu.memory_space<vmem>>, vector<1x16xf32>,
      %swap3A_1045 = vector.shape_cast %swap3A_1044 : vector<1x16xf32> to vector<16xf32>
      %swap3A_1046 = vector.shape_cast %get3A_405 : vector<16xf32> to vector<1x16xf32>
      tpu.vector_store %arg8[%swap3A_1042, %swap3A_1043], %swap3A_1046 {strides = array<i32>} : memref<64x512xf32, #tpu.memory_space<vmem>>, vector<1x16xf32>,
      %mul3A_1047 = arith.constant 16 : i32
      %mul3A_1048 = arith.muli %scan3A_1039, %mul3A_1047 : i32
      %swap3A_1049 = arith.constant 25 : i32
      %swap3A_1050 = arith.index_cast %swap3A_1049 : i32 to index
      %swap3A_1051 = arith.index_cast %mul3A_1048 : i32 to index
      %swap3A_1052 = tpu.vector_load %arg9[%swap3A_1050, %swap3A_1051] {strides = array<i32>} : memref<64x512xf32, #tpu.memory_space<vmem>>, vector<1x16xf32>,
      %swap3A_1053 = vector.shape_cast %swap3A_1052 : vector<1x16xf32> to vector<16xf32>
      %swap3A_1054 = vector.shape_cast %get3A_410 : vector<16xf32> to vector<1x16xf32>
      tpu.vector_store %arg9[%swap3A_1050, %swap3A_1051], %swap3A_1054 {strides = array<i32>} : memref<64x512xf32, #tpu.memory_space<vmem>>, vector<1x16xf32>,
    }
    %scan3A_416 = arith.constant 32 : i32
    %get3A_417 = arith.constant 26 : i32
    %get3A_418 = arith.index_cast %get3A_417 : i32 to index
    %get3A_419 = arith.constant 0 : index
    %get3A_420 = tpu.vector_load %arg6[%get3A_418, %get3A_419] {strides = array<i32>} : memref<64x16xf32, #tpu.memory_space<vmem>>, vector<1x16xf32>,
    %get3A_421 = vector.shape_cast %get3A_420 : vector<1x16xf32> to vector<16xf32>
    %get3A_422 = arith.constant 26 : i32
    %get3A_423 = arith.index_cast %get3A_422 : i32 to index
    %get3A_424 = arith.constant 0 : index
    %get3A_425 = tpu.vector_load %arg7[%get3A_423, %get3A_424] {strides = array<i32>} : memref<64x16xf32, #tpu.memory_space<vmem>>, vector<1x16xf32>,
    %get3A_426 = vector.shape_cast %get3A_425 : vector<1x16xf32> to vector<16xf32>
    %scan3A_427 = arith.constant 0 : i32
    %scan3A_428 = arith.constant 0 : i32
    %scan3A_429 = arith.constant 32 : i32
    %scan3A_430 = arith.addi %scan3A_428, %scan3A_429 : i32
    %scan3A_431 = arith.constant 1 : i32
    scf.for %scan3A_1039 = %scan3A_428 to %scan3A_430 step %scan3A_431  : i32 {
      %mul3A_1040 = arith.constant 16 : i32
      %mul3A_1041 = arith.muli %scan3A_1039, %mul3A_1040 : i32
      %swap3A = arith.constant 26 : i32
      %swap3A_1042 = arith.index_cast %swap3A : i32 to index
      %swap3A_1043 = arith.index_cast %mul3A_1041 : i32 to index
      %swap3A_1044 = tpu.vector_load %arg8[%swap3A_1042, %swap3A_1043] {strides = array<i32>} : memref<64x512xf32, #tpu.memory_space<vmem>>, vector<1x16xf32>,
      %swap3A_1045 = vector.shape_cast %swap3A_1044 : vector<1x16xf32> to vector<16xf32>
      %swap3A_1046 = vector.shape_cast %get3A_421 : vector<16xf32> to vector<1x16xf32>
      tpu.vector_store %arg8[%swap3A_1042, %swap3A_1043], %swap3A_1046 {strides = array<i32>} : memref<64x512xf32, #tpu.memory_space<vmem>>, vector<1x16xf32>,
      %mul3A_1047 = arith.constant 16 : i32
      %mul3A_1048 = arith.muli %scan3A_1039, %mul3A_1047 : i32
      %swap3A_1049 = arith.constant 26 : i32
      %swap3A_1050 = arith.index_cast %swap3A_1049 : i32 to index
      %swap3A_1051 = arith.index_cast %mul3A_1048 : i32 to index
      %swap3A_1052 = tpu.vector_load %arg9[%swap3A_1050, %swap3A_1051] {strides = array<i32>} : memref<64x512xf32, #tpu.memory_space<vmem>>, vector<1x16xf32>,
      %swap3A_1053 = vector.shape_cast %swap3A_1052 : vector<1x16xf32> to vector<16xf32>
      %swap3A_1054 = vector.shape_cast %get3A_426 : vector<16xf32> to vector<1x16xf32>
      tpu.vector_store %arg9[%swap3A_1050, %swap3A_1051], %swap3A_1054 {strides = array<i32>} : memref<64x512xf32, #tpu.memory_space<vmem>>, vector<1x16xf32>,
    }
    %scan3A_432 = arith.constant 32 : i32
    %get3A_433 = arith.constant 27 : i32
    %get3A_434 = arith.index_cast %get3A_433 : i32 to index
    %get3A_435 = arith.constant 0 : index
    %get3A_436 = tpu.vector_load %arg6[%get3A_434, %get3A_435] {strides = array<i32>} : memref<64x16xf32, #tpu.memory_space<vmem>>, vector<1x16xf32>,
    %get3A_437 = vector.shape_cast %get3A_436 : vector<1x16xf32> to vector<16xf32>
    %get3A_438 = arith.constant 27 : i32
    %get3A_439 = arith.index_cast %get3A_438 : i32 to index
    %get3A_440 = arith.constant 0 : index
    %get3A_441 = tpu.vector_load %arg7[%get3A_439, %get3A_440] {strides = array<i32>} : memref<64x16xf32, #tpu.memory_space<vmem>>, vector<1x16xf32>,
    %get3A_442 = vector.shape_cast %get3A_441 : vector<1x16xf32> to vector<16xf32>
    %scan3A_443 = arith.constant 0 : i32
    %scan3A_444 = arith.constant 0 : i32
    %scan3A_445 = arith.constant 32 : i32
    %scan3A_446 = arith.addi %scan3A_444, %scan3A_445 : i32
    %scan3A_447 = arith.constant 1 : i32
    scf.for %scan3A_1039 = %scan3A_444 to %scan3A_446 step %scan3A_447  : i32 {
      %mul3A_1040 = arith.constant 16 : i32
      %mul3A_1041 = arith.muli %scan3A_1039, %mul3A_1040 : i32
      %swap3A = arith.constant 27 : i32
      %swap3A_1042 = arith.index_cast %swap3A : i32 to index
      %swap3A_1043 = arith.index_cast %mul3A_1041 : i32 to index
      %swap3A_1044 = tpu.vector_load %arg8[%swap3A_1042, %swap3A_1043] {strides = array<i32>} : memref<64x512xf32, #tpu.memory_space<vmem>>, vector<1x16xf32>,
      %swap3A_1045 = vector.shape_cast %swap3A_1044 : vector<1x16xf32> to vector<16xf32>
      %swap3A_1046 = vector.shape_cast %get3A_437 : vector<16xf32> to vector<1x16xf32>
      tpu.vector_store %arg8[%swap3A_1042, %swap3A_1043], %swap3A_1046 {strides = array<i32>} : memref<64x512xf32, #tpu.memory_space<vmem>>, vector<1x16xf32>,
      %mul3A_1047 = arith.constant 16 : i32
      %mul3A_1048 = arith.muli %scan3A_1039, %mul3A_1047 : i32
      %swap3A_1049 = arith.constant 27 : i32
      %swap3A_1050 = arith.index_cast %swap3A_1049 : i32 to index
      %swap3A_1051 = arith.index_cast %mul3A_1048 : i32 to index
      %swap3A_1052 = tpu.vector_load %arg9[%swap3A_1050, %swap3A_1051] {strides = array<i32>} : memref<64x512xf32, #tpu.memory_space<vmem>>, vector<1x16xf32>,
      %swap3A_1053 = vector.shape_cast %swap3A_1052 : vector<1x16xf32> to vector<16xf32>
      %swap3A_1054 = vector.shape_cast %get3A_442 : vector<16xf32> to vector<1x16xf32>
      tpu.vector_store %arg9[%swap3A_1050, %swap3A_1051], %swap3A_1054 {strides = array<i32>} : memref<64x512xf32, #tpu.memory_space<vmem>>, vector<1x16xf32>,
    }
    %scan3A_448 = arith.constant 32 : i32
    %get3A_449 = arith.constant 28 : i32
    %get3A_450 = arith.index_cast %get3A_449 : i32 to index
    %get3A_451 = arith.constant 0 : index
    %get3A_452 = tpu.vector_load %arg6[%get3A_450, %get3A_451] {strides = array<i32>} : memref<64x16xf32, #tpu.memory_space<vmem>>, vector<1x16xf32>,
    %get3A_453 = vector.shape_cast %get3A_452 : vector<1x16xf32> to vector<16xf32>
    %get3A_454 = arith.constant 28 : i32
    %get3A_455 = arith.index_cast %get3A_454 : i32 to index
    %get3A_456 = arith.constant 0 : index
    %get3A_457 = tpu.vector_load %arg7[%get3A_455, %get3A_456] {strides = array<i32>} : memref<64x16xf32, #tpu.memory_space<vmem>>, vector<1x16xf32>,
    %get3A_458 = vector.shape_cast %get3A_457 : vector<1x16xf32> to vector<16xf32>
    %scan3A_459 = arith.constant 0 : i32
    %scan3A_460 = arith.constant 0 : i32
    %scan3A_461 = arith.constant 32 : i32
    %scan3A_462 = arith.addi %scan3A_460, %scan3A_461 : i32
    %scan3A_463 = arith.constant 1 : i32
    scf.for %scan3A_1039 = %scan3A_460 to %scan3A_462 step %scan3A_463  : i32 {
      %mul3A_1040 = arith.constant 16 : i32
      %mul3A_1041 = arith.muli %scan3A_1039, %mul3A_1040 : i32
      %swap3A = arith.constant 28 : i32
      %swap3A_1042 = arith.index_cast %swap3A : i32 to index
      %swap3A_1043 = arith.index_cast %mul3A_1041 : i32 to index
      %swap3A_1044 = tpu.vector_load %arg8[%swap3A_1042, %swap3A_1043] {strides = array<i32>} : memref<64x512xf32, #tpu.memory_space<vmem>>, vector<1x16xf32>,
      %swap3A_1045 = vector.shape_cast %swap3A_1044 : vector<1x16xf32> to vector<16xf32>
      %swap3A_1046 = vector.shape_cast %get3A_453 : vector<16xf32> to vector<1x16xf32>
      tpu.vector_store %arg8[%swap3A_1042, %swap3A_1043], %swap3A_1046 {strides = array<i32>} : memref<64x512xf32, #tpu.memory_space<vmem>>, vector<1x16xf32>,
      %mul3A_1047 = arith.constant 16 : i32
      %mul3A_1048 = arith.muli %scan3A_1039, %mul3A_1047 : i32
      %swap3A_1049 = arith.constant 28 : i32
      %swap3A_1050 = arith.index_cast %swap3A_1049 : i32 to index
      %swap3A_1051 = arith.index_cast %mul3A_1048 : i32 to index
      %swap3A_1052 = tpu.vector_load %arg9[%swap3A_1050, %swap3A_1051] {strides = array<i32>} : memref<64x512xf32, #tpu.memory_space<vmem>>, vector<1x16xf32>,
      %swap3A_1053 = vector.shape_cast %swap3A_1052 : vector<1x16xf32> to vector<16xf32>
      %swap3A_1054 = vector.shape_cast %get3A_458 : vector<16xf32> to vector<1x16xf32>
      tpu.vector_store %arg9[%swap3A_1050, %swap3A_1051], %swap3A_1054 {strides = array<i32>} : memref<64x512xf32, #tpu.memory_space<vmem>>, vector<1x16xf32>,
    }
    %scan3A_464 = arith.constant 32 : i32
    %get3A_465 = arith.constant 29 : i32
    %get3A_466 = arith.index_cast %get3A_465 : i32 to index
    %get3A_467 = arith.constant 0 : index
    %get3A_468 = tpu.vector_load %arg6[%get3A_466, %get3A_467] {strides = array<i32>} : memref<64x16xf32, #tpu.memory_space<vmem>>, vector<1x16xf32>,
    %get3A_469 = vector.shape_cast %get3A_468 : vector<1x16xf32> to vector<16xf32>
    %get3A_470 = arith.constant 29 : i32
    %get3A_471 = arith.index_cast %get3A_470 : i32 to index
    %get3A_472 = arith.constant 0 : index
    %get3A_473 = tpu.vector_load %arg7[%get3A_471, %get3A_472] {strides = array<i32>} : memref<64x16xf32, #tpu.memory_space<vmem>>, vector<1x16xf32>,
    %get3A_474 = vector.shape_cast %get3A_473 : vector<1x16xf32> to vector<16xf32>
    %scan3A_475 = arith.constant 0 : i32
    %scan3A_476 = arith.constant 0 : i32
    %scan3A_477 = arith.constant 32 : i32
    %scan3A_478 = arith.addi %scan3A_476, %scan3A_477 : i32
    %scan3A_479 = arith.constant 1 : i32
    scf.for %scan3A_1039 = %scan3A_476 to %scan3A_478 step %scan3A_479  : i32 {
      %mul3A_1040 = arith.constant 16 : i32
      %mul3A_1041 = arith.muli %scan3A_1039, %mul3A_1040 : i32
      %swap3A = arith.constant 29 : i32
      %swap3A_1042 = arith.index_cast %swap3A : i32 to index
      %swap3A_1043 = arith.index_cast %mul3A_1041 : i32 to index
      %swap3A_1044 = tpu.vector_load %arg8[%swap3A_1042, %swap3A_1043] {strides = array<i32>} : memref<64x512xf32, #tpu.memory_space<vmem>>, vector<1x16xf32>,
      %swap3A_1045 = vector.shape_cast %swap3A_1044 : vector<1x16xf32> to vector<16xf32>
      %swap3A_1046 = vector.shape_cast %get3A_469 : vector<16xf32> to vector<1x16xf32>
      tpu.vector_store %arg8[%swap3A_1042, %swap3A_1043], %swap3A_1046 {strides = array<i32>} : memref<64x512xf32, #tpu.memory_space<vmem>>, vector<1x16xf32>,
      %mul3A_1047 = arith.constant 16 : i32
      %mul3A_1048 = arith.muli %scan3A_1039, %mul3A_1047 : i32
      %swap3A_1049 = arith.constant 29 : i32
      %swap3A_1050 = arith.index_cast %swap3A_1049 : i32 to index
      %swap3A_1051 = arith.index_cast %mul3A_1048 : i32 to index
      %swap3A_1052 = tpu.vector_load %arg9[%swap3A_1050, %swap3A_1051] {strides = array<i32>} : memref<64x512xf32, #tpu.memory_space<vmem>>, vector<1x16xf32>,
      %swap3A_1053 = vector.shape_cast %swap3A_1052 : vector<1x16xf32> to vector<16xf32>
      %swap3A_1054 = vector.shape_cast %get3A_474 : vector<16xf32> to vector<1x16xf32>
      tpu.vector_store %arg9[%swap3A_1050, %swap3A_1051], %swap3A_1054 {strides = array<i32>} : memref<64x512xf32, #tpu.memory_space<vmem>>, vector<1x16xf32>,
    }
    %scan3A_480 = arith.constant 32 : i32
    %get3A_481 = arith.constant 30 : i32
    %get3A_482 = arith.index_cast %get3A_481 : i32 to index
    %get3A_483 = arith.constant 0 : index
    %get3A_484 = tpu.vector_load %arg6[%get3A_482, %get3A_483] {strides = array<i32>} : memref<64x16xf32, #tpu.memory_space<vmem>>, vector<1x16xf32>,
    %get3A_485 = vector.shape_cast %get3A_484 : vector<1x16xf32> to vector<16xf32>
    %get3A_486 = arith.constant 30 : i32
    %get3A_487 = arith.index_cast %get3A_486 : i32 to index
    %get3A_488 = arith.constant 0 : index
    %get3A_489 = tpu.vector_load %arg7[%get3A_487, %get3A_488] {strides = array<i32>} : memref<64x16xf32, #tpu.memory_space<vmem>>, vector<1x16xf32>,
    %get3A_490 = vector.shape_cast %get3A_489 : vector<1x16xf32> to vector<16xf32>
    %scan3A_491 = arith.constant 0 : i32
    %scan3A_492 = arith.constant 0 : i32
    %scan3A_493 = arith.constant 32 : i32
    %scan3A_494 = arith.addi %scan3A_492, %scan3A_493 : i32
    %scan3A_495 = arith.constant 1 : i32
    scf.for %scan3A_1039 = %scan3A_492 to %scan3A_494 step %scan3A_495  : i32 {
      %mul3A_1040 = arith.constant 16 : i32
      %mul3A_1041 = arith.muli %scan3A_1039, %mul3A_1040 : i32
      %swap3A = arith.constant 30 : i32
      %swap3A_1042 = arith.index_cast %swap3A : i32 to index
      %swap3A_1043 = arith.index_cast %mul3A_1041 : i32 to index
      %swap3A_1044 = tpu.vector_load %arg8[%swap3A_1042, %swap3A_1043] {strides = array<i32>} : memref<64x512xf32, #tpu.memory_space<vmem>>, vector<1x16xf32>,
      %swap3A_1045 = vector.shape_cast %swap3A_1044 : vector<1x16xf32> to vector<16xf32>
      %swap3A_1046 = vector.shape_cast %get3A_485 : vector<16xf32> to vector<1x16xf32>
      tpu.vector_store %arg8[%swap3A_1042, %swap3A_1043], %swap3A_1046 {strides = array<i32>} : memref<64x512xf32, #tpu.memory_space<vmem>>, vector<1x16xf32>,
      %mul3A_1047 = arith.constant 16 : i32
      %mul3A_1048 = arith.muli %scan3A_1039, %mul3A_1047 : i32
      %swap3A_1049 = arith.constant 30 : i32
      %swap3A_1050 = arith.index_cast %swap3A_1049 : i32 to index
      %swap3A_1051 = arith.index_cast %mul3A_1048 : i32 to index
      %swap3A_1052 = tpu.vector_load %arg9[%swap3A_1050, %swap3A_1051] {strides = array<i32>} : memref<64x512xf32, #tpu.memory_space<vmem>>, vector<1x16xf32>,
      %swap3A_1053 = vector.shape_cast %swap3A_1052 : vector<1x16xf32> to vector<16xf32>
      %swap3A_1054 = vector.shape_cast %get3A_490 : vector<16xf32> to vector<1x16xf32>
      tpu.vector_store %arg9[%swap3A_1050, %swap3A_1051], %swap3A_1054 {strides = array<i32>} : memref<64x512xf32, #tpu.memory_space<vmem>>, vector<1x16xf32>,
    }
    %scan3A_496 = arith.constant 32 : i32
    %get3A_497 = arith.constant 31 : i32
    %get3A_498 = arith.index_cast %get3A_497 : i32 to index
    %get3A_499 = arith.constant 0 : index
    %get3A_500 = tpu.vector_load %arg6[%get3A_498, %get3A_499] {strides = array<i32>} : memref<64x16xf32, #tpu.memory_space<vmem>>, vector<1x16xf32>,
    %get3A_501 = vector.shape_cast %get3A_500 : vector<1x16xf32> to vector<16xf32>
    %get3A_502 = arith.constant 31 : i32
    %get3A_503 = arith.index_cast %get3A_502 : i32 to index
    %get3A_504 = arith.constant 0 : index
    %get3A_505 = tpu.vector_load %arg7[%get3A_503, %get3A_504] {strides = array<i32>} : memref<64x16xf32, #tpu.memory_space<vmem>>, vector<1x16xf32>,
    %get3A_506 = vector.shape_cast %get3A_505 : vector<1x16xf32> to vector<16xf32>
    %scan3A_507 = arith.constant 0 : i32
    %scan3A_508 = arith.constant 0 : i32
    %scan3A_509 = arith.constant 32 : i32
    %scan3A_510 = arith.addi %scan3A_508, %scan3A_509 : i32
    %scan3A_511 = arith.constant 1 : i32
    scf.for %scan3A_1039 = %scan3A_508 to %scan3A_510 step %scan3A_511  : i32 {
      %mul3A_1040 = arith.constant 16 : i32
      %mul3A_1041 = arith.muli %scan3A_1039, %mul3A_1040 : i32
      %swap3A = arith.constant 31 : i32
      %swap3A_1042 = arith.index_cast %swap3A : i32 to index
      %swap3A_1043 = arith.index_cast %mul3A_1041 : i32 to index
      %swap3A_1044 = tpu.vector_load %arg8[%swap3A_1042, %swap3A_1043] {strides = array<i32>} : memref<64x512xf32, #tpu.memory_space<vmem>>, vector<1x16xf32>,
      %swap3A_1045 = vector.shape_cast %swap3A_1044 : vector<1x16xf32> to vector<16xf32>
      %swap3A_1046 = vector.shape_cast %get3A_501 : vector<16xf32> to vector<1x16xf32>
      tpu.vector_store %arg8[%swap3A_1042, %swap3A_1043], %swap3A_1046 {strides = array<i32>} : memref<64x512xf32, #tpu.memory_space<vmem>>, vector<1x16xf32>,
      %mul3A_1047 = arith.constant 16 : i32
      %mul3A_1048 = arith.muli %scan3A_1039, %mul3A_1047 : i32
      %swap3A_1049 = arith.constant 31 : i32
      %swap3A_1050 = arith.index_cast %swap3A_1049 : i32 to index
      %swap3A_1051 = arith.index_cast %mul3A_1048 : i32 to index
      %swap3A_1052 = tpu.vector_load %arg9[%swap3A_1050, %swap3A_1051] {strides = array<i32>} : memref<64x512xf32, #tpu.memory_space<vmem>>, vector<1x16xf32>,
      %swap3A_1053 = vector.shape_cast %swap3A_1052 : vector<1x16xf32> to vector<16xf32>
      %swap3A_1054 = vector.shape_cast %get3A_506 : vector<16xf32> to vector<1x16xf32>
      tpu.vector_store %arg9[%swap3A_1050, %swap3A_1051], %swap3A_1054 {strides = array<i32>} : memref<64x512xf32, #tpu.memory_space<vmem>>, vector<1x16xf32>,
    }
    %scan3A_512 = arith.constant 32 : i32
    %get3A_513 = arith.constant 32 : i32
    %get3A_514 = arith.index_cast %get3A_513 : i32 to index
    %get3A_515 = arith.constant 0 : index
    %get3A_516 = tpu.vector_load %arg6[%get3A_514, %get3A_515] {strides = array<i32>} : memref<64x16xf32, #tpu.memory_space<vmem>>, vector<1x16xf32>,
    %get3A_517 = vector.shape_cast %get3A_516 : vector<1x16xf32> to vector<16xf32>
    %get3A_518 = arith.constant 32 : i32
    %get3A_519 = arith.index_cast %get3A_518 : i32 to index
    %get3A_520 = arith.constant 0 : index
    %get3A_521 = tpu.vector_load %arg7[%get3A_519, %get3A_520] {strides = array<i32>} : memref<64x16xf32, #tpu.memory_space<vmem>>, vector<1x16xf32>,
    %get3A_522 = vector.shape_cast %get3A_521 : vector<1x16xf32> to vector<16xf32>
    %scan3A_523 = arith.constant 0 : i32
    %scan3A_524 = arith.constant 0 : i32
    %scan3A_525 = arith.constant 32 : i32
    %scan3A_526 = arith.addi %scan3A_524, %scan3A_525 : i32
    %scan3A_527 = arith.constant 1 : i32
    scf.for %scan3A_1039 = %scan3A_524 to %scan3A_526 step %scan3A_527  : i32 {
      %mul3A_1040 = arith.constant 16 : i32
      %mul3A_1041 = arith.muli %scan3A_1039, %mul3A_1040 : i32
      %swap3A = arith.constant 32 : i32
      %swap3A_1042 = arith.index_cast %swap3A : i32 to index
      %swap3A_1043 = arith.index_cast %mul3A_1041 : i32 to index
      %swap3A_1044 = tpu.vector_load %arg8[%swap3A_1042, %swap3A_1043] {strides = array<i32>} : memref<64x512xf32, #tpu.memory_space<vmem>>, vector<1x16xf32>,
      %swap3A_1045 = vector.shape_cast %swap3A_1044 : vector<1x16xf32> to vector<16xf32>
      %swap3A_1046 = vector.shape_cast %get3A_517 : vector<16xf32> to vector<1x16xf32>
      tpu.vector_store %arg8[%swap3A_1042, %swap3A_1043], %swap3A_1046 {strides = array<i32>} : memref<64x512xf32, #tpu.memory_space<vmem>>, vector<1x16xf32>,
      %mul3A_1047 = arith.constant 16 : i32
      %mul3A_1048 = arith.muli %scan3A_1039, %mul3A_1047 : i32
      %swap3A_1049 = arith.constant 32 : i32
      %swap3A_1050 = arith.index_cast %swap3A_1049 : i32 to index
      %swap3A_1051 = arith.index_cast %mul3A_1048 : i32 to index
      %swap3A_1052 = tpu.vector_load %arg9[%swap3A_1050, %swap3A_1051] {strides = array<i32>} : memref<64x512xf32, #tpu.memory_space<vmem>>, vector<1x16xf32>,
      %swap3A_1053 = vector.shape_cast %swap3A_1052 : vector<1x16xf32> to vector<16xf32>
      %swap3A_1054 = vector.shape_cast %get3A_522 : vector<16xf32> to vector<1x16xf32>
      tpu.vector_store %arg9[%swap3A_1050, %swap3A_1051], %swap3A_1054 {strides = array<i32>} : memref<64x512xf32, #tpu.memory_space<vmem>>, vector<1x16xf32>,
    }
    %scan3A_528 = arith.constant 32 : i32
    %get3A_529 = arith.constant 33 : i32
    %get3A_530 = arith.index_cast %get3A_529 : i32 to index
    %get3A_531 = arith.constant 0 : index
    %get3A_532 = tpu.vector_load %arg6[%get3A_530, %get3A_531] {strides = array<i32>} : memref<64x16xf32, #tpu.memory_space<vmem>>, vector<1x16xf32>,
    %get3A_533 = vector.shape_cast %get3A_532 : vector<1x16xf32> to vector<16xf32>
    %get3A_534 = arith.constant 33 : i32
    %get3A_535 = arith.index_cast %get3A_534 : i32 to index
    %get3A_536 = arith.constant 0 : index
    %get3A_537 = tpu.vector_load %arg7[%get3A_535, %get3A_536] {strides = array<i32>} : memref<64x16xf32, #tpu.memory_space<vmem>>, vector<1x16xf32>,
    %get3A_538 = vector.shape_cast %get3A_537 : vector<1x16xf32> to vector<16xf32>
    %scan3A_539 = arith.constant 0 : i32
    %scan3A_540 = arith.constant 0 : i32
    %scan3A_541 = arith.constant 32 : i32
    %scan3A_542 = arith.addi %scan3A_540, %scan3A_541 : i32
    %scan3A_543 = arith.constant 1 : i32
    scf.for %scan3A_1039 = %scan3A_540 to %scan3A_542 step %scan3A_543  : i32 {
      %mul3A_1040 = arith.constant 16 : i32
      %mul3A_1041 = arith.muli %scan3A_1039, %mul3A_1040 : i32
      %swap3A = arith.constant 33 : i32
      %swap3A_1042 = arith.index_cast %swap3A : i32 to index
      %swap3A_1043 = arith.index_cast %mul3A_1041 : i32 to index
      %swap3A_1044 = tpu.vector_load %arg8[%swap3A_1042, %swap3A_1043] {strides = array<i32>} : memref<64x512xf32, #tpu.memory_space<vmem>>, vector<1x16xf32>,
      %swap3A_1045 = vector.shape_cast %swap3A_1044 : vector<1x16xf32> to vector<16xf32>
      %swap3A_1046 = vector.shape_cast %get3A_533 : vector<16xf32> to vector<1x16xf32>
      tpu.vector_store %arg8[%swap3A_1042, %swap3A_1043], %swap3A_1046 {strides = array<i32>} : memref<64x512xf32, #tpu.memory_space<vmem>>, vector<1x16xf32>,
      %mul3A_1047 = arith.constant 16 : i32
      %mul3A_1048 = arith.muli %scan3A_1039, %mul3A_1047 : i32
      %swap3A_1049 = arith.constant 33 : i32
      %swap3A_1050 = arith.index_cast %swap3A_1049 : i32 to index
      %swap3A_1051 = arith.index_cast %mul3A_1048 : i32 to index
      %swap3A_1052 = tpu.vector_load %arg9[%swap3A_1050, %swap3A_1051] {strides = array<i32>} : memref<64x512xf32, #tpu.memory_space<vmem>>, vector<1x16xf32>,
      %swap3A_1053 = vector.shape_cast %swap3A_1052 : vector<1x16xf32> to vector<16xf32>
      %swap3A_1054 = vector.shape_cast %get3A_538 : vector<16xf32> to vector<1x16xf32>
      tpu.vector_store %arg9[%swap3A_1050, %swap3A_1051], %swap3A_1054 {strides = array<i32>} : memref<64x512xf32, #tpu.memory_space<vmem>>, vector<1x16xf32>,
    }
    %scan3A_544 = arith.constant 32 : i32
    %get3A_545 = arith.constant 34 : i32
    %get3A_546 = arith.index_cast %get3A_545 : i32 to index
    %get3A_547 = arith.constant 0 : index
    %get3A_548 = tpu.vector_load %arg6[%get3A_546, %get3A_547] {strides = array<i32>} : memref<64x16xf32, #tpu.memory_space<vmem>>, vector<1x16xf32>,
    %get3A_549 = vector.shape_cast %get3A_548 : vector<1x16xf32> to vector<16xf32>
    %get3A_550 = arith.constant 34 : i32
    %get3A_551 = arith.index_cast %get3A_550 : i32 to index
    %get3A_552 = arith.constant 0 : index
    %get3A_553 = tpu.vector_load %arg7[%get3A_551, %get3A_552] {strides = array<i32>} : memref<64x16xf32, #tpu.memory_space<vmem>>, vector<1x16xf32>,
    %get3A_554 = vector.shape_cast %get3A_553 : vector<1x16xf32> to vector<16xf32>
    %scan3A_555 = arith.constant 0 : i32
    %scan3A_556 = arith.constant 0 : i32
    %scan3A_557 = arith.constant 32 : i32
    %scan3A_558 = arith.addi %scan3A_556, %scan3A_557 : i32
    %scan3A_559 = arith.constant 1 : i32
    scf.for %scan3A_1039 = %scan3A_556 to %scan3A_558 step %scan3A_559  : i32 {
      %mul3A_1040 = arith.constant 16 : i32
      %mul3A_1041 = arith.muli %scan3A_1039, %mul3A_1040 : i32
      %swap3A = arith.constant 34 : i32
      %swap3A_1042 = arith.index_cast %swap3A : i32 to index
      %swap3A_1043 = arith.index_cast %mul3A_1041 : i32 to index
      %swap3A_1044 = tpu.vector_load %arg8[%swap3A_1042, %swap3A_1043] {strides = array<i32>} : memref<64x512xf32, #tpu.memory_space<vmem>>, vector<1x16xf32>,
      %swap3A_1045 = vector.shape_cast %swap3A_1044 : vector<1x16xf32> to vector<16xf32>
      %swap3A_1046 = vector.shape_cast %get3A_549 : vector<16xf32> to vector<1x16xf32>
      tpu.vector_store %arg8[%swap3A_1042, %swap3A_1043], %swap3A_1046 {strides = array<i32>} : memref<64x512xf32, #tpu.memory_space<vmem>>, vector<1x16xf32>,
      %mul3A_1047 = arith.constant 16 : i32
      %mul3A_1048 = arith.muli %scan3A_1039, %mul3A_1047 : i32
      %swap3A_1049 = arith.constant 34 : i32
      %swap3A_1050 = arith.index_cast %swap3A_1049 : i32 to index
      %swap3A_1051 = arith.index_cast %mul3A_1048 : i32 to index
      %swap3A_1052 = tpu.vector_load %arg9[%swap3A_1050, %swap3A_1051] {strides = array<i32>} : memref<64x512xf32, #tpu.memory_space<vmem>>, vector<1x16xf32>,
      %swap3A_1053 = vector.shape_cast %swap3A_1052 : vector<1x16xf32> to vector<16xf32>
      %swap3A_1054 = vector.shape_cast %get3A_554 : vector<16xf32> to vector<1x16xf32>
      tpu.vector_store %arg9[%swap3A_1050, %swap3A_1051], %swap3A_1054 {strides = array<i32>} : memref<64x512xf32, #tpu.memory_space<vmem>>, vector<1x16xf32>,
    }
    %scan3A_560 = arith.constant 32 : i32
    %get3A_561 = arith.constant 35 : i32
    %get3A_562 = arith.index_cast %get3A_561 : i32 to index
    %get3A_563 = arith.constant 0 : index
    %get3A_564 = tpu.vector_load %arg6[%get3A_562, %get3A_563] {strides = array<i32>} : memref<64x16xf32, #tpu.memory_space<vmem>>, vector<1x16xf32>,
    %get3A_565 = vector.shape_cast %get3A_564 : vector<1x16xf32> to vector<16xf32>
    %get3A_566 = arith.constant 35 : i32
    %get3A_567 = arith.index_cast %get3A_566 : i32 to index
    %get3A_568 = arith.constant 0 : index
    %get3A_569 = tpu.vector_load %arg7[%get3A_567, %get3A_568] {strides = array<i32>} : memref<64x16xf32, #tpu.memory_space<vmem>>, vector<1x16xf32>,
    %get3A_570 = vector.shape_cast %get3A_569 : vector<1x16xf32> to vector<16xf32>
    %scan3A_571 = arith.constant 0 : i32
    %scan3A_572 = arith.constant 0 : i32
    %scan3A_573 = arith.constant 32 : i32
    %scan3A_574 = arith.addi %scan3A_572, %scan3A_573 : i32
    %scan3A_575 = arith.constant 1 : i32
    scf.for %scan3A_1039 = %scan3A_572 to %scan3A_574 step %scan3A_575  : i32 {
      %mul3A_1040 = arith.constant 16 : i32
      %mul3A_1041 = arith.muli %scan3A_1039, %mul3A_1040 : i32
      %swap3A = arith.constant 35 : i32
      %swap3A_1042 = arith.index_cast %swap3A : i32 to index
      %swap3A_1043 = arith.index_cast %mul3A_1041 : i32 to index
      %swap3A_1044 = tpu.vector_load %arg8[%swap3A_1042, %swap3A_1043] {strides = array<i32>} : memref<64x512xf32, #tpu.memory_space<vmem>>, vector<1x16xf32>,
      %swap3A_1045 = vector.shape_cast %swap3A_1044 : vector<1x16xf32> to vector<16xf32>
      %swap3A_1046 = vector.shape_cast %get3A_565 : vector<16xf32> to vector<1x16xf32>
      tpu.vector_store %arg8[%swap3A_1042, %swap3A_1043], %swap3A_1046 {strides = array<i32>} : memref<64x512xf32, #tpu.memory_space<vmem>>, vector<1x16xf32>,
      %mul3A_1047 = arith.constant 16 : i32
      %mul3A_1048 = arith.muli %scan3A_1039, %mul3A_1047 : i32
      %swap3A_1049 = arith.constant 35 : i32
      %swap3A_1050 = arith.index_cast %swap3A_1049 : i32 to index
      %swap3A_1051 = arith.index_cast %mul3A_1048 : i32 to index
      %swap3A_1052 = tpu.vector_load %arg9[%swap3A_1050, %swap3A_1051] {strides = array<i32>} : memref<64x512xf32, #tpu.memory_space<vmem>>, vector<1x16xf32>,
      %swap3A_1053 = vector.shape_cast %swap3A_1052 : vector<1x16xf32> to vector<16xf32>
      %swap3A_1054 = vector.shape_cast %get3A_570 : vector<16xf32> to vector<1x16xf32>
      tpu.vector_store %arg9[%swap3A_1050, %swap3A_1051], %swap3A_1054 {strides = array<i32>} : memref<64x512xf32, #tpu.memory_space<vmem>>, vector<1x16xf32>,
    }
    %scan3A_576 = arith.constant 32 : i32
    %get3A_577 = arith.constant 36 : i32
    %get3A_578 = arith.index_cast %get3A_577 : i32 to index
    %get3A_579 = arith.constant 0 : index
    %get3A_580 = tpu.vector_load %arg6[%get3A_578, %get3A_579] {strides = array<i32>} : memref<64x16xf32, #tpu.memory_space<vmem>>, vector<1x16xf32>,
    %get3A_581 = vector.shape_cast %get3A_580 : vector<1x16xf32> to vector<16xf32>
    %get3A_582 = arith.constant 36 : i32
    %get3A_583 = arith.index_cast %get3A_582 : i32 to index
    %get3A_584 = arith.constant 0 : index
    %get3A_585 = tpu.vector_load %arg7[%get3A_583, %get3A_584] {strides = array<i32>} : memref<64x16xf32, #tpu.memory_space<vmem>>, vector<1x16xf32>,
    %get3A_586 = vector.shape_cast %get3A_585 : vector<1x16xf32> to vector<16xf32>
    %scan3A_587 = arith.constant 0 : i32
    %scan3A_588 = arith.constant 0 : i32
    %scan3A_589 = arith.constant 32 : i32
    %scan3A_590 = arith.addi %scan3A_588, %scan3A_589 : i32
    %scan3A_591 = arith.constant 1 : i32
    scf.for %scan3A_1039 = %scan3A_588 to %scan3A_590 step %scan3A_591  : i32 {
      %mul3A_1040 = arith.constant 16 : i32
      %mul3A_1041 = arith.muli %scan3A_1039, %mul3A_1040 : i32
      %swap3A = arith.constant 36 : i32
      %swap3A_1042 = arith.index_cast %swap3A : i32 to index
      %swap3A_1043 = arith.index_cast %mul3A_1041 : i32 to index
      %swap3A_1044 = tpu.vector_load %arg8[%swap3A_1042, %swap3A_1043] {strides = array<i32>} : memref<64x512xf32, #tpu.memory_space<vmem>>, vector<1x16xf32>,
      %swap3A_1045 = vector.shape_cast %swap3A_1044 : vector<1x16xf32> to vector<16xf32>
      %swap3A_1046 = vector.shape_cast %get3A_581 : vector<16xf32> to vector<1x16xf32>
      tpu.vector_store %arg8[%swap3A_1042, %swap3A_1043], %swap3A_1046 {strides = array<i32>} : memref<64x512xf32, #tpu.memory_space<vmem>>, vector<1x16xf32>,
      %mul3A_1047 = arith.constant 16 : i32
      %mul3A_1048 = arith.muli %scan3A_1039, %mul3A_1047 : i32
      %swap3A_1049 = arith.constant 36 : i32
      %swap3A_1050 = arith.index_cast %swap3A_1049 : i32 to index
      %swap3A_1051 = arith.index_cast %mul3A_1048 : i32 to index
      %swap3A_1052 = tpu.vector_load %arg9[%swap3A_1050, %swap3A_1051] {strides = array<i32>} : memref<64x512xf32, #tpu.memory_space<vmem>>, vector<1x16xf32>,
      %swap3A_1053 = vector.shape_cast %swap3A_1052 : vector<1x16xf32> to vector<16xf32>
      %swap3A_1054 = vector.shape_cast %get3A_586 : vector<16xf32> to vector<1x16xf32>
      tpu.vector_store %arg9[%swap3A_1050, %swap3A_1051], %swap3A_1054 {strides = array<i32>} : memref<64x512xf32, #tpu.memory_space<vmem>>, vector<1x16xf32>,
    }
    %scan3A_592 = arith.constant 32 : i32
    %get3A_593 = arith.constant 37 : i32
    %get3A_594 = arith.index_cast %get3A_593 : i32 to index
    %get3A_595 = arith.constant 0 : index
    %get3A_596 = tpu.vector_load %arg6[%get3A_594, %get3A_595] {strides = array<i32>} : memref<64x16xf32, #tpu.memory_space<vmem>>, vector<1x16xf32>,
    %get3A_597 = vector.shape_cast %get3A_596 : vector<1x16xf32> to vector<16xf32>
    %get3A_598 = arith.constant 37 : i32
    %get3A_599 = arith.index_cast %get3A_598 : i32 to index
    %get3A_600 = arith.constant 0 : index
    %get3A_601 = tpu.vector_load %arg7[%get3A_599, %get3A_600] {strides = array<i32>} : memref<64x16xf32, #tpu.memory_space<vmem>>, vector<1x16xf32>,
    %get3A_602 = vector.shape_cast %get3A_601 : vector<1x16xf32> to vector<16xf32>
    %scan3A_603 = arith.constant 0 : i32
    %scan3A_604 = arith.constant 0 : i32
    %scan3A_605 = arith.constant 32 : i32
    %scan3A_606 = arith.addi %scan3A_604, %scan3A_605 : i32
    %scan3A_607 = arith.constant 1 : i32
    scf.for %scan3A_1039 = %scan3A_604 to %scan3A_606 step %scan3A_607  : i32 {
      %mul3A_1040 = arith.constant 16 : i32
      %mul3A_1041 = arith.muli %scan3A_1039, %mul3A_1040 : i32
      %swap3A = arith.constant 37 : i32
      %swap3A_1042 = arith.index_cast %swap3A : i32 to index
      %swap3A_1043 = arith.index_cast %mul3A_1041 : i32 to index
      %swap3A_1044 = tpu.vector_load %arg8[%swap3A_1042, %swap3A_1043] {strides = array<i32>} : memref<64x512xf32, #tpu.memory_space<vmem>>, vector<1x16xf32>,
      %swap3A_1045 = vector.shape_cast %swap3A_1044 : vector<1x16xf32> to vector<16xf32>
      %swap3A_1046 = vector.shape_cast %get3A_597 : vector<16xf32> to vector<1x16xf32>
      tpu.vector_store %arg8[%swap3A_1042, %swap3A_1043], %swap3A_1046 {strides = array<i32>} : memref<64x512xf32, #tpu.memory_space<vmem>>, vector<1x16xf32>,
      %mul3A_1047 = arith.constant 16 : i32
      %mul3A_1048 = arith.muli %scan3A_1039, %mul3A_1047 : i32
      %swap3A_1049 = arith.constant 37 : i32
      %swap3A_1050 = arith.index_cast %swap3A_1049 : i32 to index
      %swap3A_1051 = arith.index_cast %mul3A_1048 : i32 to index
      %swap3A_1052 = tpu.vector_load %arg9[%swap3A_1050, %swap3A_1051] {strides = array<i32>} : memref<64x512xf32, #tpu.memory_space<vmem>>, vector<1x16xf32>,
      %swap3A_1053 = vector.shape_cast %swap3A_1052 : vector<1x16xf32> to vector<16xf32>
      %swap3A_1054 = vector.shape_cast %get3A_602 : vector<16xf32> to vector<1x16xf32>
      tpu.vector_store %arg9[%swap3A_1050, %swap3A_1051], %swap3A_1054 {strides = array<i32>} : memref<64x512xf32, #tpu.memory_space<vmem>>, vector<1x16xf32>,
    }
    %scan3A_608 = arith.constant 32 : i32
    %get3A_609 = arith.constant 38 : i32
    %get3A_610 = arith.index_cast %get3A_609 : i32 to index
    %get3A_611 = arith.constant 0 : index
    %get3A_612 = tpu.vector_load %arg6[%get3A_610, %get3A_611] {strides = array<i32>} : memref<64x16xf32, #tpu.memory_space<vmem>>, vector<1x16xf32>,
    %get3A_613 = vector.shape_cast %get3A_612 : vector<1x16xf32> to vector<16xf32>
    %get3A_614 = arith.constant 38 : i32
    %get3A_615 = arith.index_cast %get3A_614 : i32 to index
    %get3A_616 = arith.constant 0 : index
    %get3A_617 = tpu.vector_load %arg7[%get3A_615, %get3A_616] {strides = array<i32>} : memref<64x16xf32, #tpu.memory_space<vmem>>, vector<1x16xf32>,
    %get3A_618 = vector.shape_cast %get3A_617 : vector<1x16xf32> to vector<16xf32>
    %scan3A_619 = arith.constant 0 : i32
    %scan3A_620 = arith.constant 0 : i32
    %scan3A_621 = arith.constant 32 : i32
    %scan3A_622 = arith.addi %scan3A_620, %scan3A_621 : i32
    %scan3A_623 = arith.constant 1 : i32
    scf.for %scan3A_1039 = %scan3A_620 to %scan3A_622 step %scan3A_623  : i32 {
      %mul3A_1040 = arith.constant 16 : i32
      %mul3A_1041 = arith.muli %scan3A_1039, %mul3A_1040 : i32
      %swap3A = arith.constant 38 : i32
      %swap3A_1042 = arith.index_cast %swap3A : i32 to index
      %swap3A_1043 = arith.index_cast %mul3A_1041 : i32 to index
      %swap3A_1044 = tpu.vector_load %arg8[%swap3A_1042, %swap3A_1043] {strides = array<i32>} : memref<64x512xf32, #tpu.memory_space<vmem>>, vector<1x16xf32>,
      %swap3A_1045 = vector.shape_cast %swap3A_1044 : vector<1x16xf32> to vector<16xf32>
      %swap3A_1046 = vector.shape_cast %get3A_613 : vector<16xf32> to vector<1x16xf32>
      tpu.vector_store %arg8[%swap3A_1042, %swap3A_1043], %swap3A_1046 {strides = array<i32>} : memref<64x512xf32, #tpu.memory_space<vmem>>, vector<1x16xf32>,
      %mul3A_1047 = arith.constant 16 : i32
      %mul3A_1048 = arith.muli %scan3A_1039, %mul3A_1047 : i32
      %swap3A_1049 = arith.constant 38 : i32
      %swap3A_1050 = arith.index_cast %swap3A_1049 : i32 to index
      %swap3A_1051 = arith.index_cast %mul3A_1048 : i32 to index
      %swap3A_1052 = tpu.vector_load %arg9[%swap3A_1050, %swap3A_1051] {strides = array<i32>} : memref<64x512xf32, #tpu.memory_space<vmem>>, vector<1x16xf32>,
      %swap3A_1053 = vector.shape_cast %swap3A_1052 : vector<1x16xf32> to vector<16xf32>
      %swap3A_1054 = vector.shape_cast %get3A_618 : vector<16xf32> to vector<1x16xf32>
      tpu.vector_store %arg9[%swap3A_1050, %swap3A_1051], %swap3A_1054 {strides = array<i32>} : memref<64x512xf32, #tpu.memory_space<vmem>>, vector<1x16xf32>,
    }
    %scan3A_624 = arith.constant 32 : i32
    %get3A_625 = arith.constant 39 : i32
    %get3A_626 = arith.index_cast %get3A_625 : i32 to index
    %get3A_627 = arith.constant 0 : index
    %get3A_628 = tpu.vector_load %arg6[%get3A_626, %get3A_627] {strides = array<i32>} : memref<64x16xf32, #tpu.memory_space<vmem>>, vector<1x16xf32>,
    %get3A_629 = vector.shape_cast %get3A_628 : vector<1x16xf32> to vector<16xf32>
    %get3A_630 = arith.constant 39 : i32
    %get3A_631 = arith.index_cast %get3A_630 : i32 to index
    %get3A_632 = arith.constant 0 : index
    %get3A_633 = tpu.vector_load %arg7[%get3A_631, %get3A_632] {strides = array<i32>} : memref<64x16xf32, #tpu.memory_space<vmem>>, vector<1x16xf32>,
    %get3A_634 = vector.shape_cast %get3A_633 : vector<1x16xf32> to vector<16xf32>
    %scan3A_635 = arith.constant 0 : i32
    %scan3A_636 = arith.constant 0 : i32
    %scan3A_637 = arith.constant 32 : i32
    %scan3A_638 = arith.addi %scan3A_636, %scan3A_637 : i32
    %scan3A_639 = arith.constant 1 : i32
    scf.for %scan3A_1039 = %scan3A_636 to %scan3A_638 step %scan3A_639  : i32 {
      %mul3A_1040 = arith.constant 16 : i32
      %mul3A_1041 = arith.muli %scan3A_1039, %mul3A_1040 : i32
      %swap3A = arith.constant 39 : i32
      %swap3A_1042 = arith.index_cast %swap3A : i32 to index
      %swap3A_1043 = arith.index_cast %mul3A_1041 : i32 to index
      %swap3A_1044 = tpu.vector_load %arg8[%swap3A_1042, %swap3A_1043] {strides = array<i32>} : memref<64x512xf32, #tpu.memory_space<vmem>>, vector<1x16xf32>,
      %swap3A_1045 = vector.shape_cast %swap3A_1044 : vector<1x16xf32> to vector<16xf32>
      %swap3A_1046 = vector.shape_cast %get3A_629 : vector<16xf32> to vector<1x16xf32>
      tpu.vector_store %arg8[%swap3A_1042, %swap3A_1043], %swap3A_1046 {strides = array<i32>} : memref<64x512xf32, #tpu.memory_space<vmem>>, vector<1x16xf32>,
      %mul3A_1047 = arith.constant 16 : i32
      %mul3A_1048 = arith.muli %scan3A_1039, %mul3A_1047 : i32
      %swap3A_1049 = arith.constant 39 : i32
      %swap3A_1050 = arith.index_cast %swap3A_1049 : i32 to index
      %swap3A_1051 = arith.index_cast %mul3A_1048 : i32 to index
      %swap3A_1052 = tpu.vector_load %arg9[%swap3A_1050, %swap3A_1051] {strides = array<i32>} : memref<64x512xf32, #tpu.memory_space<vmem>>, vector<1x16xf32>,
      %swap3A_1053 = vector.shape_cast %swap3A_1052 : vector<1x16xf32> to vector<16xf32>
      %swap3A_1054 = vector.shape_cast %get3A_634 : vector<16xf32> to vector<1x16xf32>
      tpu.vector_store %arg9[%swap3A_1050, %swap3A_1051], %swap3A_1054 {strides = array<i32>} : memref<64x512xf32, #tpu.memory_space<vmem>>, vector<1x16xf32>,
    }
    %scan3A_640 = arith.constant 32 : i32
    %get3A_641 = arith.constant 40 : i32
    %get3A_642 = arith.index_cast %get3A_641 : i32 to index
    %get3A_643 = arith.constant 0 : index
    %get3A_644 = tpu.vector_load %arg6[%get3A_642, %get3A_643] {strides = array<i32>} : memref<64x16xf32, #tpu.memory_space<vmem>>, vector<1x16xf32>,
    %get3A_645 = vector.shape_cast %get3A_644 : vector<1x16xf32> to vector<16xf32>
    %get3A_646 = arith.constant 40 : i32
    %get3A_647 = arith.index_cast %get3A_646 : i32 to index
    %get3A_648 = arith.constant 0 : index
    %get3A_649 = tpu.vector_load %arg7[%get3A_647, %get3A_648] {strides = array<i32>} : memref<64x16xf32, #tpu.memory_space<vmem>>, vector<1x16xf32>,
    %get3A_650 = vector.shape_cast %get3A_649 : vector<1x16xf32> to vector<16xf32>
    %scan3A_651 = arith.constant 0 : i32
    %scan3A_652 = arith.constant 0 : i32
    %scan3A_653 = arith.constant 32 : i32
    %scan3A_654 = arith.addi %scan3A_652, %scan3A_653 : i32
    %scan3A_655 = arith.constant 1 : i32
    scf.for %scan3A_1039 = %scan3A_652 to %scan3A_654 step %scan3A_655  : i32 {
      %mul3A_1040 = arith.constant 16 : i32
      %mul3A_1041 = arith.muli %scan3A_1039, %mul3A_1040 : i32
      %swap3A = arith.constant 40 : i32
      %swap3A_1042 = arith.index_cast %swap3A : i32 to index
      %swap3A_1043 = arith.index_cast %mul3A_1041 : i32 to index
      %swap3A_1044 = tpu.vector_load %arg8[%swap3A_1042, %swap3A_1043] {strides = array<i32>} : memref<64x512xf32, #tpu.memory_space<vmem>>, vector<1x16xf32>,
      %swap3A_1045 = vector.shape_cast %swap3A_1044 : vector<1x16xf32> to vector<16xf32>
      %swap3A_1046 = vector.shape_cast %get3A_645 : vector<16xf32> to vector<1x16xf32>
      tpu.vector_store %arg8[%swap3A_1042, %swap3A_1043], %swap3A_1046 {strides = array<i32>} : memref<64x512xf32, #tpu.memory_space<vmem>>, vector<1x16xf32>,
      %mul3A_1047 = arith.constant 16 : i32
      %mul3A_1048 = arith.muli %scan3A_1039, %mul3A_1047 : i32
      %swap3A_1049 = arith.constant 40 : i32
      %swap3A_1050 = arith.index_cast %swap3A_1049 : i32 to index
      %swap3A_1051 = arith.index_cast %mul3A_1048 : i32 to index
      %swap3A_1052 = tpu.vector_load %arg9[%swap3A_1050, %swap3A_1051] {strides = array<i32>} : memref<64x512xf32, #tpu.memory_space<vmem>>, vector<1x16xf32>,
      %swap3A_1053 = vector.shape_cast %swap3A_1052 : vector<1x16xf32> to vector<16xf32>
      %swap3A_1054 = vector.shape_cast %get3A_650 : vector<16xf32> to vector<1x16xf32>
      tpu.vector_store %arg9[%swap3A_1050, %swap3A_1051], %swap3A_1054 {strides = array<i32>} : memref<64x512xf32, #tpu.memory_space<vmem>>, vector<1x16xf32>,
    }
    %scan3A_656 = arith.constant 32 : i32
    %get3A_657 = arith.constant 41 : i32
    %get3A_658 = arith.index_cast %get3A_657 : i32 to index
    %get3A_659 = arith.constant 0 : index
    %get3A_660 = tpu.vector_load %arg6[%get3A_658, %get3A_659] {strides = array<i32>} : memref<64x16xf32, #tpu.memory_space<vmem>>, vector<1x16xf32>,
    %get3A_661 = vector.shape_cast %get3A_660 : vector<1x16xf32> to vector<16xf32>
    %get3A_662 = arith.constant 41 : i32
    %get3A_663 = arith.index_cast %get3A_662 : i32 to index
    %get3A_664 = arith.constant 0 : index
    %get3A_665 = tpu.vector_load %arg7[%get3A_663, %get3A_664] {strides = array<i32>} : memref<64x16xf32, #tpu.memory_space<vmem>>, vector<1x16xf32>,
    %get3A_666 = vector.shape_cast %get3A_665 : vector<1x16xf32> to vector<16xf32>
    %scan3A_667 = arith.constant 0 : i32
    %scan3A_668 = arith.constant 0 : i32
    %scan3A_669 = arith.constant 32 : i32
    %scan3A_670 = arith.addi %scan3A_668, %scan3A_669 : i32
    %scan3A_671 = arith.constant 1 : i32
    scf.for %scan3A_1039 = %scan3A_668 to %scan3A_670 step %scan3A_671  : i32 {
      %mul3A_1040 = arith.constant 16 : i32
      %mul3A_1041 = arith.muli %scan3A_1039, %mul3A_1040 : i32
      %swap3A = arith.constant 41 : i32
      %swap3A_1042 = arith.index_cast %swap3A : i32 to index
      %swap3A_1043 = arith.index_cast %mul3A_1041 : i32 to index
      %swap3A_1044 = tpu.vector_load %arg8[%swap3A_1042, %swap3A_1043] {strides = array<i32>} : memref<64x512xf32, #tpu.memory_space<vmem>>, vector<1x16xf32>,
      %swap3A_1045 = vector.shape_cast %swap3A_1044 : vector<1x16xf32> to vector<16xf32>
      %swap3A_1046 = vector.shape_cast %get3A_661 : vector<16xf32> to vector<1x16xf32>
      tpu.vector_store %arg8[%swap3A_1042, %swap3A_1043], %swap3A_1046 {strides = array<i32>} : memref<64x512xf32, #tpu.memory_space<vmem>>, vector<1x16xf32>,
      %mul3A_1047 = arith.constant 16 : i32
      %mul3A_1048 = arith.muli %scan3A_1039, %mul3A_1047 : i32
      %swap3A_1049 = arith.constant 41 : i32
      %swap3A_1050 = arith.index_cast %swap3A_1049 : i32 to index
      %swap3A_1051 = arith.index_cast %mul3A_1048 : i32 to index
      %swap3A_1052 = tpu.vector_load %arg9[%swap3A_1050, %swap3A_1051] {strides = array<i32>} : memref<64x512xf32, #tpu.memory_space<vmem>>, vector<1x16xf32>,
      %swap3A_1053 = vector.shape_cast %swap3A_1052 : vector<1x16xf32> to vector<16xf32>
      %swap3A_1054 = vector.shape_cast %get3A_666 : vector<16xf32> to vector<1x16xf32>
      tpu.vector_store %arg9[%swap3A_1050, %swap3A_1051], %swap3A_1054 {strides = array<i32>} : memref<64x512xf32, #tpu.memory_space<vmem>>, vector<1x16xf32>,
    }
    %scan3A_672 = arith.constant 32 : i32
    %get3A_673 = arith.constant 42 : i32
    %get3A_674 = arith.index_cast %get3A_673 : i32 to index
    %get3A_675 = arith.constant 0 : index
    %get3A_676 = tpu.vector_load %arg6[%get3A_674, %get3A_675] {strides = array<i32>} : memref<64x16xf32, #tpu.memory_space<vmem>>, vector<1x16xf32>,
    %get3A_677 = vector.shape_cast %get3A_676 : vector<1x16xf32> to vector<16xf32>
    %get3A_678 = arith.constant 42 : i32
    %get3A_679 = arith.index_cast %get3A_678 : i32 to index
    %get3A_680 = arith.constant 0 : index
    %get3A_681 = tpu.vector_load %arg7[%get3A_679, %get3A_680] {strides = array<i32>} : memref<64x16xf32, #tpu.memory_space<vmem>>, vector<1x16xf32>,
    %get3A_682 = vector.shape_cast %get3A_681 : vector<1x16xf32> to vector<16xf32>
    %scan3A_683 = arith.constant 0 : i32
    %scan3A_684 = arith.constant 0 : i32
    %scan3A_685 = arith.constant 32 : i32
    %scan3A_686 = arith.addi %scan3A_684, %scan3A_685 : i32
    %scan3A_687 = arith.constant 1 : i32
    scf.for %scan3A_1039 = %scan3A_684 to %scan3A_686 step %scan3A_687  : i32 {
      %mul3A_1040 = arith.constant 16 : i32
      %mul3A_1041 = arith.muli %scan3A_1039, %mul3A_1040 : i32
      %swap3A = arith.constant 42 : i32
      %swap3A_1042 = arith.index_cast %swap3A : i32 to index
      %swap3A_1043 = arith.index_cast %mul3A_1041 : i32 to index
      %swap3A_1044 = tpu.vector_load %arg8[%swap3A_1042, %swap3A_1043] {strides = array<i32>} : memref<64x512xf32, #tpu.memory_space<vmem>>, vector<1x16xf32>,
      %swap3A_1045 = vector.shape_cast %swap3A_1044 : vector<1x16xf32> to vector<16xf32>
      %swap3A_1046 = vector.shape_cast %get3A_677 : vector<16xf32> to vector<1x16xf32>
      tpu.vector_store %arg8[%swap3A_1042, %swap3A_1043], %swap3A_1046 {strides = array<i32>} : memref<64x512xf32, #tpu.memory_space<vmem>>, vector<1x16xf32>,
      %mul3A_1047 = arith.constant 16 : i32
      %mul3A_1048 = arith.muli %scan3A_1039, %mul3A_1047 : i32
      %swap3A_1049 = arith.constant 42 : i32
      %swap3A_1050 = arith.index_cast %swap3A_1049 : i32 to index
      %swap3A_1051 = arith.index_cast %mul3A_1048 : i32 to index
      %swap3A_1052 = tpu.vector_load %arg9[%swap3A_1050, %swap3A_1051] {strides = array<i32>} : memref<64x512xf32, #tpu.memory_space<vmem>>, vector<1x16xf32>,
      %swap3A_1053 = vector.shape_cast %swap3A_1052 : vector<1x16xf32> to vector<16xf32>
      %swap3A_1054 = vector.shape_cast %get3A_682 : vector<16xf32> to vector<1x16xf32>
      tpu.vector_store %arg9[%swap3A_1050, %swap3A_1051], %swap3A_1054 {strides = array<i32>} : memref<64x512xf32, #tpu.memory_space<vmem>>, vector<1x16xf32>,
    }
    %scan3A_688 = arith.constant 32 : i32
    %get3A_689 = arith.constant 43 : i32
    %get3A_690 = arith.index_cast %get3A_689 : i32 to index
    %get3A_691 = arith.constant 0 : index
    %get3A_692 = tpu.vector_load %arg6[%get3A_690, %get3A_691] {strides = array<i32>} : memref<64x16xf32, #tpu.memory_space<vmem>>, vector<1x16xf32>,
    %get3A_693 = vector.shape_cast %get3A_692 : vector<1x16xf32> to vector<16xf32>
    %get3A_694 = arith.constant 43 : i32
    %get3A_695 = arith.index_cast %get3A_694 : i32 to index
    %get3A_696 = arith.constant 0 : index
    %get3A_697 = tpu.vector_load %arg7[%get3A_695, %get3A_696] {strides = array<i32>} : memref<64x16xf32, #tpu.memory_space<vmem>>, vector<1x16xf32>,
    %get3A_698 = vector.shape_cast %get3A_697 : vector<1x16xf32> to vector<16xf32>
    %scan3A_699 = arith.constant 0 : i32
    %scan3A_700 = arith.constant 0 : i32
    %scan3A_701 = arith.constant 32 : i32
    %scan3A_702 = arith.addi %scan3A_700, %scan3A_701 : i32
    %scan3A_703 = arith.constant 1 : i32
    scf.for %scan3A_1039 = %scan3A_700 to %scan3A_702 step %scan3A_703  : i32 {
      %mul3A_1040 = arith.constant 16 : i32
      %mul3A_1041 = arith.muli %scan3A_1039, %mul3A_1040 : i32
      %swap3A = arith.constant 43 : i32
      %swap3A_1042 = arith.index_cast %swap3A : i32 to index
      %swap3A_1043 = arith.index_cast %mul3A_1041 : i32 to index
      %swap3A_1044 = tpu.vector_load %arg8[%swap3A_1042, %swap3A_1043] {strides = array<i32>} : memref<64x512xf32, #tpu.memory_space<vmem>>, vector<1x16xf32>,
      %swap3A_1045 = vector.shape_cast %swap3A_1044 : vector<1x16xf32> to vector<16xf32>
      %swap3A_1046 = vector.shape_cast %get3A_693 : vector<16xf32> to vector<1x16xf32>
      tpu.vector_store %arg8[%swap3A_1042, %swap3A_1043], %swap3A_1046 {strides = array<i32>} : memref<64x512xf32, #tpu.memory_space<vmem>>, vector<1x16xf32>,
      %mul3A_1047 = arith.constant 16 : i32
      %mul3A_1048 = arith.muli %scan3A_1039, %mul3A_1047 : i32
      %swap3A_1049 = arith.constant 43 : i32
      %swap3A_1050 = arith.index_cast %swap3A_1049 : i32 to index
      %swap3A_1051 = arith.index_cast %mul3A_1048 : i32 to index
      %swap3A_1052 = tpu.vector_load %arg9[%swap3A_1050, %swap3A_1051] {strides = array<i32>} : memref<64x512xf32, #tpu.memory_space<vmem>>, vector<1x16xf32>,
      %swap3A_1053 = vector.shape_cast %swap3A_1052 : vector<1x16xf32> to vector<16xf32>
      %swap3A_1054 = vector.shape_cast %get3A_698 : vector<16xf32> to vector<1x16xf32>
      tpu.vector_store %arg9[%swap3A_1050, %swap3A_1051], %swap3A_1054 {strides = array<i32>} : memref<64x512xf32, #tpu.memory_space<vmem>>, vector<1x16xf32>,
    }
    %scan3A_704 = arith.constant 32 : i32
    %get3A_705 = arith.constant 44 : i32
    %get3A_706 = arith.index_cast %get3A_705 : i32 to index
    %get3A_707 = arith.constant 0 : index
    %get3A_708 = tpu.vector_load %arg6[%get3A_706, %get3A_707] {strides = array<i32>} : memref<64x16xf32, #tpu.memory_space<vmem>>, vector<1x16xf32>,
    %get3A_709 = vector.shape_cast %get3A_708 : vector<1x16xf32> to vector<16xf32>
    %get3A_710 = arith.constant 44 : i32
    %get3A_711 = arith.index_cast %get3A_710 : i32 to index
    %get3A_712 = arith.constant 0 : index
    %get3A_713 = tpu.vector_load %arg7[%get3A_711, %get3A_712] {strides = array<i32>} : memref<64x16xf32, #tpu.memory_space<vmem>>, vector<1x16xf32>,
    %get3A_714 = vector.shape_cast %get3A_713 : vector<1x16xf32> to vector<16xf32>
    %scan3A_715 = arith.constant 0 : i32
    %scan3A_716 = arith.constant 0 : i32
    %scan3A_717 = arith.constant 32 : i32
    %scan3A_718 = arith.addi %scan3A_716, %scan3A_717 : i32
    %scan3A_719 = arith.constant 1 : i32
    scf.for %scan3A_1039 = %scan3A_716 to %scan3A_718 step %scan3A_719  : i32 {
      %mul3A_1040 = arith.constant 16 : i32
      %mul3A_1041 = arith.muli %scan3A_1039, %mul3A_1040 : i32
      %swap3A = arith.constant 44 : i32
      %swap3A_1042 = arith.index_cast %swap3A : i32 to index
      %swap3A_1043 = arith.index_cast %mul3A_1041 : i32 to index
      %swap3A_1044 = tpu.vector_load %arg8[%swap3A_1042, %swap3A_1043] {strides = array<i32>} : memref<64x512xf32, #tpu.memory_space<vmem>>, vector<1x16xf32>,
      %swap3A_1045 = vector.shape_cast %swap3A_1044 : vector<1x16xf32> to vector<16xf32>
      %swap3A_1046 = vector.shape_cast %get3A_709 : vector<16xf32> to vector<1x16xf32>
      tpu.vector_store %arg8[%swap3A_1042, %swap3A_1043], %swap3A_1046 {strides = array<i32>} : memref<64x512xf32, #tpu.memory_space<vmem>>, vector<1x16xf32>,
      %mul3A_1047 = arith.constant 16 : i32
      %mul3A_1048 = arith.muli %scan3A_1039, %mul3A_1047 : i32
      %swap3A_1049 = arith.constant 44 : i32
      %swap3A_1050 = arith.index_cast %swap3A_1049 : i32 to index
      %swap3A_1051 = arith.index_cast %mul3A_1048 : i32 to index
      %swap3A_1052 = tpu.vector_load %arg9[%swap3A_1050, %swap3A_1051] {strides = array<i32>} : memref<64x512xf32, #tpu.memory_space<vmem>>, vector<1x16xf32>,
      %swap3A_1053 = vector.shape_cast %swap3A_1052 : vector<1x16xf32> to vector<16xf32>
      %swap3A_1054 = vector.shape_cast %get3A_714 : vector<16xf32> to vector<1x16xf32>
      tpu.vector_store %arg9[%swap3A_1050, %swap3A_1051], %swap3A_1054 {strides = array<i32>} : memref<64x512xf32, #tpu.memory_space<vmem>>, vector<1x16xf32>,
    }
    %scan3A_720 = arith.constant 32 : i32
    %get3A_721 = arith.constant 45 : i32
    %get3A_722 = arith.index_cast %get3A_721 : i32 to index
    %get3A_723 = arith.constant 0 : index
    %get3A_724 = tpu.vector_load %arg6[%get3A_722, %get3A_723] {strides = array<i32>} : memref<64x16xf32, #tpu.memory_space<vmem>>, vector<1x16xf32>,
    %get3A_725 = vector.shape_cast %get3A_724 : vector<1x16xf32> to vector<16xf32>
    %get3A_726 = arith.constant 45 : i32
    %get3A_727 = arith.index_cast %get3A_726 : i32 to index
    %get3A_728 = arith.constant 0 : index
    %get3A_729 = tpu.vector_load %arg7[%get3A_727, %get3A_728] {strides = array<i32>} : memref<64x16xf32, #tpu.memory_space<vmem>>, vector<1x16xf32>,
    %get3A_730 = vector.shape_cast %get3A_729 : vector<1x16xf32> to vector<16xf32>
    %scan3A_731 = arith.constant 0 : i32
    %scan3A_732 = arith.constant 0 : i32
    %scan3A_733 = arith.constant 32 : i32
    %scan3A_734 = arith.addi %scan3A_732, %scan3A_733 : i32
    %scan3A_735 = arith.constant 1 : i32
    scf.for %scan3A_1039 = %scan3A_732 to %scan3A_734 step %scan3A_735  : i32 {
      %mul3A_1040 = arith.constant 16 : i32
      %mul3A_1041 = arith.muli %scan3A_1039, %mul3A_1040 : i32
      %swap3A = arith.constant 45 : i32
      %swap3A_1042 = arith.index_cast %swap3A : i32 to index
      %swap3A_1043 = arith.index_cast %mul3A_1041 : i32 to index
      %swap3A_1044 = tpu.vector_load %arg8[%swap3A_1042, %swap3A_1043] {strides = array<i32>} : memref<64x512xf32, #tpu.memory_space<vmem>>, vector<1x16xf32>,
      %swap3A_1045 = vector.shape_cast %swap3A_1044 : vector<1x16xf32> to vector<16xf32>
      %swap3A_1046 = vector.shape_cast %get3A_725 : vector<16xf32> to vector<1x16xf32>
      tpu.vector_store %arg8[%swap3A_1042, %swap3A_1043], %swap3A_1046 {strides = array<i32>} : memref<64x512xf32, #tpu.memory_space<vmem>>, vector<1x16xf32>,
      %mul3A_1047 = arith.constant 16 : i32
      %mul3A_1048 = arith.muli %scan3A_1039, %mul3A_1047 : i32
      %swap3A_1049 = arith.constant 45 : i32
      %swap3A_1050 = arith.index_cast %swap3A_1049 : i32 to index
      %swap3A_1051 = arith.index_cast %mul3A_1048 : i32 to index
      %swap3A_1052 = tpu.vector_load %arg9[%swap3A_1050, %swap3A_1051] {strides = array<i32>} : memref<64x512xf32, #tpu.memory_space<vmem>>, vector<1x16xf32>,
      %swap3A_1053 = vector.shape_cast %swap3A_1052 : vector<1x16xf32> to vector<16xf32>
      %swap3A_1054 = vector.shape_cast %get3A_730 : vector<16xf32> to vector<1x16xf32>
      tpu.vector_store %arg9[%swap3A_1050, %swap3A_1051], %swap3A_1054 {strides = array<i32>} : memref<64x512xf32, #tpu.memory_space<vmem>>, vector<1x16xf32>,
    }
    %scan3A_736 = arith.constant 32 : i32
    %get3A_737 = arith.constant 46 : i32
    %get3A_738 = arith.index_cast %get3A_737 : i32 to index
    %get3A_739 = arith.constant 0 : index
    %get3A_740 = tpu.vector_load %arg6[%get3A_738, %get3A_739] {strides = array<i32>} : memref<64x16xf32, #tpu.memory_space<vmem>>, vector<1x16xf32>,
    %get3A_741 = vector.shape_cast %get3A_740 : vector<1x16xf32> to vector<16xf32>
    %get3A_742 = arith.constant 46 : i32
    %get3A_743 = arith.index_cast %get3A_742 : i32 to index
    %get3A_744 = arith.constant 0 : index
    %get3A_745 = tpu.vector_load %arg7[%get3A_743, %get3A_744] {strides = array<i32>} : memref<64x16xf32, #tpu.memory_space<vmem>>, vector<1x16xf32>,
    %get3A_746 = vector.shape_cast %get3A_745 : vector<1x16xf32> to vector<16xf32>
    %scan3A_747 = arith.constant 0 : i32
    %scan3A_748 = arith.constant 0 : i32
    %scan3A_749 = arith.constant 32 : i32
    %scan3A_750 = arith.addi %scan3A_748, %scan3A_749 : i32
    %scan3A_751 = arith.constant 1 : i32
    scf.for %scan3A_1039 = %scan3A_748 to %scan3A_750 step %scan3A_751  : i32 {
      %mul3A_1040 = arith.constant 16 : i32
      %mul3A_1041 = arith.muli %scan3A_1039, %mul3A_1040 : i32
      %swap3A = arith.constant 46 : i32
      %swap3A_1042 = arith.index_cast %swap3A : i32 to index
      %swap3A_1043 = arith.index_cast %mul3A_1041 : i32 to index
      %swap3A_1044 = tpu.vector_load %arg8[%swap3A_1042, %swap3A_1043] {strides = array<i32>} : memref<64x512xf32, #tpu.memory_space<vmem>>, vector<1x16xf32>,
      %swap3A_1045 = vector.shape_cast %swap3A_1044 : vector<1x16xf32> to vector<16xf32>
      %swap3A_1046 = vector.shape_cast %get3A_741 : vector<16xf32> to vector<1x16xf32>
      tpu.vector_store %arg8[%swap3A_1042, %swap3A_1043], %swap3A_1046 {strides = array<i32>} : memref<64x512xf32, #tpu.memory_space<vmem>>, vector<1x16xf32>,
      %mul3A_1047 = arith.constant 16 : i32
      %mul3A_1048 = arith.muli %scan3A_1039, %mul3A_1047 : i32
      %swap3A_1049 = arith.constant 46 : i32
      %swap3A_1050 = arith.index_cast %swap3A_1049 : i32 to index
      %swap3A_1051 = arith.index_cast %mul3A_1048 : i32 to index
      %swap3A_1052 = tpu.vector_load %arg9[%swap3A_1050, %swap3A_1051] {strides = array<i32>} : memref<64x512xf32, #tpu.memory_space<vmem>>, vector<1x16xf32>,
      %swap3A_1053 = vector.shape_cast %swap3A_1052 : vector<1x16xf32> to vector<16xf32>
      %swap3A_1054 = vector.shape_cast %get3A_746 : vector<16xf32> to vector<1x16xf32>
      tpu.vector_store %arg9[%swap3A_1050, %swap3A_1051], %swap3A_1054 {strides = array<i32>} : memref<64x512xf32, #tpu.memory_space<vmem>>, vector<1x16xf32>,
    }
    %scan3A_752 = arith.constant 32 : i32
    %get3A_753 = arith.constant 47 : i32
    %get3A_754 = arith.index_cast %get3A_753 : i32 to index
    %get3A_755 = arith.constant 0 : index
    %get3A_756 = tpu.vector_load %arg6[%get3A_754, %get3A_755] {strides = array<i32>} : memref<64x16xf32, #tpu.memory_space<vmem>>, vector<1x16xf32>,
    %get3A_757 = vector.shape_cast %get3A_756 : vector<1x16xf32> to vector<16xf32>
    %get3A_758 = arith.constant 47 : i32
    %get3A_759 = arith.index_cast %get3A_758 : i32 to index
    %get3A_760 = arith.constant 0 : index
    %get3A_761 = tpu.vector_load %arg7[%get3A_759, %get3A_760] {strides = array<i32>} : memref<64x16xf32, #tpu.memory_space<vmem>>, vector<1x16xf32>,
    %get3A_762 = vector.shape_cast %get3A_761 : vector<1x16xf32> to vector<16xf32>
    %scan3A_763 = arith.constant 0 : i32
    %scan3A_764 = arith.constant 0 : i32
    %scan3A_765 = arith.constant 32 : i32
    %scan3A_766 = arith.addi %scan3A_764, %scan3A_765 : i32
    %scan3A_767 = arith.constant 1 : i32
    scf.for %scan3A_1039 = %scan3A_764 to %scan3A_766 step %scan3A_767  : i32 {
      %mul3A_1040 = arith.constant 16 : i32
      %mul3A_1041 = arith.muli %scan3A_1039, %mul3A_1040 : i32
      %swap3A = arith.constant 47 : i32
      %swap3A_1042 = arith.index_cast %swap3A : i32 to index
      %swap3A_1043 = arith.index_cast %mul3A_1041 : i32 to index
      %swap3A_1044 = tpu.vector_load %arg8[%swap3A_1042, %swap3A_1043] {strides = array<i32>} : memref<64x512xf32, #tpu.memory_space<vmem>>, vector<1x16xf32>,
      %swap3A_1045 = vector.shape_cast %swap3A_1044 : vector<1x16xf32> to vector<16xf32>
      %swap3A_1046 = vector.shape_cast %get3A_757 : vector<16xf32> to vector<1x16xf32>
      tpu.vector_store %arg8[%swap3A_1042, %swap3A_1043], %swap3A_1046 {strides = array<i32>} : memref<64x512xf32, #tpu.memory_space<vmem>>, vector<1x16xf32>,
      %mul3A_1047 = arith.constant 16 : i32
      %mul3A_1048 = arith.muli %scan3A_1039, %mul3A_1047 : i32
      %swap3A_1049 = arith.constant 47 : i32
      %swap3A_1050 = arith.index_cast %swap3A_1049 : i32 to index
      %swap3A_1051 = arith.index_cast %mul3A_1048 : i32 to index
      %swap3A_1052 = tpu.vector_load %arg9[%swap3A_1050, %swap3A_1051] {strides = array<i32>} : memref<64x512xf32, #tpu.memory_space<vmem>>, vector<1x16xf32>,
      %swap3A_1053 = vector.shape_cast %swap3A_1052 : vector<1x16xf32> to vector<16xf32>
      %swap3A_1054 = vector.shape_cast %get3A_762 : vector<16xf32> to vector<1x16xf32>
      tpu.vector_store %arg9[%swap3A_1050, %swap3A_1051], %swap3A_1054 {strides = array<i32>} : memref<64x512xf32, #tpu.memory_space<vmem>>, vector<1x16xf32>,
    }
    %scan3A_768 = arith.constant 32 : i32
    %get3A_769 = arith.constant 48 : i32
    %get3A_770 = arith.index_cast %get3A_769 : i32 to index
    %get3A_771 = arith.constant 0 : index
    %get3A_772 = tpu.vector_load %arg6[%get3A_770, %get3A_771] {strides = array<i32>} : memref<64x16xf32, #tpu.memory_space<vmem>>, vector<1x16xf32>,
    %get3A_773 = vector.shape_cast %get3A_772 : vector<1x16xf32> to vector<16xf32>
    %get3A_774 = arith.constant 48 : i32
    %get3A_775 = arith.index_cast %get3A_774 : i32 to index
    %get3A_776 = arith.constant 0 : index
    %get3A_777 = tpu.vector_load %arg7[%get3A_775, %get3A_776] {strides = array<i32>} : memref<64x16xf32, #tpu.memory_space<vmem>>, vector<1x16xf32>,
    %get3A_778 = vector.shape_cast %get3A_777 : vector<1x16xf32> to vector<16xf32>
    %scan3A_779 = arith.constant 0 : i32
    %scan3A_780 = arith.constant 0 : i32
    %scan3A_781 = arith.constant 32 : i32
    %scan3A_782 = arith.addi %scan3A_780, %scan3A_781 : i32
    %scan3A_783 = arith.constant 1 : i32
    scf.for %scan3A_1039 = %scan3A_780 to %scan3A_782 step %scan3A_783  : i32 {
      %mul3A_1040 = arith.constant 16 : i32
      %mul3A_1041 = arith.muli %scan3A_1039, %mul3A_1040 : i32
      %swap3A = arith.constant 48 : i32
      %swap3A_1042 = arith.index_cast %swap3A : i32 to index
      %swap3A_1043 = arith.index_cast %mul3A_1041 : i32 to index
      %swap3A_1044 = tpu.vector_load %arg8[%swap3A_1042, %swap3A_1043] {strides = array<i32>} : memref<64x512xf32, #tpu.memory_space<vmem>>, vector<1x16xf32>,
      %swap3A_1045 = vector.shape_cast %swap3A_1044 : vector<1x16xf32> to vector<16xf32>
      %swap3A_1046 = vector.shape_cast %get3A_773 : vector<16xf32> to vector<1x16xf32>
      tpu.vector_store %arg8[%swap3A_1042, %swap3A_1043], %swap3A_1046 {strides = array<i32>} : memref<64x512xf32, #tpu.memory_space<vmem>>, vector<1x16xf32>,
      %mul3A_1047 = arith.constant 16 : i32
      %mul3A_1048 = arith.muli %scan3A_1039, %mul3A_1047 : i32
      %swap3A_1049 = arith.constant 48 : i32
      %swap3A_1050 = arith.index_cast %swap3A_1049 : i32 to index
      %swap3A_1051 = arith.index_cast %mul3A_1048 : i32 to index
      %swap3A_1052 = tpu.vector_load %arg9[%swap3A_1050, %swap3A_1051] {strides = array<i32>} : memref<64x512xf32, #tpu.memory_space<vmem>>, vector<1x16xf32>,
      %swap3A_1053 = vector.shape_cast %swap3A_1052 : vector<1x16xf32> to vector<16xf32>
      %swap3A_1054 = vector.shape_cast %get3A_778 : vector<16xf32> to vector<1x16xf32>
      tpu.vector_store %arg9[%swap3A_1050, %swap3A_1051], %swap3A_1054 {strides = array<i32>} : memref<64x512xf32, #tpu.memory_space<vmem>>, vector<1x16xf32>,
    }
    %scan3A_784 = arith.constant 32 : i32
    %get3A_785 = arith.constant 49 : i32
    %get3A_786 = arith.index_cast %get3A_785 : i32 to index
    %get3A_787 = arith.constant 0 : index
    %get3A_788 = tpu.vector_load %arg6[%get3A_786, %get3A_787] {strides = array<i32>} : memref<64x16xf32, #tpu.memory_space<vmem>>, vector<1x16xf32>,
    %get3A_789 = vector.shape_cast %get3A_788 : vector<1x16xf32> to vector<16xf32>
    %get3A_790 = arith.constant 49 : i32
    %get3A_791 = arith.index_cast %get3A_790 : i32 to index
    %get3A_792 = arith.constant 0 : index
    %get3A_793 = tpu.vector_load %arg7[%get3A_791, %get3A_792] {strides = array<i32>} : memref<64x16xf32, #tpu.memory_space<vmem>>, vector<1x16xf32>,
    %get3A_794 = vector.shape_cast %get3A_793 : vector<1x16xf32> to vector<16xf32>
    %scan3A_795 = arith.constant 0 : i32
    %scan3A_796 = arith.constant 0 : i32
    %scan3A_797 = arith.constant 32 : i32
    %scan3A_798 = arith.addi %scan3A_796, %scan3A_797 : i32
    %scan3A_799 = arith.constant 1 : i32
    scf.for %scan3A_1039 = %scan3A_796 to %scan3A_798 step %scan3A_799  : i32 {
      %mul3A_1040 = arith.constant 16 : i32
      %mul3A_1041 = arith.muli %scan3A_1039, %mul3A_1040 : i32
      %swap3A = arith.constant 49 : i32
      %swap3A_1042 = arith.index_cast %swap3A : i32 to index
      %swap3A_1043 = arith.index_cast %mul3A_1041 : i32 to index
      %swap3A_1044 = tpu.vector_load %arg8[%swap3A_1042, %swap3A_1043] {strides = array<i32>} : memref<64x512xf32, #tpu.memory_space<vmem>>, vector<1x16xf32>,
      %swap3A_1045 = vector.shape_cast %swap3A_1044 : vector<1x16xf32> to vector<16xf32>
      %swap3A_1046 = vector.shape_cast %get3A_789 : vector<16xf32> to vector<1x16xf32>
      tpu.vector_store %arg8[%swap3A_1042, %swap3A_1043], %swap3A_1046 {strides = array<i32>} : memref<64x512xf32, #tpu.memory_space<vmem>>, vector<1x16xf32>,
      %mul3A_1047 = arith.constant 16 : i32
      %mul3A_1048 = arith.muli %scan3A_1039, %mul3A_1047 : i32
      %swap3A_1049 = arith.constant 49 : i32
      %swap3A_1050 = arith.index_cast %swap3A_1049 : i32 to index
      %swap3A_1051 = arith.index_cast %mul3A_1048 : i32 to index
      %swap3A_1052 = tpu.vector_load %arg9[%swap3A_1050, %swap3A_1051] {strides = array<i32>} : memref<64x512xf32, #tpu.memory_space<vmem>>, vector<1x16xf32>,
      %swap3A_1053 = vector.shape_cast %swap3A_1052 : vector<1x16xf32> to vector<16xf32>
      %swap3A_1054 = vector.shape_cast %get3A_794 : vector<16xf32> to vector<1x16xf32>
      tpu.vector_store %arg9[%swap3A_1050, %swap3A_1051], %swap3A_1054 {strides = array<i32>} : memref<64x512xf32, #tpu.memory_space<vmem>>, vector<1x16xf32>,
    }
    %scan3A_800 = arith.constant 32 : i32
    %get3A_801 = arith.constant 50 : i32
    %get3A_802 = arith.index_cast %get3A_801 : i32 to index
    %get3A_803 = arith.constant 0 : index
    %get3A_804 = tpu.vector_load %arg6[%get3A_802, %get3A_803] {strides = array<i32>} : memref<64x16xf32, #tpu.memory_space<vmem>>, vector<1x16xf32>,
    %get3A_805 = vector.shape_cast %get3A_804 : vector<1x16xf32> to vector<16xf32>
    %get3A_806 = arith.constant 50 : i32
    %get3A_807 = arith.index_cast %get3A_806 : i32 to index
    %get3A_808 = arith.constant 0 : index
    %get3A_809 = tpu.vector_load %arg7[%get3A_807, %get3A_808] {strides = array<i32>} : memref<64x16xf32, #tpu.memory_space<vmem>>, vector<1x16xf32>,
    %get3A_810 = vector.shape_cast %get3A_809 : vector<1x16xf32> to vector<16xf32>
    %scan3A_811 = arith.constant 0 : i32
    %scan3A_812 = arith.constant 0 : i32
    %scan3A_813 = arith.constant 32 : i32
    %scan3A_814 = arith.addi %scan3A_812, %scan3A_813 : i32
    %scan3A_815 = arith.constant 1 : i32
    scf.for %scan3A_1039 = %scan3A_812 to %scan3A_814 step %scan3A_815  : i32 {
      %mul3A_1040 = arith.constant 16 : i32
      %mul3A_1041 = arith.muli %scan3A_1039, %mul3A_1040 : i32
      %swap3A = arith.constant 50 : i32
      %swap3A_1042 = arith.index_cast %swap3A : i32 to index
      %swap3A_1043 = arith.index_cast %mul3A_1041 : i32 to index
      %swap3A_1044 = tpu.vector_load %arg8[%swap3A_1042, %swap3A_1043] {strides = array<i32>} : memref<64x512xf32, #tpu.memory_space<vmem>>, vector<1x16xf32>,
      %swap3A_1045 = vector.shape_cast %swap3A_1044 : vector<1x16xf32> to vector<16xf32>
      %swap3A_1046 = vector.shape_cast %get3A_805 : vector<16xf32> to vector<1x16xf32>
      tpu.vector_store %arg8[%swap3A_1042, %swap3A_1043], %swap3A_1046 {strides = array<i32>} : memref<64x512xf32, #tpu.memory_space<vmem>>, vector<1x16xf32>,
      %mul3A_1047 = arith.constant 16 : i32
      %mul3A_1048 = arith.muli %scan3A_1039, %mul3A_1047 : i32
      %swap3A_1049 = arith.constant 50 : i32
      %swap3A_1050 = arith.index_cast %swap3A_1049 : i32 to index
      %swap3A_1051 = arith.index_cast %mul3A_1048 : i32 to index
      %swap3A_1052 = tpu.vector_load %arg9[%swap3A_1050, %swap3A_1051] {strides = array<i32>} : memref<64x512xf32, #tpu.memory_space<vmem>>, vector<1x16xf32>,
      %swap3A_1053 = vector.shape_cast %swap3A_1052 : vector<1x16xf32> to vector<16xf32>
      %swap3A_1054 = vector.shape_cast %get3A_810 : vector<16xf32> to vector<1x16xf32>
      tpu.vector_store %arg9[%swap3A_1050, %swap3A_1051], %swap3A_1054 {strides = array<i32>} : memref<64x512xf32, #tpu.memory_space<vmem>>, vector<1x16xf32>,
    }
    %scan3A_816 = arith.constant 32 : i32
    %get3A_817 = arith.constant 51 : i32
    %get3A_818 = arith.index_cast %get3A_817 : i32 to index
    %get3A_819 = arith.constant 0 : index
    %get3A_820 = tpu.vector_load %arg6[%get3A_818, %get3A_819] {strides = array<i32>} : memref<64x16xf32, #tpu.memory_space<vmem>>, vector<1x16xf32>,
    %get3A_821 = vector.shape_cast %get3A_820 : vector<1x16xf32> to vector<16xf32>
    %get3A_822 = arith.constant 51 : i32
    %get3A_823 = arith.index_cast %get3A_822 : i32 to index
    %get3A_824 = arith.constant 0 : index
    %get3A_825 = tpu.vector_load %arg7[%get3A_823, %get3A_824] {strides = array<i32>} : memref<64x16xf32, #tpu.memory_space<vmem>>, vector<1x16xf32>,
    %get3A_826 = vector.shape_cast %get3A_825 : vector<1x16xf32> to vector<16xf32>
    %scan3A_827 = arith.constant 0 : i32
    %scan3A_828 = arith.constant 0 : i32
    %scan3A_829 = arith.constant 32 : i32
    %scan3A_830 = arith.addi %scan3A_828, %scan3A_829 : i32
    %scan3A_831 = arith.constant 1 : i32
    scf.for %scan3A_1039 = %scan3A_828 to %scan3A_830 step %scan3A_831  : i32 {
      %mul3A_1040 = arith.constant 16 : i32
      %mul3A_1041 = arith.muli %scan3A_1039, %mul3A_1040 : i32
      %swap3A = arith.constant 51 : i32
      %swap3A_1042 = arith.index_cast %swap3A : i32 to index
      %swap3A_1043 = arith.index_cast %mul3A_1041 : i32 to index
      %swap3A_1044 = tpu.vector_load %arg8[%swap3A_1042, %swap3A_1043] {strides = array<i32>} : memref<64x512xf32, #tpu.memory_space<vmem>>, vector<1x16xf32>,
      %swap3A_1045 = vector.shape_cast %swap3A_1044 : vector<1x16xf32> to vector<16xf32>
      %swap3A_1046 = vector.shape_cast %get3A_821 : vector<16xf32> to vector<1x16xf32>
      tpu.vector_store %arg8[%swap3A_1042, %swap3A_1043], %swap3A_1046 {strides = array<i32>} : memref<64x512xf32, #tpu.memory_space<vmem>>, vector<1x16xf32>,
      %mul3A_1047 = arith.constant 16 : i32
      %mul3A_1048 = arith.muli %scan3A_1039, %mul3A_1047 : i32
      %swap3A_1049 = arith.constant 51 : i32
      %swap3A_1050 = arith.index_cast %swap3A_1049 : i32 to index
      %swap3A_1051 = arith.index_cast %mul3A_1048 : i32 to index
      %swap3A_1052 = tpu.vector_load %arg9[%swap3A_1050, %swap3A_1051] {strides = array<i32>} : memref<64x512xf32, #tpu.memory_space<vmem>>, vector<1x16xf32>,
      %swap3A_1053 = vector.shape_cast %swap3A_1052 : vector<1x16xf32> to vector<16xf32>
      %swap3A_1054 = vector.shape_cast %get3A_826 : vector<16xf32> to vector<1x16xf32>
      tpu.vector_store %arg9[%swap3A_1050, %swap3A_1051], %swap3A_1054 {strides = array<i32>} : memref<64x512xf32, #tpu.memory_space<vmem>>, vector<1x16xf32>,
    }
    %scan3A_832 = arith.constant 32 : i32
    %get3A_833 = arith.constant 52 : i32
    %get3A_834 = arith.index_cast %get3A_833 : i32 to index
    %get3A_835 = arith.constant 0 : index
    %get3A_836 = tpu.vector_load %arg6[%get3A_834, %get3A_835] {strides = array<i32>} : memref<64x16xf32, #tpu.memory_space<vmem>>, vector<1x16xf32>,
    %get3A_837 = vector.shape_cast %get3A_836 : vector<1x16xf32> to vector<16xf32>
    %get3A_838 = arith.constant 52 : i32
    %get3A_839 = arith.index_cast %get3A_838 : i32 to index
    %get3A_840 = arith.constant 0 : index
    %get3A_841 = tpu.vector_load %arg7[%get3A_839, %get3A_840] {strides = array<i32>} : memref<64x16xf32, #tpu.memory_space<vmem>>, vector<1x16xf32>,
    %get3A_842 = vector.shape_cast %get3A_841 : vector<1x16xf32> to vector<16xf32>
    %scan3A_843 = arith.constant 0 : i32
    %scan3A_844 = arith.constant 0 : i32
    %scan3A_845 = arith.constant 32 : i32
    %scan3A_846 = arith.addi %scan3A_844, %scan3A_845 : i32
    %scan3A_847 = arith.constant 1 : i32
    scf.for %scan3A_1039 = %scan3A_844 to %scan3A_846 step %scan3A_847  : i32 {
      %mul3A_1040 = arith.constant 16 : i32
      %mul3A_1041 = arith.muli %scan3A_1039, %mul3A_1040 : i32
      %swap3A = arith.constant 52 : i32
      %swap3A_1042 = arith.index_cast %swap3A : i32 to index
      %swap3A_1043 = arith.index_cast %mul3A_1041 : i32 to index
      %swap3A_1044 = tpu.vector_load %arg8[%swap3A_1042, %swap3A_1043] {strides = array<i32>} : memref<64x512xf32, #tpu.memory_space<vmem>>, vector<1x16xf32>,
      %swap3A_1045 = vector.shape_cast %swap3A_1044 : vector<1x16xf32> to vector<16xf32>
      %swap3A_1046 = vector.shape_cast %get3A_837 : vector<16xf32> to vector<1x16xf32>
      tpu.vector_store %arg8[%swap3A_1042, %swap3A_1043], %swap3A_1046 {strides = array<i32>} : memref<64x512xf32, #tpu.memory_space<vmem>>, vector<1x16xf32>,
      %mul3A_1047 = arith.constant 16 : i32
      %mul3A_1048 = arith.muli %scan3A_1039, %mul3A_1047 : i32
      %swap3A_1049 = arith.constant 52 : i32
      %swap3A_1050 = arith.index_cast %swap3A_1049 : i32 to index
      %swap3A_1051 = arith.index_cast %mul3A_1048 : i32 to index
      %swap3A_1052 = tpu.vector_load %arg9[%swap3A_1050, %swap3A_1051] {strides = array<i32>} : memref<64x512xf32, #tpu.memory_space<vmem>>, vector<1x16xf32>,
      %swap3A_1053 = vector.shape_cast %swap3A_1052 : vector<1x16xf32> to vector<16xf32>
      %swap3A_1054 = vector.shape_cast %get3A_842 : vector<16xf32> to vector<1x16xf32>
      tpu.vector_store %arg9[%swap3A_1050, %swap3A_1051], %swap3A_1054 {strides = array<i32>} : memref<64x512xf32, #tpu.memory_space<vmem>>, vector<1x16xf32>,
    }
    %scan3A_848 = arith.constant 32 : i32
    %get3A_849 = arith.constant 53 : i32
    %get3A_850 = arith.index_cast %get3A_849 : i32 to index
    %get3A_851 = arith.constant 0 : index
    %get3A_852 = tpu.vector_load %arg6[%get3A_850, %get3A_851] {strides = array<i32>} : memref<64x16xf32, #tpu.memory_space<vmem>>, vector<1x16xf32>,
    %get3A_853 = vector.shape_cast %get3A_852 : vector<1x16xf32> to vector<16xf32>
    %get3A_854 = arith.constant 53 : i32
    %get3A_855 = arith.index_cast %get3A_854 : i32 to index
    %get3A_856 = arith.constant 0 : index
    %get3A_857 = tpu.vector_load %arg7[%get3A_855, %get3A_856] {strides = array<i32>} : memref<64x16xf32, #tpu.memory_space<vmem>>, vector<1x16xf32>,
    %get3A_858 = vector.shape_cast %get3A_857 : vector<1x16xf32> to vector<16xf32>
    %scan3A_859 = arith.constant 0 : i32
    %scan3A_860 = arith.constant 0 : i32
    %scan3A_861 = arith.constant 32 : i32
    %scan3A_862 = arith.addi %scan3A_860, %scan3A_861 : i32
    %scan3A_863 = arith.constant 1 : i32
    scf.for %scan3A_1039 = %scan3A_860 to %scan3A_862 step %scan3A_863  : i32 {
      %mul3A_1040 = arith.constant 16 : i32
      %mul3A_1041 = arith.muli %scan3A_1039, %mul3A_1040 : i32
      %swap3A = arith.constant 53 : i32
      %swap3A_1042 = arith.index_cast %swap3A : i32 to index
      %swap3A_1043 = arith.index_cast %mul3A_1041 : i32 to index
      %swap3A_1044 = tpu.vector_load %arg8[%swap3A_1042, %swap3A_1043] {strides = array<i32>} : memref<64x512xf32, #tpu.memory_space<vmem>>, vector<1x16xf32>,
      %swap3A_1045 = vector.shape_cast %swap3A_1044 : vector<1x16xf32> to vector<16xf32>
      %swap3A_1046 = vector.shape_cast %get3A_853 : vector<16xf32> to vector<1x16xf32>
      tpu.vector_store %arg8[%swap3A_1042, %swap3A_1043], %swap3A_1046 {strides = array<i32>} : memref<64x512xf32, #tpu.memory_space<vmem>>, vector<1x16xf32>,
      %mul3A_1047 = arith.constant 16 : i32
      %mul3A_1048 = arith.muli %scan3A_1039, %mul3A_1047 : i32
      %swap3A_1049 = arith.constant 53 : i32
      %swap3A_1050 = arith.index_cast %swap3A_1049 : i32 to index
      %swap3A_1051 = arith.index_cast %mul3A_1048 : i32 to index
      %swap3A_1052 = tpu.vector_load %arg9[%swap3A_1050, %swap3A_1051] {strides = array<i32>} : memref<64x512xf32, #tpu.memory_space<vmem>>, vector<1x16xf32>,
      %swap3A_1053 = vector.shape_cast %swap3A_1052 : vector<1x16xf32> to vector<16xf32>
      %swap3A_1054 = vector.shape_cast %get3A_858 : vector<16xf32> to vector<1x16xf32>
      tpu.vector_store %arg9[%swap3A_1050, %swap3A_1051], %swap3A_1054 {strides = array<i32>} : memref<64x512xf32, #tpu.memory_space<vmem>>, vector<1x16xf32>,
    }
    %scan3A_864 = arith.constant 32 : i32
    %get3A_865 = arith.constant 54 : i32
    %get3A_866 = arith.index_cast %get3A_865 : i32 to index
    %get3A_867 = arith.constant 0 : index
    %get3A_868 = tpu.vector_load %arg6[%get3A_866, %get3A_867] {strides = array<i32>} : memref<64x16xf32, #tpu.memory_space<vmem>>, vector<1x16xf32>,
    %get3A_869 = vector.shape_cast %get3A_868 : vector<1x16xf32> to vector<16xf32>
    %get3A_870 = arith.constant 54 : i32
    %get3A_871 = arith.index_cast %get3A_870 : i32 to index
    %get3A_872 = arith.constant 0 : index
    %get3A_873 = tpu.vector_load %arg7[%get3A_871, %get3A_872] {strides = array<i32>} : memref<64x16xf32, #tpu.memory_space<vmem>>, vector<1x16xf32>,
    %get3A_874 = vector.shape_cast %get3A_873 : vector<1x16xf32> to vector<16xf32>
    %scan3A_875 = arith.constant 0 : i32
    %scan3A_876 = arith.constant 0 : i32
    %scan3A_877 = arith.constant 32 : i32
    %scan3A_878 = arith.addi %scan3A_876, %scan3A_877 : i32
    %scan3A_879 = arith.constant 1 : i32
    scf.for %scan3A_1039 = %scan3A_876 to %scan3A_878 step %scan3A_879  : i32 {
      %mul3A_1040 = arith.constant 16 : i32
      %mul3A_1041 = arith.muli %scan3A_1039, %mul3A_1040 : i32
      %swap3A = arith.constant 54 : i32
      %swap3A_1042 = arith.index_cast %swap3A : i32 to index
      %swap3A_1043 = arith.index_cast %mul3A_1041 : i32 to index
      %swap3A_1044 = tpu.vector_load %arg8[%swap3A_1042, %swap3A_1043] {strides = array<i32>} : memref<64x512xf32, #tpu.memory_space<vmem>>, vector<1x16xf32>,
      %swap3A_1045 = vector.shape_cast %swap3A_1044 : vector<1x16xf32> to vector<16xf32>
      %swap3A_1046 = vector.shape_cast %get3A_869 : vector<16xf32> to vector<1x16xf32>
      tpu.vector_store %arg8[%swap3A_1042, %swap3A_1043], %swap3A_1046 {strides = array<i32>} : memref<64x512xf32, #tpu.memory_space<vmem>>, vector<1x16xf32>,
      %mul3A_1047 = arith.constant 16 : i32
      %mul3A_1048 = arith.muli %scan3A_1039, %mul3A_1047 : i32
      %swap3A_1049 = arith.constant 54 : i32
      %swap3A_1050 = arith.index_cast %swap3A_1049 : i32 to index
      %swap3A_1051 = arith.index_cast %mul3A_1048 : i32 to index
      %swap3A_1052 = tpu.vector_load %arg9[%swap3A_1050, %swap3A_1051] {strides = array<i32>} : memref<64x512xf32, #tpu.memory_space<vmem>>, vector<1x16xf32>,
      %swap3A_1053 = vector.shape_cast %swap3A_1052 : vector<1x16xf32> to vector<16xf32>
      %swap3A_1054 = vector.shape_cast %get3A_874 : vector<16xf32> to vector<1x16xf32>
      tpu.vector_store %arg9[%swap3A_1050, %swap3A_1051], %swap3A_1054 {strides = array<i32>} : memref<64x512xf32, #tpu.memory_space<vmem>>, vector<1x16xf32>,
    }
    %scan3A_880 = arith.constant 32 : i32
    %get3A_881 = arith.constant 55 : i32
    %get3A_882 = arith.index_cast %get3A_881 : i32 to index
    %get3A_883 = arith.constant 0 : index
    %get3A_884 = tpu.vector_load %arg6[%get3A_882, %get3A_883] {strides = array<i32>} : memref<64x16xf32, #tpu.memory_space<vmem>>, vector<1x16xf32>,
    %get3A_885 = vector.shape_cast %get3A_884 : vector<1x16xf32> to vector<16xf32>
    %get3A_886 = arith.constant 55 : i32
    %get3A_887 = arith.index_cast %get3A_886 : i32 to index
    %get3A_888 = arith.constant 0 : index
    %get3A_889 = tpu.vector_load %arg7[%get3A_887, %get3A_888] {strides = array<i32>} : memref<64x16xf32, #tpu.memory_space<vmem>>, vector<1x16xf32>,
    %get3A_890 = vector.shape_cast %get3A_889 : vector<1x16xf32> to vector<16xf32>
    %scan3A_891 = arith.constant 0 : i32
    %scan3A_892 = arith.constant 0 : i32
    %scan3A_893 = arith.constant 32 : i32
    %scan3A_894 = arith.addi %scan3A_892, %scan3A_893 : i32
    %scan3A_895 = arith.constant 1 : i32
    scf.for %scan3A_1039 = %scan3A_892 to %scan3A_894 step %scan3A_895  : i32 {
      %mul3A_1040 = arith.constant 16 : i32
      %mul3A_1041 = arith.muli %scan3A_1039, %mul3A_1040 : i32
      %swap3A = arith.constant 55 : i32
      %swap3A_1042 = arith.index_cast %swap3A : i32 to index
      %swap3A_1043 = arith.index_cast %mul3A_1041 : i32 to index
      %swap3A_1044 = tpu.vector_load %arg8[%swap3A_1042, %swap3A_1043] {strides = array<i32>} : memref<64x512xf32, #tpu.memory_space<vmem>>, vector<1x16xf32>,
      %swap3A_1045 = vector.shape_cast %swap3A_1044 : vector<1x16xf32> to vector<16xf32>
      %swap3A_1046 = vector.shape_cast %get3A_885 : vector<16xf32> to vector<1x16xf32>
      tpu.vector_store %arg8[%swap3A_1042, %swap3A_1043], %swap3A_1046 {strides = array<i32>} : memref<64x512xf32, #tpu.memory_space<vmem>>, vector<1x16xf32>,
      %mul3A_1047 = arith.constant 16 : i32
      %mul3A_1048 = arith.muli %scan3A_1039, %mul3A_1047 : i32
      %swap3A_1049 = arith.constant 55 : i32
      %swap3A_1050 = arith.index_cast %swap3A_1049 : i32 to index
      %swap3A_1051 = arith.index_cast %mul3A_1048 : i32 to index
      %swap3A_1052 = tpu.vector_load %arg9[%swap3A_1050, %swap3A_1051] {strides = array<i32>} : memref<64x512xf32, #tpu.memory_space<vmem>>, vector<1x16xf32>,
      %swap3A_1053 = vector.shape_cast %swap3A_1052 : vector<1x16xf32> to vector<16xf32>
      %swap3A_1054 = vector.shape_cast %get3A_890 : vector<16xf32> to vector<1x16xf32>
      tpu.vector_store %arg9[%swap3A_1050, %swap3A_1051], %swap3A_1054 {strides = array<i32>} : memref<64x512xf32, #tpu.memory_space<vmem>>, vector<1x16xf32>,
    }
    %scan3A_896 = arith.constant 32 : i32
    %get3A_897 = arith.constant 56 : i32
    %get3A_898 = arith.index_cast %get3A_897 : i32 to index
    %get3A_899 = arith.constant 0 : index
    %get3A_900 = tpu.vector_load %arg6[%get3A_898, %get3A_899] {strides = array<i32>} : memref<64x16xf32, #tpu.memory_space<vmem>>, vector<1x16xf32>,
    %get3A_901 = vector.shape_cast %get3A_900 : vector<1x16xf32> to vector<16xf32>
    %get3A_902 = arith.constant 56 : i32
    %get3A_903 = arith.index_cast %get3A_902 : i32 to index
    %get3A_904 = arith.constant 0 : index
    %get3A_905 = tpu.vector_load %arg7[%get3A_903, %get3A_904] {strides = array<i32>} : memref<64x16xf32, #tpu.memory_space<vmem>>, vector<1x16xf32>,
    %get3A_906 = vector.shape_cast %get3A_905 : vector<1x16xf32> to vector<16xf32>
    %scan3A_907 = arith.constant 0 : i32
    %scan3A_908 = arith.constant 0 : i32
    %scan3A_909 = arith.constant 32 : i32
    %scan3A_910 = arith.addi %scan3A_908, %scan3A_909 : i32
    %scan3A_911 = arith.constant 1 : i32
    scf.for %scan3A_1039 = %scan3A_908 to %scan3A_910 step %scan3A_911  : i32 {
      %mul3A_1040 = arith.constant 16 : i32
      %mul3A_1041 = arith.muli %scan3A_1039, %mul3A_1040 : i32
      %swap3A = arith.constant 56 : i32
      %swap3A_1042 = arith.index_cast %swap3A : i32 to index
      %swap3A_1043 = arith.index_cast %mul3A_1041 : i32 to index
      %swap3A_1044 = tpu.vector_load %arg8[%swap3A_1042, %swap3A_1043] {strides = array<i32>} : memref<64x512xf32, #tpu.memory_space<vmem>>, vector<1x16xf32>,
      %swap3A_1045 = vector.shape_cast %swap3A_1044 : vector<1x16xf32> to vector<16xf32>
      %swap3A_1046 = vector.shape_cast %get3A_901 : vector<16xf32> to vector<1x16xf32>
      tpu.vector_store %arg8[%swap3A_1042, %swap3A_1043], %swap3A_1046 {strides = array<i32>} : memref<64x512xf32, #tpu.memory_space<vmem>>, vector<1x16xf32>,
      %mul3A_1047 = arith.constant 16 : i32
      %mul3A_1048 = arith.muli %scan3A_1039, %mul3A_1047 : i32
      %swap3A_1049 = arith.constant 56 : i32
      %swap3A_1050 = arith.index_cast %swap3A_1049 : i32 to index
      %swap3A_1051 = arith.index_cast %mul3A_1048 : i32 to index
      %swap3A_1052 = tpu.vector_load %arg9[%swap3A_1050, %swap3A_1051] {strides = array<i32>} : memref<64x512xf32, #tpu.memory_space<vmem>>, vector<1x16xf32>,
      %swap3A_1053 = vector.shape_cast %swap3A_1052 : vector<1x16xf32> to vector<16xf32>
      %swap3A_1054 = vector.shape_cast %get3A_906 : vector<16xf32> to vector<1x16xf32>
      tpu.vector_store %arg9[%swap3A_1050, %swap3A_1051], %swap3A_1054 {strides = array<i32>} : memref<64x512xf32, #tpu.memory_space<vmem>>, vector<1x16xf32>,
    }
    %scan3A_912 = arith.constant 32 : i32
    %get3A_913 = arith.constant 57 : i32
    %get3A_914 = arith.index_cast %get3A_913 : i32 to index
    %get3A_915 = arith.constant 0 : index
    %get3A_916 = tpu.vector_load %arg6[%get3A_914, %get3A_915] {strides = array<i32>} : memref<64x16xf32, #tpu.memory_space<vmem>>, vector<1x16xf32>,
    %get3A_917 = vector.shape_cast %get3A_916 : vector<1x16xf32> to vector<16xf32>
    %get3A_918 = arith.constant 57 : i32
    %get3A_919 = arith.index_cast %get3A_918 : i32 to index
    %get3A_920 = arith.constant 0 : index
    %get3A_921 = tpu.vector_load %arg7[%get3A_919, %get3A_920] {strides = array<i32>} : memref<64x16xf32, #tpu.memory_space<vmem>>, vector<1x16xf32>,
    %get3A_922 = vector.shape_cast %get3A_921 : vector<1x16xf32> to vector<16xf32>
    %scan3A_923 = arith.constant 0 : i32
    %scan3A_924 = arith.constant 0 : i32
    %scan3A_925 = arith.constant 32 : i32
    %scan3A_926 = arith.addi %scan3A_924, %scan3A_925 : i32
    %scan3A_927 = arith.constant 1 : i32
    scf.for %scan3A_1039 = %scan3A_924 to %scan3A_926 step %scan3A_927  : i32 {
      %mul3A_1040 = arith.constant 16 : i32
      %mul3A_1041 = arith.muli %scan3A_1039, %mul3A_1040 : i32
      %swap3A = arith.constant 57 : i32
      %swap3A_1042 = arith.index_cast %swap3A : i32 to index
      %swap3A_1043 = arith.index_cast %mul3A_1041 : i32 to index
      %swap3A_1044 = tpu.vector_load %arg8[%swap3A_1042, %swap3A_1043] {strides = array<i32>} : memref<64x512xf32, #tpu.memory_space<vmem>>, vector<1x16xf32>,
      %swap3A_1045 = vector.shape_cast %swap3A_1044 : vector<1x16xf32> to vector<16xf32>
      %swap3A_1046 = vector.shape_cast %get3A_917 : vector<16xf32> to vector<1x16xf32>
      tpu.vector_store %arg8[%swap3A_1042, %swap3A_1043], %swap3A_1046 {strides = array<i32>} : memref<64x512xf32, #tpu.memory_space<vmem>>, vector<1x16xf32>,
      %mul3A_1047 = arith.constant 16 : i32
      %mul3A_1048 = arith.muli %scan3A_1039, %mul3A_1047 : i32
      %swap3A_1049 = arith.constant 57 : i32
      %swap3A_1050 = arith.index_cast %swap3A_1049 : i32 to index
      %swap3A_1051 = arith.index_cast %mul3A_1048 : i32 to index
      %swap3A_1052 = tpu.vector_load %arg9[%swap3A_1050, %swap3A_1051] {strides = array<i32>} : memref<64x512xf32, #tpu.memory_space<vmem>>, vector<1x16xf32>,
      %swap3A_1053 = vector.shape_cast %swap3A_1052 : vector<1x16xf32> to vector<16xf32>
      %swap3A_1054 = vector.shape_cast %get3A_922 : vector<16xf32> to vector<1x16xf32>
      tpu.vector_store %arg9[%swap3A_1050, %swap3A_1051], %swap3A_1054 {strides = array<i32>} : memref<64x512xf32, #tpu.memory_space<vmem>>, vector<1x16xf32>,
    }
    %scan3A_928 = arith.constant 32 : i32
    %get3A_929 = arith.constant 58 : i32
    %get3A_930 = arith.index_cast %get3A_929 : i32 to index
    %get3A_931 = arith.constant 0 : index
    %get3A_932 = tpu.vector_load %arg6[%get3A_930, %get3A_931] {strides = array<i32>} : memref<64x16xf32, #tpu.memory_space<vmem>>, vector<1x16xf32>,
    %get3A_933 = vector.shape_cast %get3A_932 : vector<1x16xf32> to vector<16xf32>
    %get3A_934 = arith.constant 58 : i32
    %get3A_935 = arith.index_cast %get3A_934 : i32 to index
    %get3A_936 = arith.constant 0 : index
    %get3A_937 = tpu.vector_load %arg7[%get3A_935, %get3A_936] {strides = array<i32>} : memref<64x16xf32, #tpu.memory_space<vmem>>, vector<1x16xf32>,
    %get3A_938 = vector.shape_cast %get3A_937 : vector<1x16xf32> to vector<16xf32>
    %scan3A_939 = arith.constant 0 : i32
    %scan3A_940 = arith.constant 0 : i32
    %scan3A_941 = arith.constant 32 : i32
    %scan3A_942 = arith.addi %scan3A_940, %scan3A_941 : i32
    %scan3A_943 = arith.constant 1 : i32
    scf.for %scan3A_1039 = %scan3A_940 to %scan3A_942 step %scan3A_943  : i32 {
      %mul3A_1040 = arith.constant 16 : i32
      %mul3A_1041 = arith.muli %scan3A_1039, %mul3A_1040 : i32
      %swap3A = arith.constant 58 : i32
      %swap3A_1042 = arith.index_cast %swap3A : i32 to index
      %swap3A_1043 = arith.index_cast %mul3A_1041 : i32 to index
      %swap3A_1044 = tpu.vector_load %arg8[%swap3A_1042, %swap3A_1043] {strides = array<i32>} : memref<64x512xf32, #tpu.memory_space<vmem>>, vector<1x16xf32>,
      %swap3A_1045 = vector.shape_cast %swap3A_1044 : vector<1x16xf32> to vector<16xf32>
      %swap3A_1046 = vector.shape_cast %get3A_933 : vector<16xf32> to vector<1x16xf32>
      tpu.vector_store %arg8[%swap3A_1042, %swap3A_1043], %swap3A_1046 {strides = array<i32>} : memref<64x512xf32, #tpu.memory_space<vmem>>, vector<1x16xf32>,
      %mul3A_1047 = arith.constant 16 : i32
      %mul3A_1048 = arith.muli %scan3A_1039, %mul3A_1047 : i32
      %swap3A_1049 = arith.constant 58 : i32
      %swap3A_1050 = arith.index_cast %swap3A_1049 : i32 to index
      %swap3A_1051 = arith.index_cast %mul3A_1048 : i32 to index
      %swap3A_1052 = tpu.vector_load %arg9[%swap3A_1050, %swap3A_1051] {strides = array<i32>} : memref<64x512xf32, #tpu.memory_space<vmem>>, vector<1x16xf32>,
      %swap3A_1053 = vector.shape_cast %swap3A_1052 : vector<1x16xf32> to vector<16xf32>
      %swap3A_1054 = vector.shape_cast %get3A_938 : vector<16xf32> to vector<1x16xf32>
      tpu.vector_store %arg9[%swap3A_1050, %swap3A_1051], %swap3A_1054 {strides = array<i32>} : memref<64x512xf32, #tpu.memory_space<vmem>>, vector<1x16xf32>,
    }
    %scan3A_944 = arith.constant 32 : i32
    %get3A_945 = arith.constant 59 : i32
    %get3A_946 = arith.index_cast %get3A_945 : i32 to index
    %get3A_947 = arith.constant 0 : index
    %get3A_948 = tpu.vector_load %arg6[%get3A_946, %get3A_947] {strides = array<i32>} : memref<64x16xf32, #tpu.memory_space<vmem>>, vector<1x16xf32>,
    %get3A_949 = vector.shape_cast %get3A_948 : vector<1x16xf32> to vector<16xf32>
    %get3A_950 = arith.constant 59 : i32
    %get3A_951 = arith.index_cast %get3A_950 : i32 to index
    %get3A_952 = arith.constant 0 : index
    %get3A_953 = tpu.vector_load %arg7[%get3A_951, %get3A_952] {strides = array<i32>} : memref<64x16xf32, #tpu.memory_space<vmem>>, vector<1x16xf32>,
    %get3A_954 = vector.shape_cast %get3A_953 : vector<1x16xf32> to vector<16xf32>
    %scan3A_955 = arith.constant 0 : i32
    %scan3A_956 = arith.constant 0 : i32
    %scan3A_957 = arith.constant 32 : i32
    %scan3A_958 = arith.addi %scan3A_956, %scan3A_957 : i32
    %scan3A_959 = arith.constant 1 : i32
    scf.for %scan3A_1039 = %scan3A_956 to %scan3A_958 step %scan3A_959  : i32 {
      %mul3A_1040 = arith.constant 16 : i32
      %mul3A_1041 = arith.muli %scan3A_1039, %mul3A_1040 : i32
      %swap3A = arith.constant 59 : i32
      %swap3A_1042 = arith.index_cast %swap3A : i32 to index
      %swap3A_1043 = arith.index_cast %mul3A_1041 : i32 to index
      %swap3A_1044 = tpu.vector_load %arg8[%swap3A_1042, %swap3A_1043] {strides = array<i32>} : memref<64x512xf32, #tpu.memory_space<vmem>>, vector<1x16xf32>,
      %swap3A_1045 = vector.shape_cast %swap3A_1044 : vector<1x16xf32> to vector<16xf32>
      %swap3A_1046 = vector.shape_cast %get3A_949 : vector<16xf32> to vector<1x16xf32>
      tpu.vector_store %arg8[%swap3A_1042, %swap3A_1043], %swap3A_1046 {strides = array<i32>} : memref<64x512xf32, #tpu.memory_space<vmem>>, vector<1x16xf32>,
      %mul3A_1047 = arith.constant 16 : i32
      %mul3A_1048 = arith.muli %scan3A_1039, %mul3A_1047 : i32
      %swap3A_1049 = arith.constant 59 : i32
      %swap3A_1050 = arith.index_cast %swap3A_1049 : i32 to index
      %swap3A_1051 = arith.index_cast %mul3A_1048 : i32 to index
      %swap3A_1052 = tpu.vector_load %arg9[%swap3A_1050, %swap3A_1051] {strides = array<i32>} : memref<64x512xf32, #tpu.memory_space<vmem>>, vector<1x16xf32>,
      %swap3A_1053 = vector.shape_cast %swap3A_1052 : vector<1x16xf32> to vector<16xf32>
      %swap3A_1054 = vector.shape_cast %get3A_954 : vector<16xf32> to vector<1x16xf32>
      tpu.vector_store %arg9[%swap3A_1050, %swap3A_1051], %swap3A_1054 {strides = array<i32>} : memref<64x512xf32, #tpu.memory_space<vmem>>, vector<1x16xf32>,
    }
    %scan3A_960 = arith.constant 32 : i32
    %get3A_961 = arith.constant 60 : i32
    %get3A_962 = arith.index_cast %get3A_961 : i32 to index
    %get3A_963 = arith.constant 0 : index
    %get3A_964 = tpu.vector_load %arg6[%get3A_962, %get3A_963] {strides = array<i32>} : memref<64x16xf32, #tpu.memory_space<vmem>>, vector<1x16xf32>,
    %get3A_965 = vector.shape_cast %get3A_964 : vector<1x16xf32> to vector<16xf32>
    %get3A_966 = arith.constant 60 : i32
    %get3A_967 = arith.index_cast %get3A_966 : i32 to index
    %get3A_968 = arith.constant 0 : index
    %get3A_969 = tpu.vector_load %arg7[%get3A_967, %get3A_968] {strides = array<i32>} : memref<64x16xf32, #tpu.memory_space<vmem>>, vector<1x16xf32>,
    %get3A_970 = vector.shape_cast %get3A_969 : vector<1x16xf32> to vector<16xf32>
    %scan3A_971 = arith.constant 0 : i32
    %scan3A_972 = arith.constant 0 : i32
    %scan3A_973 = arith.constant 32 : i32
    %scan3A_974 = arith.addi %scan3A_972, %scan3A_973 : i32
    %scan3A_975 = arith.constant 1 : i32
    scf.for %scan3A_1039 = %scan3A_972 to %scan3A_974 step %scan3A_975  : i32 {
      %mul3A_1040 = arith.constant 16 : i32
      %mul3A_1041 = arith.muli %scan3A_1039, %mul3A_1040 : i32
      %swap3A = arith.constant 60 : i32
      %swap3A_1042 = arith.index_cast %swap3A : i32 to index
      %swap3A_1043 = arith.index_cast %mul3A_1041 : i32 to index
      %swap3A_1044 = tpu.vector_load %arg8[%swap3A_1042, %swap3A_1043] {strides = array<i32>} : memref<64x512xf32, #tpu.memory_space<vmem>>, vector<1x16xf32>,
      %swap3A_1045 = vector.shape_cast %swap3A_1044 : vector<1x16xf32> to vector<16xf32>
      %swap3A_1046 = vector.shape_cast %get3A_965 : vector<16xf32> to vector<1x16xf32>
      tpu.vector_store %arg8[%swap3A_1042, %swap3A_1043], %swap3A_1046 {strides = array<i32>} : memref<64x512xf32, #tpu.memory_space<vmem>>, vector<1x16xf32>,
      %mul3A_1047 = arith.constant 16 : i32
      %mul3A_1048 = arith.muli %scan3A_1039, %mul3A_1047 : i32
      %swap3A_1049 = arith.constant 60 : i32
      %swap3A_1050 = arith.index_cast %swap3A_1049 : i32 to index
      %swap3A_1051 = arith.index_cast %mul3A_1048 : i32 to index
      %swap3A_1052 = tpu.vector_load %arg9[%swap3A_1050, %swap3A_1051] {strides = array<i32>} : memref<64x512xf32, #tpu.memory_space<vmem>>, vector<1x16xf32>,
      %swap3A_1053 = vector.shape_cast %swap3A_1052 : vector<1x16xf32> to vector<16xf32>
      %swap3A_1054 = vector.shape_cast %get3A_970 : vector<16xf32> to vector<1x16xf32>
      tpu.vector_store %arg9[%swap3A_1050, %swap3A_1051], %swap3A_1054 {strides = array<i32>} : memref<64x512xf32, #tpu.memory_space<vmem>>, vector<1x16xf32>,
    }
    %scan3A_976 = arith.constant 32 : i32
    %get3A_977 = arith.constant 61 : i32
    %get3A_978 = arith.index_cast %get3A_977 : i32 to index
    %get3A_979 = arith.constant 0 : index
    %get3A_980 = tpu.vector_load %arg6[%get3A_978, %get3A_979] {strides = array<i32>} : memref<64x16xf32, #tpu.memory_space<vmem>>, vector<1x16xf32>,
    %get3A_981 = vector.shape_cast %get3A_980 : vector<1x16xf32> to vector<16xf32>
    %get3A_982 = arith.constant 61 : i32
    %get3A_983 = arith.index_cast %get3A_982 : i32 to index
    %get3A_984 = arith.constant 0 : index
    %get3A_985 = tpu.vector_load %arg7[%get3A_983, %get3A_984] {strides = array<i32>} : memref<64x16xf32, #tpu.memory_space<vmem>>, vector<1x16xf32>,
    %get3A_986 = vector.shape_cast %get3A_985 : vector<1x16xf32> to vector<16xf32>
    %scan3A_987 = arith.constant 0 : i32
    %scan3A_988 = arith.constant 0 : i32
    %scan3A_989 = arith.constant 32 : i32
    %scan3A_990 = arith.addi %scan3A_988, %scan3A_989 : i32
    %scan3A_991 = arith.constant 1 : i32
    scf.for %scan3A_1039 = %scan3A_988 to %scan3A_990 step %scan3A_991  : i32 {
      %mul3A_1040 = arith.constant 16 : i32
      %mul3A_1041 = arith.muli %scan3A_1039, %mul3A_1040 : i32
      %swap3A = arith.constant 61 : i32
      %swap3A_1042 = arith.index_cast %swap3A : i32 to index
      %swap3A_1043 = arith.index_cast %mul3A_1041 : i32 to index
      %swap3A_1044 = tpu.vector_load %arg8[%swap3A_1042, %swap3A_1043] {strides = array<i32>} : memref<64x512xf32, #tpu.memory_space<vmem>>, vector<1x16xf32>,
      %swap3A_1045 = vector.shape_cast %swap3A_1044 : vector<1x16xf32> to vector<16xf32>
      %swap3A_1046 = vector.shape_cast %get3A_981 : vector<16xf32> to vector<1x16xf32>
      tpu.vector_store %arg8[%swap3A_1042, %swap3A_1043], %swap3A_1046 {strides = array<i32>} : memref<64x512xf32, #tpu.memory_space<vmem>>, vector<1x16xf32>,
      %mul3A_1047 = arith.constant 16 : i32
      %mul3A_1048 = arith.muli %scan3A_1039, %mul3A_1047 : i32
      %swap3A_1049 = arith.constant 61 : i32
      %swap3A_1050 = arith.index_cast %swap3A_1049 : i32 to index
      %swap3A_1051 = arith.index_cast %mul3A_1048 : i32 to index
      %swap3A_1052 = tpu.vector_load %arg9[%swap3A_1050, %swap3A_1051] {strides = array<i32>} : memref<64x512xf32, #tpu.memory_space<vmem>>, vector<1x16xf32>,
      %swap3A_1053 = vector.shape_cast %swap3A_1052 : vector<1x16xf32> to vector<16xf32>
      %swap3A_1054 = vector.shape_cast %get3A_986 : vector<16xf32> to vector<1x16xf32>
      tpu.vector_store %arg9[%swap3A_1050, %swap3A_1051], %swap3A_1054 {strides = array<i32>} : memref<64x512xf32, #tpu.memory_space<vmem>>, vector<1x16xf32>,
    }
    %scan3A_992 = arith.constant 32 : i32
    %get3A_993 = arith.constant 62 : i32
    %get3A_994 = arith.index_cast %get3A_993 : i32 to index
    %get3A_995 = arith.constant 0 : index
    %get3A_996 = tpu.vector_load %arg6[%get3A_994, %get3A_995] {strides = array<i32>} : memref<64x16xf32, #tpu.memory_space<vmem>>, vector<1x16xf32>,
    %get3A_997 = vector.shape_cast %get3A_996 : vector<1x16xf32> to vector<16xf32>
    %get3A_998 = arith.constant 62 : i32
    %get3A_999 = arith.index_cast %get3A_998 : i32 to index
    %get3A_1000 = arith.constant 0 : index
    %get3A_1001 = tpu.vector_load %arg7[%get3A_999, %get3A_1000] {strides = array<i32>} : memref<64x16xf32, #tpu.memory_space<vmem>>, vector<1x16xf32>,
    %get3A_1002 = vector.shape_cast %get3A_1001 : vector<1x16xf32> to vector<16xf32>
    %scan3A_1003 = arith.constant 0 : i32
    %scan3A_1004 = arith.constant 0 : i32
    %scan3A_1005 = arith.constant 32 : i32
    %scan3A_1006 = arith.addi %scan3A_1004, %scan3A_1005 : i32
    %scan3A_1007 = arith.constant 1 : i32
    scf.for %scan3A_1039 = %scan3A_1004 to %scan3A_1006 step %scan3A_1007  : i32 {
      %mul3A_1040 = arith.constant 16 : i32
      %mul3A_1041 = arith.muli %scan3A_1039, %mul3A_1040 : i32
      %swap3A = arith.constant 62 : i32
      %swap3A_1042 = arith.index_cast %swap3A : i32 to index
      %swap3A_1043 = arith.index_cast %mul3A_1041 : i32 to index
      %swap3A_1044 = tpu.vector_load %arg8[%swap3A_1042, %swap3A_1043] {strides = array<i32>} : memref<64x512xf32, #tpu.memory_space<vmem>>, vector<1x16xf32>,
      %swap3A_1045 = vector.shape_cast %swap3A_1044 : vector<1x16xf32> to vector<16xf32>
      %swap3A_1046 = vector.shape_cast %get3A_997 : vector<16xf32> to vector<1x16xf32>
      tpu.vector_store %arg8[%swap3A_1042, %swap3A_1043], %swap3A_1046 {strides = array<i32>} : memref<64x512xf32, #tpu.memory_space<vmem>>, vector<1x16xf32>,
      %mul3A_1047 = arith.constant 16 : i32
      %mul3A_1048 = arith.muli %scan3A_1039, %mul3A_1047 : i32
      %swap3A_1049 = arith.constant 62 : i32
      %swap3A_1050 = arith.index_cast %swap3A_1049 : i32 to index
      %swap3A_1051 = arith.index_cast %mul3A_1048 : i32 to index
      %swap3A_1052 = tpu.vector_load %arg9[%swap3A_1050, %swap3A_1051] {strides = array<i32>} : memref<64x512xf32, #tpu.memory_space<vmem>>, vector<1x16xf32>,
      %swap3A_1053 = vector.shape_cast %swap3A_1052 : vector<1x16xf32> to vector<16xf32>
      %swap3A_1054 = vector.shape_cast %get3A_1002 : vector<16xf32> to vector<1x16xf32>
      tpu.vector_store %arg9[%swap3A_1050, %swap3A_1051], %swap3A_1054 {strides = array<i32>} : memref<64x512xf32, #tpu.memory_space<vmem>>, vector<1x16xf32>,
    }
    %scan3A_1008 = arith.constant 32 : i32
    %get3A_1009 = arith.constant 63 : i32
    %get3A_1010 = arith.index_cast %get3A_1009 : i32 to index
    %get3A_1011 = arith.constant 0 : index
    %get3A_1012 = tpu.vector_load %arg6[%get3A_1010, %get3A_1011] {strides = array<i32>} : memref<64x16xf32, #tpu.memory_space<vmem>>, vector<1x16xf32>,
    %get3A_1013 = vector.shape_cast %get3A_1012 : vector<1x16xf32> to vector<16xf32>
    %get3A_1014 = arith.constant 63 : i32
    %get3A_1015 = arith.index_cast %get3A_1014 : i32 to index
    %get3A_1016 = arith.constant 0 : index
    %get3A_1017 = tpu.vector_load %arg7[%get3A_1015, %get3A_1016] {strides = array<i32>} : memref<64x16xf32, #tpu.memory_space<vmem>>, vector<1x16xf32>,
    %get3A_1018 = vector.shape_cast %get3A_1017 : vector<1x16xf32> to vector<16xf32>
    %scan3A_1019 = arith.constant 0 : i32
    %scan3A_1020 = arith.constant 0 : i32
    %scan3A_1021 = arith.constant 32 : i32
    %scan3A_1022 = arith.addi %scan3A_1020, %scan3A_1021 : i32
    %scan3A_1023 = arith.constant 1 : i32
    scf.for %scan3A_1039 = %scan3A_1020 to %scan3A_1022 step %scan3A_1023  : i32 {
      %mul3A_1040 = arith.constant 16 : i32
      %mul3A_1041 = arith.muli %scan3A_1039, %mul3A_1040 : i32
      %swap3A = arith.constant 63 : i32
      %swap3A_1042 = arith.index_cast %swap3A : i32 to index
      %swap3A_1043 = arith.index_cast %mul3A_1041 : i32 to index
      %swap3A_1044 = tpu.vector_load %arg8[%swap3A_1042, %swap3A_1043] {strides = array<i32>} : memref<64x512xf32, #tpu.memory_space<vmem>>, vector<1x16xf32>,
      %swap3A_1045 = vector.shape_cast %swap3A_1044 : vector<1x16xf32> to vector<16xf32>
      %swap3A_1046 = vector.shape_cast %get3A_1013 : vector<16xf32> to vector<1x16xf32>
      tpu.vector_store %arg8[%swap3A_1042, %swap3A_1043], %swap3A_1046 {strides = array<i32>} : memref<64x512xf32, #tpu.memory_space<vmem>>, vector<1x16xf32>,
      %mul3A_1047 = arith.constant 16 : i32
      %mul3A_1048 = arith.muli %scan3A_1039, %mul3A_1047 : i32
      %swap3A_1049 = arith.constant 63 : i32
      %swap3A_1050 = arith.index_cast %swap3A_1049 : i32 to index
      %swap3A_1051 = arith.index_cast %mul3A_1048 : i32 to index
      %swap3A_1052 = tpu.vector_load %arg9[%swap3A_1050, %swap3A_1051] {strides = array<i32>} : memref<64x512xf32, #tpu.memory_space<vmem>>, vector<1x16xf32>,
      %swap3A_1053 = vector.shape_cast %swap3A_1052 : vector<1x16xf32> to vector<16xf32>
      %swap3A_1054 = vector.shape_cast %get3A_1018 : vector<16xf32> to vector<1x16xf32>
      tpu.vector_store %arg9[%swap3A_1050, %swap3A_1051], %swap3A_1054 {strides = array<i32>} : memref<64x512xf32, #tpu.memory_space<vmem>>, vector<1x16xf32>,
    }
    %scan3A_1024 = arith.constant 32 : i32
    %dma_start3A = arith.constant 0 : i32
    %dma_start3A_1025 = tpu.memref_slice %arg4[%dma_start3A, %mul3A_2] : memref<64x16384xf32, #tpu.memory_space<hbm>> -> memref<64x512xf32, #tpu.memory_space<hbm>>
    %dma_start3A_1026 = arith.constant 0 : i32
    %dma_start3A_1027 = tpu.memref_slice %arg4[%dma_start3A_1026, %mul3A_2] : memref<64x16384xf32, #tpu.memory_space<hbm>> -> memref<64x512xf32, #tpu.memory_space<hbm>>
    tpu.enqueue_dma source(%arg8 : memref<64x512xf32, #tpu.memory_space<vmem>>) target(%dma_start3A_1027 : memref<64x512xf32, #tpu.memory_space<hbm>>) target_semaphore(%arg10 : memref<!tpu.dma_semaphore, #tpu.memory_space<semaphore_mem>>)
    %dma_start3A_1028 = arith.constant 0 : i32
    %dma_start3A_1029 = tpu.memref_slice %arg5[%dma_start3A_1028, %mul3A_2] : memref<64x16384xf32, #tpu.memory_space<hbm>> -> memref<64x512xf32, #tpu.memory_space<hbm>>
    %dma_start3A_1030 = arith.constant 0 : i32
    %dma_start3A_1031 = tpu.memref_slice %arg5[%dma_start3A_1030, %mul3A_2] : memref<64x16384xf32, #tpu.memory_space<hbm>> -> memref<64x512xf32, #tpu.memory_space<hbm>>
    tpu.enqueue_dma source(%arg9 : memref<64x512xf32, #tpu.memory_space<vmem>>) target(%dma_start3A_1031 : memref<64x512xf32, #tpu.memory_space<hbm>>) target_semaphore(%arg11 : memref<!tpu.dma_semaphore, #tpu.memory_space<semaphore_mem>>)
    %dma_wait3A = arith.constant 0 : i32
    %dma_wait3A_1032 = tpu.memref_slice %arg4[%dma_wait3A, %mul3A_2] : memref<64x16384xf32, #tpu.memory_space<hbm>> -> memref<64x512xf32, #tpu.memory_space<hbm>>
    %dma_wait3A_1033 = arith.constant 0 : i32
    %dma_wait3A_1034 = tpu.memref_slice %arg4[%dma_wait3A_1033, %mul3A_2] : memref<64x16384xf32, #tpu.memory_space<hbm>> -> memref<64x512xf32, #tpu.memory_space<hbm>>
    tpu.wait_dma2 semaphore(%arg10 : memref<!tpu.dma_semaphore, #tpu.memory_space<semaphore_mem>>) src(%arg8 : memref<64x512xf32, #tpu.memory_space<vmem>>) dst(%dma_wait3A_1034 : memref<64x512xf32, #tpu.memory_space<hbm>>)
    %dma_wait3A_1035 = arith.constant 0 : i32
    %dma_wait3A_1036 = tpu.memref_slice %arg5[%dma_wait3A_1035, %mul3A_2] : memref<64x16384xf32, #tpu.memory_space<hbm>> -> memref<64x512xf32, #tpu.memory_space<hbm>>
    %dma_wait3A_1037 = arith.constant 0 : i32
    %dma_wait3A_1038 = tpu.memref_slice %arg5[%dma_wait3A_1037, %mul3A_2] : memref<64x16384xf32, #tpu.memory_space<hbm>> -> memref<64x512xf32, #tpu.memory_space<hbm>>
    tpu.wait_dma2 semaphore(%arg11 : memref<!tpu.dma_semaphore, #tpu.memory_space<semaphore_mem>>) src(%arg9 : memref<64x512xf32, #tpu.memory_space<vmem>>) dst(%dma_wait3A_1038 : memref<64x512xf32, #tpu.memory_space<hbm>>)
    return
  }
}

module attributes {stable_mosaic.version = 14 : i64} {
  func.func @_tc_cols_body(%arg0: i32, %arg1: memref<2xi32, #tpu.memory_space<smem>>, %arg2: memref<64x100000xf32, #tpu.memory_space<any>>, %arg3: memref<64x16xf32, #tpu.memory_space<vmem>>, %arg4: memref<64x16xf32, #tpu.memory_space<vmem>>, %arg5: memref<64x128xf32, #tpu.memory_space<vmem>>, %arg6: memref<!tpu.dma_semaphore, #tpu.memory_space<semaphore_mem>>) attributes {dimension_semantics = [#tpu.dimension_semantics<arbitrary>], iteration_bounds = array<i64: 1>, scalar_prefetch = 1 : i64, scratch_operands = 2 : i64, tpu.core_type = #tpu.core_type<tc>, window_params = [{}, {pipeline_mode = #tpu.pipeline_mode<synchronous>, transform_indices = @transform_1, window_bounds = array<i64: 64, 16>}, {pipeline_mode = #tpu.pipeline_mode<synchronous>, transform_indices = @transform_2, window_bounds = array<i64: 64, 16>}]} {
    %get3A = arith.constant 0 : index
    %get3A_0 = memref.load %arg1[%get3A] : memref<2xi32, #tpu.memory_space<smem>>
    %jit3A = arith.constant 128 : i32
    %div3A = arith.divsi %get3A_0, %jit3A : i32
    %sign3A = arith.constant 0 : i32
    %sign3A_1 = arith.cmpi sgt, %get3A_0, %sign3A : i32
    %sign3A_2 = arith.extui %sign3A_1 : i1 to i32
    %sign3A_3 = arith.constant 0 : i32
    %sign3A_4 = arith.cmpi slt, %get3A_0, %sign3A_3 : i32
    %sign3A_5 = arith.extui %sign3A_4 : i1 to i32
    %sign3A_6 = arith.subi %sign3A_2, %sign3A_5 : i32
    %sign3A_7 = arith.constant 0 : i32
    %sign3A_8 = arith.cmpi sgt, %jit3A, %sign3A_7 : i32
    %sign3A_9 = arith.extui %sign3A_8 : i1 to i32
    %sign3A_10 = arith.constant 0 : i32
    %sign3A_11 = arith.cmpi slt, %jit3A, %sign3A_10 : i32
    %sign3A_12 = arith.extui %sign3A_11 : i1 to i32
    %sign3A_13 = arith.subi %sign3A_9, %sign3A_12 : i32
    %ne3A = arith.cmpi ne, %sign3A_6, %sign3A_13 : i32
    %rem3A = arith.remsi %get3A_0, %jit3A : i32
    %ne3A_14 = arith.constant 0 : i32
    %ne3A_15 = arith.cmpi ne, %rem3A, %ne3A_14 : i32
    %and3A = arith.andi %ne3A, %ne3A_15 : i1
    %sub3A = arith.constant 1 : i32
    %sub3A_16 = arith.subi %div3A, %sub3A : i32
    %select_n3A = arith.select %and3A, %sub3A_16, %div3A : i32
    %mul3A = arith.constant 128 : i32
    %mul3A_17 = arith.muli %select_n3A, %mul3A : i32
    %dma_start3A = arith.constant 0 : i32
    %dma_start3A_18 = tpu.memref_slice %arg2[%dma_start3A, %mul3A_17] : memref<64x100000xf32, #tpu.memory_space<any>> -> memref<64x128xf32, #tpu.memory_space<any>>
    tpu.enqueue_dma source(%dma_start3A_18 : memref<64x128xf32, #tpu.memory_space<any>>) target(%arg5 : memref<64x128xf32, #tpu.memory_space<vmem>>) target_semaphore(%arg6 : memref<!tpu.dma_semaphore, #tpu.memory_space<semaphore_mem>>)
    %dma_wait3A = arith.constant 0 : i32
    %dma_wait3A_19 = tpu.memref_slice %arg2[%dma_wait3A, %mul3A_17] : memref<64x100000xf32, #tpu.memory_space<any>> -> memref<64x128xf32, #tpu.memory_space<any>>
    tpu.wait_dma2 semaphore(%arg6 : memref<!tpu.dma_semaphore, #tpu.memory_space<semaphore_mem>>) src(%dma_wait3A_19 : memref<64x128xf32, #tpu.memory_space<any>>) dst(%arg5 : memref<64x128xf32, #tpu.memory_space<vmem>>)
    %get3A_20 = arith.constant 0 : index
    %get3A_21 = memref.load %arg1[%get3A_20] : memref<2xi32, #tpu.memory_space<smem>>
    %jit3A_22 = arith.constant 128 : i32
    %eq3A = arith.constant 0 : i32
    %eq3A_23 = arith.cmpi eq, %jit3A_22, %eq3A : i32
    %jit3A_24 = arith.constant 1 : i32
    %select_n3A_25 = arith.select %eq3A_23, %jit3A_24, %jit3A_22 : i32
    %rem3A_26 = arith.remsi %get3A_21, %select_n3A_25 : i32
    %ne3A_27 = arith.constant 0 : i32
    %ne3A_28 = arith.cmpi ne, %rem3A_26, %ne3A_27 : i32
    %lt3A = arith.constant 0 : i32
    %lt3A_29 = arith.cmpi slt, %rem3A_26, %lt3A : i32
    %lt3A_30 = arith.constant 0 : i32
    %lt3A_31 = arith.cmpi slt, %select_n3A_25, %lt3A_30 : i32
    %ne3A_32 = arith.xori %lt3A_29, %lt3A_31 : i1
    %and3A_33 = arith.andi %ne3A_32, %ne3A_28 : i1
    %add3A = arith.addi %rem3A_26, %select_n3A_25 : i32
    %select_n3A_34 = arith.select %and3A_33, %add3A, %rem3A_26 : i32
    %iota3A = tpu.iota {dimensions = array<i32: 1>} : vector<64x128xi32>
    %eq3A_35 = vector.broadcast %select_n3A_34 : i32 to vector<64x128xi32>
    %eq3A_36 = arith.cmpi eq, %iota3A, %eq3A_35 : vector<64x128xi32>
    %get3A_37 = arith.constant 0 : index
    %get3A_38 = arith.constant 0 : index
    %get3A_39 = vector.load %arg5[%get3A_37, %get3A_38] : memref<64x128xf32, #tpu.memory_space<vmem>>, vector<64x128xf32>
    %jit3A_40 = arith.constant 0.000000e+00 : f32
    %broadcast_in_dim3A = vector.broadcast %jit3A_40 : f32 to vector<64x128xf32>
    %select_n3A_41 = arith.select %eq3A_36, %get3A_39, %broadcast_in_dim3A : vector<64x128xi1>, vector<64x128xf32>
    %reduce_sum3A = arith.constant dense<0.000000e+00> : vector<64xf32>
    %reduce_sum3A_42 = vector.multi_reduction <add>, %select_n3A_41, %reduce_sum3A [1] : vector<64x128xf32> to vector<64xf32>
    %broadcast_in_dim3A_43 = vector.shape_cast %reduce_sum3A_42 : vector<64xf32> to vector<64x1xf32>
    %broadcast_in_dim3A_44 = vector.shape_cast %broadcast_in_dim3A_43 : vector<64x1xf32> to vector<64x1xf32>
    %broadcast_in_dim3A_45 = vector.broadcast %broadcast_in_dim3A_44 : vector<64x1xf32> to vector<64x16xf32>
    %swap3A = arith.constant 0 : index
    %swap3A_46 = arith.constant 0 : index
    %swap3A_47 = vector.load %arg3[%swap3A, %swap3A_46] : memref<64x16xf32, #tpu.memory_space<vmem>>, vector<64x16xf32>
    tpu.vector_store %arg3[%swap3A, %swap3A_46], %broadcast_in_dim3A_45 {strides = array<i32>} : memref<64x16xf32, #tpu.memory_space<vmem>>, vector<64x16xf32>,
    %get3A_48 = arith.constant 1 : index
    %get3A_49 = memref.load %arg1[%get3A_48] : memref<2xi32, #tpu.memory_space<smem>>
    %jit3A_50 = arith.constant 128 : i32
    %div3A_51 = arith.divsi %get3A_49, %jit3A_50 : i32
    %sign3A_52 = arith.constant 0 : i32
    %sign3A_53 = arith.cmpi sgt, %get3A_49, %sign3A_52 : i32
    %sign3A_54 = arith.extui %sign3A_53 : i1 to i32
    %sign3A_55 = arith.constant 0 : i32
    %sign3A_56 = arith.cmpi slt, %get3A_49, %sign3A_55 : i32
    %sign3A_57 = arith.extui %sign3A_56 : i1 to i32
    %sign3A_58 = arith.subi %sign3A_54, %sign3A_57 : i32
    %sign3A_59 = arith.constant 0 : i32
    %sign3A_60 = arith.cmpi sgt, %jit3A_50, %sign3A_59 : i32
    %sign3A_61 = arith.extui %sign3A_60 : i1 to i32
    %sign3A_62 = arith.constant 0 : i32
    %sign3A_63 = arith.cmpi slt, %jit3A_50, %sign3A_62 : i32
    %sign3A_64 = arith.extui %sign3A_63 : i1 to i32
    %sign3A_65 = arith.subi %sign3A_61, %sign3A_64 : i32
    %ne3A_66 = arith.cmpi ne, %sign3A_58, %sign3A_65 : i32
    %rem3A_67 = arith.remsi %get3A_49, %jit3A_50 : i32
    %ne3A_68 = arith.constant 0 : i32
    %ne3A_69 = arith.cmpi ne, %rem3A_67, %ne3A_68 : i32
    %and3A_70 = arith.andi %ne3A_66, %ne3A_69 : i1
    %sub3A_71 = arith.constant 1 : i32
    %sub3A_72 = arith.subi %div3A_51, %sub3A_71 : i32
    %select_n3A_73 = arith.select %and3A_70, %sub3A_72, %div3A_51 : i32
    %mul3A_74 = arith.constant 128 : i32
    %mul3A_75 = arith.muli %select_n3A_73, %mul3A_74 : i32
    %dma_start3A_76 = arith.constant 0 : i32
    %dma_start3A_77 = tpu.memref_slice %arg2[%dma_start3A_76, %mul3A_75] : memref<64x100000xf32, #tpu.memory_space<any>> -> memref<64x128xf32, #tpu.memory_space<any>>
    tpu.enqueue_dma source(%dma_start3A_77 : memref<64x128xf32, #tpu.memory_space<any>>) target(%arg5 : memref<64x128xf32, #tpu.memory_space<vmem>>) target_semaphore(%arg6 : memref<!tpu.dma_semaphore, #tpu.memory_space<semaphore_mem>>)
    %dma_wait3A_78 = arith.constant 0 : i32
    %dma_wait3A_79 = tpu.memref_slice %arg2[%dma_wait3A_78, %mul3A_75] : memref<64x100000xf32, #tpu.memory_space<any>> -> memref<64x128xf32, #tpu.memory_space<any>>
    tpu.wait_dma2 semaphore(%arg6 : memref<!tpu.dma_semaphore, #tpu.memory_space<semaphore_mem>>) src(%dma_wait3A_79 : memref<64x128xf32, #tpu.memory_space<any>>) dst(%arg5 : memref<64x128xf32, #tpu.memory_space<vmem>>)
    %get3A_80 = arith.constant 1 : index
    %get3A_81 = memref.load %arg1[%get3A_80] : memref<2xi32, #tpu.memory_space<smem>>
    %jit3A_82 = arith.constant 128 : i32
    %eq3A_83 = arith.constant 0 : i32
    %eq3A_84 = arith.cmpi eq, %jit3A_82, %eq3A_83 : i32
    %jit3A_85 = arith.constant 1 : i32
    %select_n3A_86 = arith.select %eq3A_84, %jit3A_85, %jit3A_82 : i32
    %rem3A_87 = arith.remsi %get3A_81, %select_n3A_86 : i32
    %ne3A_88 = arith.constant 0 : i32
    %ne3A_89 = arith.cmpi ne, %rem3A_87, %ne3A_88 : i32
    %lt3A_90 = arith.constant 0 : i32
    %lt3A_91 = arith.cmpi slt, %rem3A_87, %lt3A_90 : i32
    %lt3A_92 = arith.constant 0 : i32
    %lt3A_93 = arith.cmpi slt, %select_n3A_86, %lt3A_92 : i32
    %ne3A_94 = arith.xori %lt3A_91, %lt3A_93 : i1
    %and3A_95 = arith.andi %ne3A_94, %ne3A_89 : i1
    %add3A_96 = arith.addi %rem3A_87, %select_n3A_86 : i32
    %select_n3A_97 = arith.select %and3A_95, %add3A_96, %rem3A_87 : i32
    %iota3A_98 = tpu.iota {dimensions = array<i32: 1>} : vector<64x128xi32>
    %eq3A_99 = vector.broadcast %select_n3A_97 : i32 to vector<64x128xi32>
    %eq3A_100 = arith.cmpi eq, %iota3A_98, %eq3A_99 : vector<64x128xi32>
    %get3A_101 = arith.constant 0 : index
    %get3A_102 = arith.constant 0 : index
    %get3A_103 = vector.load %arg5[%get3A_101, %get3A_102] : memref<64x128xf32, #tpu.memory_space<vmem>>, vector<64x128xf32>
    %jit3A_104 = arith.constant 0.000000e+00 : f32
    %broadcast_in_dim3A_105 = vector.broadcast %jit3A_104 : f32 to vector<64x128xf32>
    %select_n3A_106 = arith.select %eq3A_100, %get3A_103, %broadcast_in_dim3A_105 : vector<64x128xi1>, vector<64x128xf32>
    %reduce_sum3A_107 = arith.constant dense<0.000000e+00> : vector<64xf32>
    %reduce_sum3A_108 = vector.multi_reduction <add>, %select_n3A_106, %reduce_sum3A_107 [1] : vector<64x128xf32> to vector<64xf32>
    %broadcast_in_dim3A_109 = vector.shape_cast %reduce_sum3A_108 : vector<64xf32> to vector<64x1xf32>
    %broadcast_in_dim3A_110 = vector.shape_cast %broadcast_in_dim3A_109 : vector<64x1xf32> to vector<64x1xf32>
    %broadcast_in_dim3A_111 = vector.broadcast %broadcast_in_dim3A_110 : vector<64x1xf32> to vector<64x16xf32>
    %swap3A_112 = arith.constant 0 : index
    %swap3A_113 = arith.constant 0 : index
    %swap3A_114 = vector.load %arg4[%swap3A_112, %swap3A_113] : memref<64x16xf32, #tpu.memory_space<vmem>>, vector<64x16xf32>
    tpu.vector_store %arg4[%swap3A_112, %swap3A_113], %broadcast_in_dim3A_111 {strides = array<i32>} : memref<64x16xf32, #tpu.memory_space<vmem>>, vector<64x16xf32>,
    return
  }
  func.func @transform_1(%arg0: i32, %arg1: memref<2xi32, #tpu.memory_space<smem>>) -> (i32, i32) {
    %c0_i32 = arith.constant 0 : i32
    %c0_i32_0 = arith.constant 0 : i32
    %c0_i32_1 = arith.constant 0 : i32
    return %c0_i32, %c0_i32_0 : i32, i32
  }
  func.func @transform_2(%arg0: i32, %arg1: memref<2xi32, #tpu.memory_space<smem>>) -> (i32, i32) {
    %c0_i32 = arith.constant 0 : i32
    %c0_i32_0 = arith.constant 0 : i32
    %c0_i32_1 = arith.constant 0 : i32
    return %c0_i32, %c0_i32_0 : i32, i32
  }
}

</mosaic_0001>

<sc_bundles>
// kernel: kernel.4.cloned.1.call-start
scs
__scs_entry_jumppad:
0x0: {  	(pc) =	sbr.rel $0x88, $3  }
0x1: {  	(tag) =	ssettag $0x0;
	lr =	simm.s32 $0x1  }
0x2: {  	[smem:$0x3F9F] =	sst lr;
	_ =	strace $0xD0000000  }
0x3: {  	_ = 	snop  }
0x4: {  	_ = 	snop  }
0x5: {  	_ = 	snop  }
0x6: {  	_ = 	snop  }
0x7: {  	_ = 	snop  }
__scs_overlays_trampoline_lowered:
0x8: {  	[smem:$0x3FAE] =	sst s0  }
0x9: {  	[smem:$0x3FAF] =	sst s1  }
0xa: {  	[smem:$0x3FB0] =	sst s2  }
0xb: {  	[smem:$0x3FB1] =	sst s3  }
0xc: {  	[smem:$0x3FB2] =	sst s4  }
0xd: {  	[smem:$0x3FB3] =	sst s5  }
0xe: {  	[smem:$0x3FB4] =	sst s6  }
0xf: {  	[smem:$0x3FB5] =	sst s7  }
0x10: {  	[smem:$0x3FB6] =	sst s8  }
0x11: {  	[smem:$0x3FB7] =	sst s9;
	s0 =	simm.s32 @!p0 $0x0  }
0x12: {  	s1 =	sld [smem:$0x3F9D];
	s0 =	simm.s32 @p0 $0x1  }
0x13: {  	[smem:$0x3FB8] =	sst s0;
	s0 =	simm.s32 @!p1 $0x0  }
0x14: {  	s2 =	sld [smem:$0x3F9C];
	s0 =	simm.s32 @p1 $0x1  }
0x15: {  	[smem:$0x3FB9] =	sst s0;
	s0 =	simm.s32 @!p2 $0x0  }
0x16: {  	s3 =	sld [smem:$0x3FDB];
	s0 =	simm.s32 @p2 $0x1  }
0x17: {  	s4 =	simm.s32 $0x1BF5;
	[smem:$0x3FBB] =	sst s0  }
0x18: {  	s0 =	sld [smem:$0x3F9E];
	_ =	swait.ge [sflag:s4], $0x0  }
0x19: {  	s7 =	sld [smem:$0x3F9F]  }
0x1a: {  	s8 =	sadd.s32 $0xFFFFE003, lr  }
0x1b: {  	s9 =	sadd.s32 $0xFFFFFEF7, lr;
	s5 =	simm.s32 $0xFFFFFFFF;
	p2 =	slt.u32 s8, $0xFFFFF086  }
0x1c: {  	p1 =	slt.u32 s9, $0xF7A;
	s5 =	simm.s32 @!p2 $0x0  }
0x1d: {  	s5 =	simm.s32 @p1 $0x1;
	p0 =	seq.s32 s7, s2  }
0x1e: {  	s7 =	smul.u32 @!p0 $0xF7A, s2;
	p2 =	seq.s32 @!p0 s5, $0x0  }
0x1f: {  	s9 =	smul.u32 $0xF7A, s1;
	s8 =	simm.s32 @!p0 $0x1BF5;
	p2 =	por !p2, p0  }
0x20: {  	[sflag:s8] =	ssyncset.s32 @!p0 $0xFFFFF086;
	s6 =	sadd.s32 @!p0 s3, s7;
	s7 =	simm.s32 @!p0 $0x108  }
0x21: {  	s3 =	sadd.s32 s3, s9;
	s6 =	sadd.s32 @!p0 $0x88, s6;
	s7 =	simm.s32 @p2 $0x1082  }
0x22: {  	[simem:s7], [sflag:s8] =	dma.local @!p0 [hbm:s6], $0xF7A  }
0x23: {  	s9 =	sor.u32 $0xD0000000, s2;
	s6 =	simm.s32 $0x108;
	_ =	swait.ge @!p0 [sflag:s8], $0x0  }
0x24: {  	s3 =	sadd.s32 $0x88, s3;
	s6 =	simm.s32 @!p1 $0x1082;
	[sflag:s4] =	ssyncset.s32 $0xFFFFF086  }
0x25: {  	[simem:s6], [sflag:s4] =	dma.local [hbm:s3], $0xF7A  }
0x26: {  	[smem:$0x3F9F] =	sst s1;
	(tag) =	ssettag s2;
	_ =	strace s9  }
0x27: {  	s1 =	sld [smem:$0x3FAF]  }
0x28: {  	s2 =	sld [smem:$0x3FB0]  }
0x29: {  	s4 =	sld [smem:$0x3FB2]  }
0x2a: {  	p0 =	seq.s32 s5, $0x0;
	s5 =	sld [smem:$0x3FB3]  }
0x2b: {  	s6 =	sld [smem:$0x3FB4]  }
0x2c: {  	s7 =	sld [smem:$0x3FB5]  }
0x2d: {  	s3 =	simm.s32 $0x108;
	s8 =	sld [smem:$0x3FB6]  }
0x2e: {  	s3 =	simm.s32 @!p0 $0x1082;
	s9 =	sld [smem:$0x3FB7]  }
0x2f: {  	lr =	sadd.s32 s0, s3;
	s0 =	sld [smem:$0x3FAE]  }
0x30: {  	s3 =	sld [smem:$0x3FB1]  }
0x31: {  	[smem:$0x3FBA] =	sst s10  }
0x32: {  	s10 =	sld [smem:$0x3FB8];
	_ =	sdelay $0x3  }
0x33: {  	p0 =	seq.s32 s10, $0x1;
	s10 =	sld [smem:$0x3FBA];
	_ =	sdelay $0x3  }
0x34: {  	[smem:$0x3FBA] =	sst s10  }
0x35: {  	s10 =	sld [smem:$0x3FB9];
	_ =	sdelay $0x3  }
0x36: {  	p1 =	seq.s32 s10, $0x1;
	s10 =	sld [smem:$0x3FBA];
	_ =	sdelay $0x3  }
0x37: {  	[smem:$0x3FBA] =	sst s10  }
0x38: {  	s10 =	sld [smem:$0x3FBB]  }
0x39: {  	_ = 	snop;
	(pc) =	sbr.ind lr, $3  }
0x3a: {  	_ = 	snop  }
0x3b: {  	_ = 	snop  }
0x3c: {  	p2 =	seq.s32 s10, $0x1;
	s10 =	sld [smem:$0x3FBA]  }
0x3d: {  	_ =	shalt  }
0x3e: {  	_ =	shalt  }
0x3f: {  	_ =	shalt  }
0x40: {  	_ =	shalt  }
0x41: {  	_ =	shalt  }
0x42: {  	_ =	shalt  }
0x43: {  	_ =	shalt  }
0x44: {  	_ =	shalt  }
0x45: {  	_ =	shalt  }
0x46: {  	_ =	shalt  }
0x47: {  	_ =	shalt  }
0x48: {  	_ =	shalt  }
0x49: {  	_ =	shalt  }
0x4a: {  	_ =	shalt  }
0x4b: {  	_ =	shalt  }
0x4c: {  	_ =	shalt  }
0x4d: {  	_ =	shalt  }
0x4e: {  	_ =	shalt  }
0x4f: {  	_ =	shalt  }
0x50: {  	_ =	shalt  }
0x51: {  	_ =	shalt  }
0x52: {  	_ =	shalt  }
0x53: {  	_ =	shalt  }
0x54: {  	_ =	shalt  }
0x55: {  	_ =	shalt  }
0x56: {  	_ =	shalt  }
0x57: {  	_ =	shalt  }
0x58: {  	_ =	shalt  }
0x59: {  	_ =	shalt  }
0x5a: {  	_ =	shalt  }
0x5b: {  	_ =	shalt  }
0x5c: {  	_ =	shalt  }
0x5d: {  	_ =	shalt  }
0x5e: {  	_ =	shalt  }
0x5f: {  	_ =	shalt  }
0x60: {  	_ =	shalt  }
0x61: {  	_ =	shalt  }
0x62: {  	_ =	shalt  }
0x63: {  	_ =	shalt  }
0x64: {  	_ =	shalt  }
0x65: {  	_ =	shalt  }
0x66: {  	_ =	shalt  }
0x67: {  	_ =	shalt  }
0x68: {  	_ =	shalt  }
0x69: {  	_ =	shalt  }
0x6a: {  	_ =	shalt  }
0x6b: {  	_ =	shalt  }
0x6c: {  	_ =	shalt  }
0x6d: {  	_ =	shalt  }
0x6e: {  	_ =	shalt  }
0x6f: {  	_ =	shalt  }
0x70: {  	_ =	shalt  }
0x71: {  	_ =	shalt  }
0x72: {  	_ =	shalt  }
0x73: {  	_ =	shalt  }
0x74: {  	_ =	shalt  }
0x75: {  	_ =	shalt  }
0x76: {  	_ =	shalt  }
0x77: {  	_ =	shalt  }
0x78: {  	_ =	shalt  }
0x79: {  	_ =	shalt  }
0x7a: {  	_ =	shalt  }
0x7b: {  	_ =	shalt  }
0x7c: {  	_ =	shalt  }
0x7d: {  	_ =	shalt  }
0x7e: {  	_ =	shalt  }
0x7f: {  	_ =	shalt  }
0x80: {  	_ =	shalt  }
0x81: {  	_ =	shalt  }
0x82: {  	_ =	shalt  }
0x83: {  	_ =	shalt  }
0x84: {  	_ =	shalt  }
0x85: {  	_ =	shalt  }
0x86: {  	_ =	shalt  }
0x87: {  	_ =	shalt  }
.Lfunc_end0:
.L_simem_size_0:
called_computation_lowered:
.L_overlay_start_0:
0x88: {  	s2 =	sld [smem:$0x3FD9]  }
0x89: {  	s3 =	sld [smem:$0x3FFE];
	_ =	sdelay $0x1  }
0x8a: {  	s1 =	srdreg.scid  }
0x8b: {  	s0 =	sand.u32 $0x1, s1  }
0x8c: {  	s14 =	sshll.u32 s0, $0xA;
	s2 =	sadd.s32 s3, s2  }
0x8d: {  	s2 =	sadd.s32 s2, s14  }
0x8e: {  	[smem:$0x3FC6] =	sst s2  }
0x8f: {  	_ = 	snop  }
0x90: {  	s2 =	sld [smem:$0x3FD0];
	_ =	sdelay $0x2  }
0x91: {  	s15 =	simm.s32 $0xA;
	s4 =	simm.s32 $0x10  }
0x92: {  	[smem:s4], [sflag:s15] =	dma.local [hbm:s2], $0x1  }
0x93: {  	_ =	swait.eq [sflag:s15], $0x1  }
0x94: {  	[sflag:s15] =	ssyncset.done $0x0  }
0x95: {  	s16 =	sld [smem:$0x10];
	[sflag:s15] =	ssyncadd.s32 $0xFFFFFFFF  }
0x96: {  	s17 =	sld [smem:$0x11];
	(tm) =	ssettm $0x1  }
0x97: {  	s18 =	sld [smem:$0x3FFB];
	_ =	sdelay $0x3  }
0x98: {  	_ =	strace s18  }
0x99: {  	s4 =	sld [smem:$0x3FFC];
	_ =	sdelay $0x3  }
0x9a: {  	_ =	strace s4  }
0x9b: {  	s4 =	sld [smem:$0x3FFD];
	_ =	sdelay $0x3  }
0x9c: {  	_ =	strace s4  }
0x9d: {  	_ =	strace $0x8FFFFFFF  }
0x9e: {  	s19 =	sld [smem:$0x3FDB];
	_ =	sdelay $0x1  }
0x9f: {  	s5 =	simm.s32 $_scs_section_size  }
0xa0: {  	s6 =	simm.s32 $_size__tile_overlayer_lowered;
	s7 =	simm.s32 $_tile_overlayer_lowered  }
0xa1: {  	s22 =	simm.s32 $0x1BFF;
	s21 =	sshll.u32 s7, $0x1;
	s4 =	sadd.s32 s5, s19  }
0xa2: {  	s8 =	simm.s32 $0x0;
	s20 =	sshll.u32 s6, $0x1;
	s6 =	sadd.s32 s21, s4  }
0xa3: {  	[timem:s8], [sflag:s22] =	dma.local [hbm:s6], s20  }
0xa4: {  	_ =	swait.ge [sflag:s22], s20  }
0xa5: {  	s5 =	ssub.s32 $0x0, s20;
	[sflag:s22] =	ssyncset.done $0x0  }
0xa6: {  	[sflag:s22] =	ssyncadd.s32 s5;
	_ =	sdelay $0x1  }
0xa7: {  	s23 =	simm.s32 $0x1B8B  }
0xa8: {  	_ =	swait.ge [sflag:s23], $0x1  }
0xa9: {  	[sflag:s23] =	ssyncset.done $0x0  }
0xaa: {  	s25 =	simm.s32 $0x1B8E;
	s24 =	sld [smem:$0x3FFE];
	[sflag:s23] =	ssyncadd.s32 $0xFFFFFFFF  }
0xab: {  	s26 =	simm.s32 $execute0_lowered;
	[smem:$0x3FD2] =	sst s25  }
0xac: {  	s6 =	sshll.u32 s26, $0x1;
	_ =	strace $0x80000046;
	[dreg:$0x1] =	wrdreg $0xFFFFFFFF  }
0xad: {  	s28 =	simm.s32 $_size_execute0_lowered;
	s4 =	sadd.s32 s4, s6;
	[dreg:$0x0] =	wrdreg $0x0  }
0xae: {  	s6 =	sshll.u32 s28, $0x1;
	[dreg:$0x2] =	wrdreg s4  }
0xaf: {  	[dreg:$0x3] =	wrdreg s6  }
0xb0: {  	[dreg:$0x4] =	wrdreg $0xC0  }
0xb1: {  	_ =	task [dreg:s8], $0x5FFFF  }
0xb2: {  	[dreg:$0x1] =	wrdreg $0xFFFFFFFF  }
0xb3: {  	[dreg:$0x0] =	wrdreg $0x60  }
0xb4: {  	[dreg:$0x2] =	wrdreg s24  }
0xb5: {  	[dreg:$0x3] =	wrdreg s16  }
0xb6: {  	[dreg:$0x4] =	wrdreg s17  }
0xb7: {  	[dreg:$0x5] =	wrdreg $0x9  }
0xb8: {  	_ =	task.clear_ibuf [dreg:s8], $0x6FFFF;
	_ =	strace $0x90000046  }
0xb9: {  	s29 =	simm.s32 $0x9;
	_ =	strace $0x80000048  }
0xba: {  	_ =	swait.ge [sflag:s29], $0x1  }
0xbb: {  	[sflag:s29] =	ssyncadd.s32 $0xFFFFFFFF  }
0xbc: {  	_ =	strace $0x90000048  }
0xbd: {  	_ =	sfence  }
0xbe: {  	s30 =	sld [smem:$0x0];
	_ =	sdelay $0x2  }
0xbf: {  	s31 =	sshll.u32 s1, $0xD;
	s1 =	sshrl.u32 s1, $0x2  }
0xc0: {  	s3 =	sand.u32 $0x4000, s31;
	s1 =	sadd.s32 s1, s30  }
0xc1: {  	s0 =	sor.u32 s3, s0;
	s1 =	sshll.u32 s1, $0x11  }
0xc2: {  	s0 =	sor.u32 s1, s0  }
0xc3: {  	s0 =	sadd.s32 $0x8F2B, s0  }
0xc4: {  	[sflag:s0] =	ssyncadd.remote.s32 $0x1  }
0xc5: {  	_ =	sfence.sel $0xFFFF  }
0xc6: {  	[dreg:$0x0] =	wrdreg $0xFFFFFFFF;
	(pc) =	sbr.abs _section_cstart, $3  }
0xc7: {  	[dreg:$0x1] =	wrdreg $0xFFFFFFFF  }
0xc8: {  	_ =	task.clear_ibuf [dreg:s8], $0x2FFFF;
	_ =	strace $0x9FFFFFFF  }
0xc9: {  	(tm) =	ssettm $0x7FFFFFFF  }
tec
execute0_lowered:
.L_overlay_start_1:
0x0: {  	(tag) =	ssettag $0x1  }
0x1: {  	s4 =	rddreg [dreg:$0x0]  }
0x2: {  	s5 =	rddreg [dreg:$0x1]  }
0x3: {  	s6 =	rddreg [dreg:$0x2]  }
0x4: {  	s0 =	rddreg [dreg:$0x3];
	s1 =	simm.s32 $0x0;
	s2 =	srdreg.scid  }
0x5: {  	s11 =	simm.s32 $0x20000;
	s12 =	simm.s32 $0x4000;
	s13 =	simm.s32 $0xC000  }
0x6: {  	s14 =	simm.s32 $0x1;
	s15 =	simm.s32 $0x2;
	s16 =	simm.s32 $0x0  }
0x7: {  	[smem:$0x7FF] =	sst s1;
	s7 =	sand.u32 $0x1, s2;
	s3 =	sadd.s32 $0x1000, s4  }
0x8: {  	s2 =	stileid.u32;
	s4 =	sadd.s32 $0x1400, s4;
	_ =	strace $0x80000047  }
0x9: {  	s8 =	ssub.s32 $0x2, s7;
	s10 =	sshll.u32 s2, $0xA;
	s7 =	sshll.u32 s7, $0x9  }
0xa: {  	s9 =	sshrl.u32 s8, $0x1;
	s7 =	sor.u32 s7, s10;
	s10 =	simm.s32 $0x1000  }
0xb: {  	s8 =	ssub.s32 s8, s9;
	s5 =	sadd.s32 s5, s7;
	s6 =	sadd.s32 s6, s7  }
0xc: {  	s9 =	simm.s32 $0x2000;
	s7 =	smax.u32 s8, $0x1;
	s8 =	simm.s32 $0x3  }
.LBB2_1:
0xd: {  	[tilespmem:s1], [sflag:$0x3] =	stream.linear.gather [hbm4b:s3+s1], $0x2000, $0x38;
	[tilespmem:$0x14000] =	vst v63  }
0xe: {  	_ =	swait.ge [sflag:s8], $0x2000  }
0xf: {  	[sflag:s8] =	ssyncset.done $0x0  }
0x10: {  	[sflag:s8] =	ssyncadd.s32 $0xFFFFE000  }
0x11: {  	[tilespmem:s9], [sflag:$0x3] =	stream.linear.gather [hbm4b:s4+s1], $0x2000, $0x38;
	[tilespmem:$0x14000] =	vst v63  }
0x12: {  	_ =	swait.ge [sflag:s8], $0x2000  }
0x13: {  	[sflag:s8] =	ssyncset.done $0x0  }
0x14: {  	[sflag:s8] =	ssyncadd.s32 $0xFFFFE000  }
0x15: {  	v0 =	vld [tilespmem:$0x2000]  }
0x16: {  	v1 =	vld [tilespmem:$0x0];
	_ =	sdelay $0x1  }
0x17: {  	s17 =	sand.u32 $0x70, s1;
	s18 =	sand.u32 $0xC00, s1  }
0x18: {  	s18 =	sor.u32 s17, s18  }
0x19: {  	[tilespmem:s18+$0xC000] =	vst v0  }
0x1a: {  	s17 =	simm.s32 $0x10;
	[tilespmem:s18+$0x4000] =	vst v1;
	s18 =	simm.s32 $0x0  }
.LBB2_2:
0x1b: {  	p0 =	sne.s32 s17, $0x1F0  }
.Ltmp0:
0x1c: {  	s19 =	sand.u32 $0x70, s17;
	s18 =	sadd.s32 $0x80, s18;
	(pc) =	sbr.rel @p0 .LBB2_2-.Ltmp0, $4  }
0x1d: {  	s17 =	sadd.s32 $0x10, s17;
	s20 =	sand.u32 $0xC00, s18  }
0x1e: {  	s19 =	sor.u32 s19, s20  }
0x1f: {  	[tilespmem:s19+$0xC000] =	vst v0  }
0x20: {  	[tilespmem:s19+$0x4000] =	vst v1  }
0x21: {  	v0 =	vld [tilespmem:$0x2080]  }
0x22: {  	v1 =	vld [tilespmem:$0x80]  }
0x23: {  	s17 =	simm.s32 $0x0  }
0x24: {  	s18 =	sand.u32 $0x70, s17;
	s19 =	sand.u32 $0xC00, s17  }
0x25: {  	s19 =	sor.u32 s19, s18  }
0x26: {  	[tilespmem:s19+$0xC080] =	vst v0  }
0x27: {  	s18 =	simm.s32 $0x10;
	[tilespmem:s19+$0x4080] =	vst v1  }
.LBB2_4:
0x28: {  	p0 =	sne.s32 s18, $0x1F0  }
.Ltmp1:
0x29: {  	s19 =	sand.u32 $0x70, s18;
	s17 =	sadd.s32 $0x80, s17;
	(pc) =	sbr.rel @p0 .LBB2_4-.Ltmp1, $4  }
0x2a: {  	s18 =	sadd.s32 $0x10, s18;
	s20 =	sand.u32 $0xC00, s17  }
0x2b: {  	s19 =	sor.u32 s20, s19  }
0x2c: {  	[tilespmem:s19+$0xC080] =	vst v0  }
0x2d: {  	[tilespmem:s19+$0x4080] =	vst v1  }
0x2e: {  	v0 =	vld [tilespmem:$0x2100]  }
0x2f: {  	v1 =	vld [tilespmem:$0x100]  }
0x30: {  	s17 =	simm.s32 $0x0  }
0x31: {  	s18 =	sand.u32 $0x70, s17;
	s19 =	sand.u32 $0xC00, s17  }
0x32: {  	s19 =	sor.u32 s19, s18  }
0x33: {  	[tilespmem:s19+$0xC100] =	vst v0  }
0x34: {  	s18 =	simm.s32 $0x10;
	[tilespmem:s19+$0x4100] =	vst v1  }
.LBB2_6:
0x35: {  	p0 =	sne.s32 s18, $0x1F0  }
.Ltmp2:
0x36: {  	s19 =	sand.u32 $0x70, s18;
	s17 =	sadd.s32 $0x80, s17;
	(pc) =	sbr.rel @p0 .LBB2_6-.Ltmp2, $4  }
0x37: {  	s18 =	sadd.s32 $0x10, s18;
	s20 =	sand.u32 $0xC00, s17  }
0x38: {  	s19 =	sor.u32 s20, s19  }
0x39: {  	[tilespmem:s19+$0xC100] =	vst v0  }
0x3a: {  	[tilespmem:s19+$0x4100] =	vst v1  }
0x3b: {  	s17 =	simm.s32 $0x0;
	v0 =	vld [tilespmem:$0x180]  }
0x3c: {  	v1 =	vld [tilespmem:$0x2180];
	s18 =	sand.u32 $0xFFFFFC00, s17  }
0x3d: {  	s19 =	sadd.s32 $0x0, s18  }
0x3e: {  	s18 =	simm.s32 $0x80;
	s19 =	sor.u32 $0x180, s19  }
.LBB2_8:
0x3f: {  	p0 =	sne.s32 s18, $0xF80  }
0x40: {  	[tilespmem:s19+$0x4000] =	vst v0;
	s17 =	sadd.s32 $0x10, s17;
	s20 =	smov.u32 s18;
	s18 =	sadd.s32 $0x80, s18  }
.Ltmp3:
0x41: {  	[tilespmem:s19+$0xC000] =	vst v1;
	(pc) =	sbr.rel @p0 .LBB2_8-.Ltmp3, $4  }
0x42: {  	_ = 	snop  }
0x43: {  	s19 =	sand.u32 $0xFFFFFC00, s20  }
0x44: {  	s19 =	sadd.s32 s19, s17  }
0x45: {  	s19 =	sor.u32 $0x180, s19  }
0x46: {  	[tilespmem:s19+$0x4000] =	vst v0  }
0x47: {  	[tilespmem:s19+$0xC000] =	vst v1  }
0x48: {  	v0 =	vld [tilespmem:$0x2200]  }
0x49: {  	v1 =	vld [tilespmem:$0x200]  }
0x4a: {  	s17 =	simm.s32 $0x0  }
0x4b: {  	s18 =	sand.u32 $0x70, s17;
	s31 =	sand.u32 $0xC00, s17  }
0x4c: {  	s19 =	sor.u32 s31, s18  }
0x4d: {  	[tilespmem:s19+$0xC200] =	vst v0  }
0x4e: {  	s18 =	simm.s32 $0x10;
	[tilespmem:s19+$0x4200] =	vst v1  }
.LBB2_10:
0x4f: {  	p0 =	sne.s32 s18, $0x1F0  }
.Ltmp4:
0x50: {  	s19 =	sand.u32 $0x70, s18;
	s17 =	sadd.s32 $0x80, s17;
	(pc) =	sbr.rel @p0 .LBB2_10-.Ltmp4, $4  }
0x51: {  	s18 =	sadd.s32 $0x10, s18;
	s20 =	sand.u32 $0xC00, s17  }
0x52: {  	s19 =	sor.u32 s20, s19  }
0x53: {  	[tilespmem:s19+$0xC200] =	vst v0  }
0x54: {  	[tilespmem:s19+$0x4200] =	vst v1  }
0x55: {  	v0 =	vld [tilespmem:$0x2280]  }
0x56: {  	v1 =	vld [tilespmem:$0x280]  }
0x57: {  	s17 =	simm.s32 $0x0  }
0x58: {  	s18 =	sand.u32 $0x70, s17;
	s19 =	sand.u32 $0xC00, s17  }
0x59: {  	s19 =	sor.u32 s19, s18  }
0x5a: {  	[tilespmem:s19+$0xC280] =	vst v0  }
0x5b: {  	s18 =	simm.s32 $0x10;
	[tilespmem:s19+$0x4280] =	vst v1  }
.LBB2_12:
0x5c: {  	p0 =	sne.s32 s18, $0x1F0  }
.Ltmp5:
0x5d: {  	s19 =	sand.u32 $0x70, s18;
	s17 =	sadd.s32 $0x80, s17;
	(pc) =	sbr.rel @p0 .LBB2_12-.Ltmp5, $4  }
0x5e: {  	s18 =	sadd.s32 $0x10, s18;
	s20 =	sand.u32 $0xC00, s17  }
0x5f: {  	s19 =	sor.u32 s20, s19  }
0x60: {  	[tilespmem:s19+$0xC280] =	vst v0  }
0x61: {  	[tilespmem:s19+$0x4280] =	vst v1  }
0x62: {  	v0 =	vld [tilespmem:$0x2300]  }
0x63: {  	v1 =	vld [tilespmem:$0x300]  }
0x64: {  	s17 =	simm.s32 $0x0  }
0x65: {  	s18 =	sand.u32 $0x70, s17;
	s19 =	sand.u32 $0xC00, s17  }
0x66: {  	s19 =	sor.u32 s19, s18  }
0x67: {  	[tilespmem:s19+$0xC300] =	vst v0  }
0x68: {  	s18 =	simm.s32 $0x10;
	[tilespmem:s19+$0x4300] =	vst v1  }
.LBB2_14:
0x69: {  	p0 =	sne.s32 s18, $0x1F0  }
.Ltmp6:
0x6a: {  	s19 =	sand.u32 $0x70, s18;
	s17 =	sadd.s32 $0x80, s17;
	(pc) =	sbr.rel @p0 .LBB2_14-.Ltmp6, $4  }
0x6b: {  	s18 =	sadd.s32 $0x10, s18;
	s20 =	sand.u32 $0xC00, s17  }
0x6c: {  	s19 =	sor.u32 s20, s19  }
0x6d: {  	[tilespmem:s19+$0xC300] =	vst v0  }
0x6e: {  	[tilespmem:s19+$0x4300] =	vst v1  }
0x6f: {  	v0 =	vld [tilespmem:$0x380]  }
0x70: {  	s17 =	simm.s32 $0x0;
	v1 =	vld [tilespmem:$0x2380]  }
0x71: {  	s19 =	sor.u32 s17, s17  }
0x72: {  	s18 =	simm.s32 $0x10;
	s19 =	sor.u32 $0x380, s19  }
.LBB2_16:
0x73: {  	p0 =	sne.s32 s18, $0x1F0  }
0x74: {  	[tilespmem:s19+$0x4000] =	vst v0;
	s17 =	sadd.s32 $0x80, s17;
	s20 =	smov.u32 s18;
	s18 =	sadd.s32 $0x10, s18  }
.Ltmp7:
0x75: {  	[tilespmem:s19+$0xC000] =	vst v1;
	(pc) =	sbr.rel @p0 .LBB2_16-.Ltmp7, $3  }
0x76: {  	_ =	sdelay $0x1  }
0x77: {  	s19 =	sor.u32 s17, s20  }
0x78: {  	s19 =	sor.u32 $0x380, s19  }
0x79: {  	[tilespmem:s19+$0x4000] =	vst v0  }
0x7a: {  	[tilespmem:s19+$0xC000] =	vst v1  }
0x7b: {  	v0 =	vld [tilespmem:$0x2400]  }
0x7c: {  	v1 =	vld [tilespmem:$0x400]  }
0x7d: {  	s17 =	simm.s32 $0x0  }
0x7e: {  	s18 =	sand.u32 $0x70, s17;
	s31 =	sand.u32 $0xC00, s17  }
0x7f: {  	s19 =	sor.u32 s31, s18  }
0x80: {  	[tilespmem:s19+$0xD000] =	vst v0  }
0x81: {  	s18 =	simm.s32 $0x10;
	[tilespmem:s19+$0x5000] =	vst v1  }
.LBB2_18:
0x82: {  	p0 =	sne.s32 s18, $0x1F0  }
.Ltmp8:
0x83: {  	s19 =	sand.u32 $0x70, s18;
	s17 =	sadd.s32 $0x80, s17;
	(pc) =	sbr.rel @p0 .LBB2_18-.Ltmp8, $4  }
0x84: {  	s18 =	sadd.s32 $0x10, s18;
	s20 =	sand.u32 $0xC00, s17  }
0x85: {  	s19 =	sor.u32 s20, s19  }
0x86: {  	[tilespmem:s19+$0xD000] =	vst v0  }
0x87: {  	[tilespmem:s19+$0x5000] =	vst v1  }
0x88: {  	v0 =	vld [tilespmem:$0x2480]  }
0x89: {  	v1 =	vld [tilespmem:$0x480]  }
0x8a: {  	s17 =	simm.s32 $0x0  }
0x8b: {  	s18 =	sand.u32 $0x70, s17;
	s19 =	sand.u32 $0xC00, s17  }
0x8c: {  	s19 =	sor.u32 s19, s18  }
0x8d: {  	[tilespmem:s19+$0xD080] =	vst v0  }
0x8e: {  	s18 =	simm.s32 $0x10;
	[tilespmem:s19+$0x5080] =	vst v1  }
.LBB2_20:
0x8f: {  	p0 =	sne.s32 s18, $0x1F0  }
.Ltmp9:
0x90: {  	s19 =	sand.u32 $0x70, s18;
	s17 =	sadd.s32 $0x80, s17;
	(pc) =	sbr.rel @p0 .LBB2_20-.Ltmp9, $4  }
0x91: {  	s18 =	sadd.s32 $0x10, s18;
	s20 =	sand.u32 $0xC00, s17  }
0x92: {  	s19 =	sor.u32 s20, s19  }
0x93: {  	[tilespmem:s19+$0xD080] =	vst v0  }
0x94: {  	[tilespmem:s19+$0x5080] =	vst v1  }
0x95: {  	v0 =	vld [tilespmem:$0x2500]  }
0x96: {  	v1 =	vld [tilespmem:$0x500]  }
0x97: {  	s17 =	simm.s32 $0x0  }
0x98: {  	s18 =	sand.u32 $0x70, s17;
	s19 =	sand.u32 $0xC00, s17  }
0x99: {  	s19 =	sor.u32 s19, s18  }
0x9a: {  	[tilespmem:s19+$0xD100] =	vst v0  }
0x9b: {  	s18 =	simm.s32 $0x10;
	[tilespmem:s19+$0x5100] =	vst v1  }
.LBB2_22:
0x9c: {  	p0 =	sne.s32 s18, $0x1F0  }
.Ltmp10:
0x9d: {  	s19 =	sand.u32 $0x70, s18;
	s17 =	sadd.s32 $0x80, s17;
	(pc) =	sbr.rel @p0 .LBB2_22-.Ltmp10, $4  }
0x9e: {  	s18 =	sadd.s32 $0x10, s18;
	s20 =	sand.u32 $0xC00, s17  }
0x9f: {  	s19 =	sor.u32 s20, s19  }
0xa0: {  	[tilespmem:s19+$0xD100] =	vst v0  }
0xa1: {  	[tilespmem:s19+$0x5100] =	vst v1  }
0xa2: {  	s17 =	simm.s32 $0x0;
	v0 =	vld [tilespmem:$0x580]  }
0xa3: {  	v1 =	vld [tilespmem:$0x2580];
	s18 =	sand.u32 $0xFFFFFC00, s17  }
0xa4: {  	s19 =	sadd.s32 $0x0, s18  }
0xa5: {  	s18 =	simm.s32 $0x80;
	s19 =	sor.u32 $0x1180, s19  }
.LBB2_24:
0xa6: {  	p0 =	sne.s32 s18, $0xF80  }
0xa7: {  	[tilespmem:s19+$0x4000] =	vst v0;
	s17 =	sadd.s32 $0x10, s17;
	s20 =	smov.u32 s18;
	s18 =	sadd.s32 $0x80, s18  }
.Ltmp11:
0xa8: {  	[tilespmem:s19+$0xC000] =	vst v1;
	(pc) =	sbr.rel @p0 .LBB2_24-.Ltmp11, $4  }
0xa9: {  	_ = 	snop  }
0xaa: {  	s19 =	sand.u32 $0xFFFFFC00, s20  }
0xab: {  	s19 =	sadd.s32 s19, s17  }
0xac: {  	s19 =	sor.u32 $0x1180, s19  }
0xad: {  	[tilespmem:s19+$0x4000] =	vst v0  }
0xae: {  	[tilespmem:s19+$0xC000] =	vst v1  }
0xaf: {  	v0 =	vld [tilespmem:$0x2600]  }
0xb0: {  	v1 =	vld [tilespmem:$0x600]  }
0xb1: {  	s17 =	simm.s32 $0x0  }
0xb2: {  	s18 =	sand.u32 $0x70, s17;
	s31 =	sand.u32 $0xC00, s17  }
0xb3: {  	s19 =	sor.u32 s31, s18  }
0xb4: {  	[tilespmem:s19+$0xD200] =	vst v0  }
0xb5: {  	s18 =	simm.s32 $0x10;
	[tilespmem:s19+$0x5200] =	vst v1  }
.LBB2_26:
0xb6: {  	p0 =	sne.s32 s18, $0x1F0  }
.Ltmp12:
0xb7: {  	s19 =	sand.u32 $0x70, s18;
	s17 =	sadd.s32 $0x80, s17;
	(pc) =	sbr.rel @p0 .LBB2_26-.Ltmp12, $4  }
0xb8: {  	s18 =	sadd.s32 $0x10, s18;
	s20 =	sand.u32 $0xC00, s17  }
0xb9: {  	s19 =	sor.u32 s20, s19  }
0xba: {  	[tilespmem:s19+$0xD200] =	vst v0  }
0xbb: {  	[tilespmem:s19+$0x5200] =	vst v1  }
0xbc: {  	v0 =	vld [tilespmem:$0x2680]  }
0xbd: {  	v1 =	vld [tilespmem:$0x680]  }
0xbe: {  	s17 =	simm.s32 $0x0  }
0xbf: {  	s18 =	sand.u32 $0x70, s17;
	s19 =	sand.u32 $0xC00, s17  }
0xc0: {  	s19 =	sor.u32 s19, s18  }
0xc1: {  	[tilespmem:s19+$0xD280] =	vst v0  }
0xc2: {  	s18 =	simm.s32 $0x10;
	[tilespmem:s19+$0x5280] =	vst v1  }
.LBB2_28:
0xc3: {  	p0 =	sne.s32 s18, $0x1F0  }
.Ltmp13:
0xc4: {  	s19 =	sand.u32 $0x70, s18;
	s17 =	sadd.s32 $0x80, s17;
	(pc) =	sbr.rel @p0 .LBB2_28-.Ltmp13, $4  }
0xc5: {  	s18 =	sadd.s32 $0x10, s18;
	s20 =	sand.u32 $0xC00, s17  }
0xc6: {  	s19 =	sor.u32 s20, s19  }
0xc7: {  	[tilespmem:s19+$0xD280] =	vst v0  }
0xc8: {  	[tilespmem:s19+$0x5280] =	vst v1  }
0xc9: {  	v0 =	vld [tilespmem:$0x2700]  }
0xca: {  	v1 =	vld [tilespmem:$0x700]  }
0xcb: {  	s17 =	simm.s32 $0x0  }
0xcc: {  	s18 =	sand.u32 $0x70, s17;
	s19 =	sand.u32 $0xC00, s17  }
0xcd: {  	s19 =	sor.u32 s19, s18  }
0xce: {  	[tilespmem:s19+$0xD300] =	vst v0  }
0xcf: {  	s18 =	simm.s32 $0x10;
	[tilespmem:s19+$0x5300] =	vst v1  }
.LBB2_30:
0xd0: {  	p0 =	sne.s32 s18, $0x1F0  }
.Ltmp14:
0xd1: {  	s19 =	sand.u32 $0x70, s18;
	s17 =	sadd.s32 $0x80, s17;
	(pc) =	sbr.rel @p0 .LBB2_30-.Ltmp14, $4  }
0xd2: {  	s18 =	sadd.s32 $0x10, s18;
	s20 =	sand.u32 $0xC00, s17  }
0xd3: {  	s19 =	sor.u32 s20, s19  }
0xd4: {  	[tilespmem:s19+$0xD300] =	vst v0  }
0xd5: {  	[tilespmem:s19+$0x5300] =	vst v1  }
0xd6: {  	v0 =	vld [tilespmem:$0x780]  }
0xd7: {  	s17 =	simm.s32 $0x0;
	v1 =	vld [tilespmem:$0x2780]  }
0xd8: {  	s19 =	sor.u32 s17, s17  }
0xd9: {  	s18 =	simm.s32 $0x10;
	s19 =	sor.u32 $0x1380, s19  }
.LBB2_32:
0xda: {  	p0 =	sne.s32 s18, $0x1F0  }
0xdb: {  	[tilespmem:s19+$0x4000] =	vst v0;
	s17 =	sadd.s32 $0x80, s17;
	s20 =	smov.u32 s18;
	s18 =	sadd.s32 $0x10, s18  }
.Ltmp15:
0xdc: {  	[tilespmem:s19+$0xC000] =	vst v1;
	(pc) =	sbr.rel @p0 .LBB2_32-.Ltmp15, $3  }
0xdd: {  	_ =	sdelay $0x1  }
0xde: {  	s19 =	sor.u32 s17, s20  }
0xdf: {  	s19 =	sor.u32 $0x1380, s19  }
0xe0: {  	[tilespmem:s19+$0x4000] =	vst v0  }
0xe1: {  	[tilespmem:s19+$0xC000] =	vst v1  }
0xe2: {  	v0 =	vld [tilespmem:$0x2800]  }
0xe3: {  	v1 =	vld [tilespmem:$0x800]  }
0xe4: {  	s17 =	simm.s32 $0x0  }
0xe5: {  	s18 =	sand.u32 $0x70, s17;
	s31 =	sand.u32 $0xC00, s17  }
0xe6: {  	s19 =	sor.u32 s31, s18  }
0xe7: {  	[tilespmem:s19+$0xE000] =	vst v0  }
0xe8: {  	s18 =	simm.s32 $0x10;
	[tilespmem:s19+$0x6000] =	vst v1  }
.LBB2_34:
0xe9: {  	p0 =	sne.s32 s18, $0x1F0  }
.Ltmp16:
0xea: {  	s19 =	sand.u32 $0x70, s18;
	s17 =	sadd.s32 $0x80, s17;
	(pc) =	sbr.rel @p0 .LBB2_34-.Ltmp16, $4  }
0xeb: {  	s18 =	sadd.s32 $0x10, s18;
	s20 =	sand.u32 $0xC00, s17  }
0xec: {  	s19 =	sor.u32 s20, s19  }
0xed: {  	[tilespmem:s19+$0xE000] =	vst v0  }
0xee: {  	[tilespmem:s19+$0x6000] =	vst v1  }
0xef: {  	v0 =	vld [tilespmem:$0x2880]  }
0xf0: {  	v1 =	vld [tilespmem:$0x880]  }
0xf1: {  	s17 =	simm.s32 $0x0  }
0xf2: {  	s18 =	sand.u32 $0x70, s17;
	s19 =	sand.u32 $0xC00, s17  }
0xf3: {  	s19 =	sor.u32 s19, s18  }
0xf4: {  	[tilespmem:s19+$0xE080] =	vst v0  }
0xf5: {  	s18 =	simm.s32 $0x10;
	[tilespmem:s19+$0x6080] =	vst v1  }
.LBB2_36:
0xf6: {  	p0 =	sne.s32 s18, $0x1F0  }
.Ltmp17:
0xf7: {  	s19 =	sand.u32 $0x70, s18;
	s17 =	sadd.s32 $0x80, s17;
	(pc) =	sbr.rel @p0 .LBB2_36-.Ltmp17, $4  }
0xf8: {  	s18 =	sadd.s32 $0x10, s18;
	s20 =	sand.u32 $0xC00, s17  }
0xf9: {  	s19 =	sor.u32 s20, s19  }
0xfa: {  	[tilespmem:s19+$0xE080] =	vst v0  }
0xfb: {  	[tilespmem:s19+$0x6080] =	vst v1  }
0xfc: {  	v0 =	vld [tilespmem:$0x2900]  }
0xfd: {  	v1 =	vld [tilespmem:$0x900]  }
0xfe: {  	s17 =	simm.s32 $0x0  }
0xff: {  	s18 =	sand.u32 $0x70, s17;
	s19 =	sand.u32 $0xC00, s17  }
0x100: {  	s19 =	sor.u32 s19, s18  }
0x101: {  	[tilespmem:s19+$0xE100] =	vst v0  }
0x102: {  	s18 =	simm.s32 $0x10;
	[tilespmem:s19+$0x6100] =	vst v1  }
.LBB2_38:
0x103: {  	p0 =	sne.s32 s18, $0x1F0  }
.Ltmp18:
0x104: {  	s19 =	sand.u32 $0x70, s18;
	s17 =	sadd.s32 $0x80, s17;
	(pc) =	sbr.rel @p0 .LBB2_38-.Ltmp18, $4  }
0x105: {  	s18 =	sadd.s32 $0x10, s18;
	s20 =	sand.u32 $0xC00, s17  }
0x106: {  	s19 =	sor.u32 s20, s19  }
0x107: {  	[tilespmem:s19+$0xE100] =	vst v0  }
0x108: {  	[tilespmem:s19+$0x6100] =	vst v1  }
0x109: {  	s17 =	simm.s32 $0x0;
	v0 =	vld [tilespmem:$0x980]  }
0x10a: {  	v1 =	vld [tilespmem:$0x2980];
	s18 =	sand.u32 $0xFFFFFC00, s17  }
0x10b: {  	s19 =	sadd.s32 $0x0, s18  }
0x10c: {  	s18 =	simm.s32 $0x80;
	s19 =	sor.u32 $0x2180, s19  }
.LBB2_40:
0x10d: {  	p0 =	sne.s32 s18, $0xF80  }
0x10e: {  	[tilespmem:s19+$0x4000] =	vst v0;
	s17 =	sadd.s32 $0x10, s17;
	s20 =	smov.u32 s18;
	s18 =	sadd.s32 $0x80, s18  }
.Ltmp19:
0x10f: {  	[tilespmem:s19+$0xC000] =	vst v1;
	(pc) =	sbr.rel @p0 .LBB2_40-.Ltmp19, $4  }
0x110: {  	_ = 	snop  }
0x111: {  	s19 =	sand.u32 $0xFFFFFC00, s20  }
0x112: {  	s19 =	sadd.s32 s19, s17  }
0x113: {  	s19 =	sor.u32 $0x2180, s19  }
0x114: {  	[tilespmem:s19+$0x4000] =	vst v0  }
0x115: {  	[tilespmem:s19+$0xC000] =	vst v1  }
0x116: {  	v0 =	vld [tilespmem:$0x2A00]  }
0x117: {  	v1 =	vld [tilespmem:$0xA00]  }
0x118: {  	s17 =	simm.s32 $0x0  }
0x119: {  	s18 =	sand.u32 $0x70, s17;
	s31 =	sand.u32 $0xC00, s17  }
0x11a: {  	s19 =	sor.u32 s31, s18  }
0x11b: {  	[tilespmem:s19+$0xE200] =	vst v0  }
0x11c: {  	s18 =	simm.s32 $0x10;
	[tilespmem:s19+$0x6200] =	vst v1  }
.LBB2_42:
0x11d: {  	p0 =	sne.s32 s18, $0x1F0  }
.Ltmp20:
0x11e: {  	s19 =	sand.u32 $0x70, s18;
	s17 =	sadd.s32 $0x80, s17;
	(pc) =	sbr.rel @p0 .LBB2_42-.Ltmp20, $4  }
0x11f: {  	s18 =	sadd.s32 $0x10, s18;
	s20 =	sand.u32 $0xC00, s17  }
0x120: {  	s19 =	sor.u32 s20, s19  }
0x121: {  	[tilespmem:s19+$0xE200] =	vst v0  }
0x122: {  	[tilespmem:s19+$0x6200] =	vst v1  }
0x123: {  	v0 =	vld [tilespmem:$0x2A80]  }
0x124: {  	v1 =	vld [tilespmem:$0xA80]  }
0x125: {  	s17 =	simm.s32 $0x0  }
0x126: {  	s18 =	sand.u32 $0x70, s17;
	s19 =	sand.u32 $0xC00, s17  }
0x127: {  	s19 =	sor.u32 s19, s18  }
0x128: {  	[tilespmem:s19+$0xE280] =	vst v0  }
0x129: {  	s18 =	simm.s32 $0x10;
	[tilespmem:s19+$0x6280] =	vst v1  }
.LBB2_44:
0x12a: {  	p0 =	sne.s32 s18, $0x1F0  }
.Ltmp21:
0x12b: {  	s19 =	sand.u32 $0x70, s18;
	s17 =	sadd.s32 $0x80, s17;
	(pc) =	sbr.rel @p0 .LBB2_44-.Ltmp21, $4  }
0x12c: {  	s18 =	sadd.s32 $0x10, s18;
	s20 =	sand.u32 $0xC00, s17  }
0x12d: {  	s19 =	sor.u32 s20, s19  }
0x12e: {  	[tilespmem:s19+$0xE280] =	vst v0  }
0x12f: {  	[tilespmem:s19+$0x6280] =	vst v1  }
0x130: {  	v0 =	vld [tilespmem:$0x2B00]  }
0x131: {  	v1 =	vld [tilespmem:$0xB00]  }
0x132: {  	s17 =	simm.s32 $0x0  }
0x133: {  	s18 =	sand.u32 $0x70, s17;
	s19 =	sand.u32 $0xC00, s17  }
0x134: {  	s19 =	sor.u32 s19, s18  }
0x135: {  	[tilespmem:s19+$0xE300] =	vst v0  }
0x136: {  	s18 =	simm.s32 $0x10;
	[tilespmem:s19+$0x6300] =	vst v1  }
.LBB2_46:
0x137: {  	p0 =	sne.s32 s18, $0x1F0  }
.Ltmp22:
0x138: {  	s19 =	sand.u32 $0x70, s18;
	s17 =	sadd.s32 $0x80, s17;
	(pc) =	sbr.rel @p0 .LBB2_46-.Ltmp22, $4  }
0x139: {  	s18 =	sadd.s32 $0x10, s18;
	s20 =	sand.u32 $0xC00, s17  }
0x13a: {  	s19 =	sor.u32 s20, s19  }
0x13b: {  	[tilespmem:s19+$0xE300] =	vst v0  }
0x13c: {  	[tilespmem:s19+$0x6300] =	vst v1  }
0x13d: {  	v0 =	vld [tilespmem:$0xB80]  }
0x13e: {  	s17 =	simm.s32 $0x0;
	v1 =	vld [tilespmem:$0x2B80]  }
0x13f: {  	s19 =	sor.u32 s17, s17  }
0x140: {  	s18 =	simm.s32 $0x10;
	s19 =	sor.u32 $0x2380, s19  }
.LBB2_48:
0x141: {  	p0 =	sne.s32 s18, $0x1F0  }
0x142: {  	[tilespmem:s19+$0x4000] =	vst v0;
	s17 =	sadd.s32 $0x80, s17;
	s20 =	smov.u32 s18;
	s18 =	sadd.s32 $0x10, s18  }
.Ltmp23:
0x143: {  	[tilespmem:s19+$0xC000] =	vst v1;
	(pc) =	sbr.rel @p0 .LBB2_48-.Ltmp23, $3  }
0x144: {  	_ =	sdelay $0x1  }
0x145: {  	s19 =	sor.u32 s17, s20  }
0x146: {  	s19 =	sor.u32 $0x2380, s19  }
0x147: {  	[tilespmem:s19+$0x4000] =	vst v0  }
0x148: {  	[tilespmem:s19+$0xC000] =	vst v1  }
0x149: {  	v0 =	vld [tilespmem:$0x2C00]  }
0x14a: {  	v1 =	vld [tilespmem:$0xC00]  }
0x14b: {  	s17 =	simm.s32 $0x0  }
0x14c: {  	s18 =	sand.u32 $0x70, s17;
	s31 =	sand.u32 $0xC00, s17  }
0x14d: {  	s19 =	sor.u32 s31, s18  }
0x14e: {  	[tilespmem:s19+$0xF000] =	vst v0  }
0x14f: {  	s18 =	simm.s32 $0x10;
	[tilespmem:s19+$0x7000] =	vst v1  }
.LBB2_50:
0x150: {  	p0 =	sne.s32 s18, $0x1F0  }
.Ltmp24:
0x151: {  	s19 =	sand.u32 $0x70, s18;
	s17 =	sadd.s32 $0x80, s17;
	(pc) =	sbr.rel @p0 .LBB2_50-.Ltmp24, $4  }
0x152: {  	s18 =	sadd.s32 $0x10, s18;
	s20 =	sand.u32 $0xC00, s17  }
0x153: {  	s19 =	sor.u32 s20, s19  }
0x154: {  	[tilespmem:s19+$0xF000] =	vst v0  }
0x155: {  	[tilespmem:s19+$0x7000] =	vst v1  }
0x156: {  	v0 =	vld [tilespmem:$0x2C80]  }
0x157: {  	v1 =	vld [tilespmem:$0xC80]  }
0x158: {  	s17 =	simm.s32 $0x0  }
0x159: {  	s18 =	sand.u32 $0x70, s17;
	s19 =	sand.u32 $0xC00, s17  }
0x15a: {  	s19 =	sor.u32 s19, s18  }
0x15b: {  	[tilespmem:s19+$0xF080] =	vst v0  }
0x15c: {  	s18 =	simm.s32 $0x10;
	[tilespmem:s19+$0x7080] =	vst v1  }
.LBB2_52:
0x15d: {  	p0 =	sne.s32 s18, $0x1F0  }
.Ltmp25:
0x15e: {  	s19 =	sand.u32 $0x70, s18;
	s17 =	sadd.s32 $0x80, s17;
	(pc) =	sbr.rel @p0 .LBB2_52-.Ltmp25, $4  }
0x15f: {  	s18 =	sadd.s32 $0x10, s18;
	s20 =	sand.u32 $0xC00, s17  }
0x160: {  	s19 =	sor.u32 s20, s19  }
0x161: {  	[tilespmem:s19+$0xF080] =	vst v0  }
0x162: {  	[tilespmem:s19+$0x7080] =	vst v1  }
0x163: {  	v0 =	vld [tilespmem:$0x2D00]  }
0x164: {  	v1 =	vld [tilespmem:$0xD00]  }
0x165: {  	s17 =	simm.s32 $0x0  }
0x166: {  	s18 =	sand.u32 $0x70, s17;
	s19 =	sand.u32 $0xC00, s17  }
0x167: {  	s19 =	sor.u32 s19, s18  }
0x168: {  	[tilespmem:s19+$0xF100] =	vst v0  }
0x169: {  	s18 =	simm.s32 $0x10;
	[tilespmem:s19+$0x7100] =	vst v1  }
.LBB2_54:
0x16a: {  	p0 =	sne.s32 s18, $0x1F0  }
.Ltmp26:
0x16b: {  	s19 =	sand.u32 $0x70, s18;
	s17 =	sadd.s32 $0x80, s17;
	(pc) =	sbr.rel @p0 .LBB2_54-.Ltmp26, $4  }
0x16c: {  	s18 =	sadd.s32 $0x10, s18;
	s20 =	sand.u32 $0xC00, s17  }
0x16d: {  	s19 =	sor.u32 s20, s19  }
0x16e: {  	[tilespmem:s19+$0xF100] =	vst v0  }
0x16f: {  	[tilespmem:s19+$0x7100] =	vst v1  }
0x170: {  	s17 =	simm.s32 $0x0;
	v0 =	vld [tilespmem:$0xD80]  }
0x171: {  	v1 =	vld [tilespmem:$0x2D80];
	s18 =	sand.u32 $0xFFFFFC00, s17  }
0x172: {  	s19 =	sadd.s32 $0x0, s18  }
0x173: {  	s18 =	simm.s32 $0x80;
	s19 =	sor.u32 $0x3180, s19  }
.LBB2_56:
0x174: {  	p0 =	sne.s32 s18, $0xF80  }
0x175: {  	[tilespmem:s19+$0x4000] =	vst v0;
	s17 =	sadd.s32 $0x10, s17;
	s20 =	smov.u32 s18;
	s18 =	sadd.s32 $0x80, s18  }
.Ltmp27:
0x176: {  	[tilespmem:s19+$0xC000] =	vst v1;
	(pc) =	sbr.rel @p0 .LBB2_56-.Ltmp27, $4  }
0x177: {  	_ = 	snop  }
0x178: {  	s19 =	sand.u32 $0xFFFFFC00, s20  }
0x179: {  	s19 =	sadd.s32 s19, s17  }
0x17a: {  	s19 =	sor.u32 $0x3180, s19  }
0x17b: {  	[tilespmem:s19+$0x4000] =	vst v0  }
0x17c: {  	[tilespmem:s19+$0xC000] =	vst v1  }
0x17d: {  	v0 =	vld [tilespmem:$0x2E00]  }
0x17e: {  	v1 =	vld [tilespmem:$0xE00]  }
0x17f: {  	s17 =	simm.s32 $0x0  }
0x180: {  	s18 =	sand.u32 $0x70, s17;
	s31 =	sand.u32 $0xC00, s17  }
0x181: {  	s19 =	sor.u32 s31, s18  }
0x182: {  	[tilespmem:s19+$0xF200] =	vst v0  }
0x183: {  	s18 =	simm.s32 $0x10;
	[tilespmem:s19+$0x7200] =	vst v1  }
.LBB2_58:
0x184: {  	p0 =	sne.s32 s18, $0x1F0  }
.Ltmp28:
0x185: {  	s19 =	sand.u32 $0x70, s18;
	s17 =	sadd.s32 $0x80, s17;
	(pc) =	sbr.rel @p0 .LBB2_58-.Ltmp28, $4  }
0x186: {  	s18 =	sadd.s32 $0x10, s18;
	s20 =	sand.u32 $0xC00, s17  }
0x187: {  	s19 =	sor.u32 s20, s19  }
0x188: {  	[tilespmem:s19+$0xF200] =	vst v0  }
0x189: {  	[tilespmem:s19+$0x7200] =	vst v1  }
0x18a: {  	v0 =	vld [tilespmem:$0x2E80]  }
0x18b: {  	v1 =	vld [tilespmem:$0xE80]  }
0x18c: {  	s17 =	simm.s32 $0x0  }
0x18d: {  	s18 =	sand.u32 $0x70, s17;
	s19 =	sand.u32 $0xC00, s17  }
0x18e: {  	s19 =	sor.u32 s19, s18  }
0x18f: {  	[tilespmem:s19+$0xF280] =	vst v0  }
0x190: {  	s18 =	simm.s32 $0x10;
	[tilespmem:s19+$0x7280] =	vst v1  }
.LBB2_60:
0x191: {  	p0 =	sne.s32 s18, $0x1F0  }
.Ltmp29:
0x192: {  	s19 =	sand.u32 $0x70, s18;
	s17 =	sadd.s32 $0x80, s17;
	(pc) =	sbr.rel @p0 .LBB2_60-.Ltmp29, $4  }
0x193: {  	s18 =	sadd.s32 $0x10, s18;
	s20 =	sand.u32 $0xC00, s17  }
0x194: {  	s19 =	sor.u32 s20, s19  }
0x195: {  	[tilespmem:s19+$0xF280] =	vst v0  }
0x196: {  	[tilespmem:s19+$0x7280] =	vst v1  }
0x197: {  	v0 =	vld [tilespmem:$0x2F00]  }
0x198: {  	v1 =	vld [tilespmem:$0xF00]  }
0x199: {  	s17 =	simm.s32 $0x0  }
0x19a: {  	s18 =	sand.u32 $0x70, s17;
	s19 =	sand.u32 $0xC00, s17  }
0x19b: {  	s19 =	sor.u32 s19, s18  }
0x19c: {  	[tilespmem:s19+$0xF300] =	vst v0  }
0x19d: {  	s18 =	simm.s32 $0x10;
	[tilespmem:s19+$0x7300] =	vst v1  }
.LBB2_62:
0x19e: {  	p0 =	sne.s32 s18, $0x1F0  }
.Ltmp30:
0x19f: {  	s19 =	sand.u32 $0x70, s18;
	s17 =	sadd.s32 $0x80, s17;
	(pc) =	sbr.rel @p0 .LBB2_62-.Ltmp30, $4  }
0x1a0: {  	s18 =	sadd.s32 $0x10, s18;
	s20 =	sand.u32 $0xC00, s17  }
0x1a1: {  	s19 =	sor.u32 s20, s19  }
0x1a2: {  	[tilespmem:s19+$0xF300] =	vst v0  }
0x1a3: {  	[tilespmem:s19+$0x7300] =	vst v1  }
0x1a4: {  	v0 =	vld [tilespmem:$0xF80]  }
0x1a5: {  	s17 =	simm.s32 $0x0;
	v1 =	vld [tilespmem:$0x2F80]  }
0x1a6: {  	s19 =	sor.u32 s17, s17  }
0x1a7: {  	s18 =	simm.s32 $0x10;
	s19 =	sor.u32 $0x3380, s19  }
.LBB2_64:
0x1a8: {  	p0 =	sne.s32 s18, $0x1F0  }
0x1a9: {  	[tilespmem:s19+$0x4000] =	vst v0;
	s17 =	sadd.s32 $0x80, s17;
	s20 =	smov.u32 s18;
	s18 =	sadd.s32 $0x10, s18  }
.Ltmp31:
0x1aa: {  	[tilespmem:s19+$0xC000] =	vst v1;
	(pc) =	sbr.rel @p0 .LBB2_64-.Ltmp31, $3  }
0x1ab: {  	_ =	sdelay $0x1  }
0x1ac: {  	s19 =	sor.u32 s17, s20  }
0x1ad: {  	s19 =	sor.u32 $0x3380, s19  }
0x1ae: {  	[tilespmem:s19+$0x4000] =	vst v0  }
0x1af: {  	[tilespmem:s19+$0xC000] =	vst v1  }
0x1b0: {  	v0 =	vld [tilespmem:$0x3000]  }
0x1b1: {  	v1 =	vld [tilespmem:$0x1000]  }
0x1b2: {  	s17 =	simm.s32 $0x0  }
0x1b3: {  	s18 =	sand.u32 $0x70, s17;
	s31 =	sand.u32 $0xC00, s17  }
0x1b4: {  	s19 =	sor.u32 s31, s18  }
0x1b5: {  	[tilespmem:s19+$0x10000] =	vst v0  }
0x1b6: {  	s18 =	simm.s32 $0x10;
	[tilespmem:s19+$0x8000] =	vst v1  }
.LBB2_66:
0x1b7: {  	p0 =	sne.s32 s18, $0x1F0  }
.Ltmp32:
0x1b8: {  	s19 =	sand.u32 $0x70, s18;
	s17 =	sadd.s32 $0x80, s17;
	(pc) =	sbr.rel @p0 .LBB2_66-.Ltmp32, $4  }
0x1b9: {  	s18 =	sadd.s32 $0x10, s18;
	s20 =	sand.u32 $0xC00, s17  }
0x1ba: {  	s19 =	sor.u32 s20, s19  }
0x1bb: {  	[tilespmem:s19+$0x10000] =	vst v0  }
0x1bc: {  	[tilespmem:s19+$0x8000] =	vst v1  }
0x1bd: {  	v0 =	vld [tilespmem:$0x3080]  }
0x1be: {  	v1 =	vld [tilespmem:$0x1080]  }
0x1bf: {  	s17 =	simm.s32 $0x0  }
0x1c0: {  	s18 =	sand.u32 $0x70, s17;
	s19 =	sand.u32 $0xC00, s17  }
0x1c1: {  	s19 =	sor.u32 s19, s18  }
0x1c2: {  	[tilespmem:s19+$0x10080] =	vst v0  }
0x1c3: {  	s18 =	simm.s32 $0x10;
	[tilespmem:s19+$0x8080] =	vst v1  }
.LBB2_68:
0x1c4: {  	p0 =	sne.s32 s18, $0x1F0  }
.Ltmp33:
0x1c5: {  	s19 =	sand.u32 $0x70, s18;
	s17 =	sadd.s32 $0x80, s17;
	(pc) =	sbr.rel @p0 .LBB2_68-.Ltmp33, $4  }
0x1c6: {  	s18 =	sadd.s32 $0x10, s18;
	s20 =	sand.u32 $0xC00, s17  }
0x1c7: {  	s19 =	sor.u32 s20, s19  }
0x1c8: {  	[tilespmem:s19+$0x10080] =	vst v0  }
0x1c9: {  	[tilespmem:s19+$0x8080] =	vst v1  }
0x1ca: {  	v0 =	vld [tilespmem:$0x3100]  }
0x1cb: {  	v1 =	vld [tilespmem:$0x1100]  }
0x1cc: {  	s17 =	simm.s32 $0x0  }
0x1cd: {  	s18 =	sand.u32 $0x70, s17;
	s19 =	sand.u32 $0xC00, s17  }
0x1ce: {  	s19 =	sor.u32 s19, s18  }
0x1cf: {  	[tilespmem:s19+$0x10100] =	vst v0  }
0x1d0: {  	s18 =	simm.s32 $0x10;
	[tilespmem:s19+$0x8100] =	vst v1  }
.LBB2_70:
0x1d1: {  	p0 =	sne.s32 s18, $0x1F0  }
.Ltmp34:
0x1d2: {  	s19 =	sand.u32 $0x70, s18;
	s17 =	sadd.s32 $0x80, s17;
	(pc) =	sbr.rel @p0 .LBB2_70-.Ltmp34, $4  }
0x1d3: {  	s18 =	sadd.s32 $0x10, s18;
	s20 =	sand.u32 $0xC00, s17  }
0x1d4: {  	s19 =	sor.u32 s20, s19  }
0x1d5: {  	[tilespmem:s19+$0x10100] =	vst v0  }
0x1d6: {  	[tilespmem:s19+$0x8100] =	vst v1  }
0x1d7: {  	s17 =	simm.s32 $0x0;
	v0 =	vld [tilespmem:$0x1180]  }
0x1d8: {  	v1 =	vld [tilespmem:$0x3180];
	s18 =	sand.u32 $0xFFFFFC00, s17  }
0x1d9: {  	s19 =	sadd.s32 $0x0, s18  }
0x1da: {  	s18 =	simm.s32 $0x80;
	s19 =	sor.u32 $0x4180, s19  }
.LBB2_72:
0x1db: {  	p0 =	sne.s32 s18, $0xF80  }
0x1dc: {  	[tilespmem:s19+$0x4000] =	vst v0;
	s17 =	sadd.s32 $0x10, s17;
	s20 =	smov.u32 s18;
	s18 =	sadd.s32 $0x80, s18  }
.Ltmp35:
0x1dd: {  	[tilespmem:s19+$0xC000] =	vst v1;
	(pc) =	sbr.rel @p0 .LBB2_72-.Ltmp35, $4  }
0x1de: {  	_ = 	snop  }
0x1df: {  	s19 =	sand.u32 $0xFFFFFC00, s20  }
0x1e0: {  	s19 =	sadd.s32 s19, s17  }
0x1e1: {  	s19 =	sor.u32 $0x4180, s19  }
0x1e2: {  	[tilespmem:s19+$0x4000] =	vst v0  }
0x1e3: {  	[tilespmem:s19+$0xC000] =	vst v1  }
0x1e4: {  	v0 =	vld [tilespmem:$0x3200]  }
0x1e5: {  	v1 =	vld [tilespmem:$0x1200]  }
0x1e6: {  	s17 =	simm.s32 $0x0  }
0x1e7: {  	s18 =	sand.u32 $0x70, s17;
	s31 =	sand.u32 $0xC00, s17  }
0x1e8: {  	s19 =	sor.u32 s31, s18  }
0x1e9: {  	[tilespmem:s19+$0x10200] =	vst v0  }
0x1ea: {  	s18 =	simm.s32 $0x10;
	[tilespmem:s19+$0x8200] =	vst v1  }
.LBB2_74:
0x1eb: {  	p0 =	sne.s32 s18, $0x1F0  }
.Ltmp36:
0x1ec: {  	s19 =	sand.u32 $0x70, s18;
	s17 =	sadd.s32 $0x80, s17;
	(pc) =	sbr.rel @p0 .LBB2_74-.Ltmp36, $4  }
0x1ed: {  	s18 =	sadd.s32 $0x10, s18;
	s20 =	sand.u32 $0xC00, s17  }
0x1ee: {  	s19 =	sor.u32 s20, s19  }
0x1ef: {  	[tilespmem:s19+$0x10200] =	vst v0  }
0x1f0: {  	[tilespmem:s19+$0x8200] =	vst v1  }
0x1f1: {  	v0 =	vld [tilespmem:$0x3280]  }
0x1f2: {  	v1 =	vld [tilespmem:$0x1280]  }
0x1f3: {  	s17 =	simm.s32 $0x0  }
0x1f4: {  	s18 =	sand.u32 $0x70, s17;
	s19 =	sand.u32 $0xC00, s17  }
0x1f5: {  	s19 =	sor.u32 s19, s18  }
0x1f6: {  	[tilespmem:s19+$0x10280] =	vst v0  }
0x1f7: {  	s18 =	simm.s32 $0x10;
	[tilespmem:s19+$0x8280] =	vst v1  }
.LBB2_76:
0x1f8: {  	p0 =	sne.s32 s18, $0x1F0  }
.Ltmp37:
0x1f9: {  	s19 =	sand.u32 $0x70, s18;
	s17 =	sadd.s32 $0x80, s17;
	(pc) =	sbr.rel @p0 .LBB2_76-.Ltmp37, $4  }
0x1fa: {  	s18 =	sadd.s32 $0x10, s18;
	s20 =	sand.u32 $0xC00, s17  }
0x1fb: {  	s19 =	sor.u32 s20, s19  }
0x1fc: {  	[tilespmem:s19+$0x10280] =	vst v0  }
0x1fd: {  	[tilespmem:s19+$0x8280] =	vst v1  }
0x1fe: {  	v0 =	vld [tilespmem:$0x3300]  }
0x1ff: {  	v1 =	vld [tilespmem:$0x1300]  }
0x200: {  	s17 =	simm.s32 $0x0  }
0x201: {  	s18 =	sand.u32 $0x70, s17;
	s19 =	sand.u32 $0xC00, s17  }
0x202: {  	s19 =	sor.u32 s19, s18  }
0x203: {  	[tilespmem:s19+$0x10300] =	vst v0  }
0x204: {  	s18 =	simm.s32 $0x10;
	[tilespmem:s19+$0x8300] =	vst v1  }
.LBB2_78:
0x205: {  	p0 =	sne.s32 s18, $0x1F0  }
.Ltmp38:
0x206: {  	s19 =	sand.u32 $0x70, s18;
	s17 =	sadd.s32 $0x80, s17;
	(pc) =	sbr.rel @p0 .LBB2_78-.Ltmp38, $4  }
0x207: {  	s18 =	sadd.s32 $0x10, s18;
	s20 =	sand.u32 $0xC00, s17  }
0x208: {  	s19 =	sor.u32 s20, s19  }
0x209: {  	[tilespmem:s19+$0x10300] =	vst v0  }
0x20a: {  	[tilespmem:s19+$0x8300] =	vst v1  }
0x20b: {  	v0 =	vld [tilespmem:$0x1380]  }
0x20c: {  	s17 =	simm.s32 $0x0;
	v1 =	vld [tilespmem:$0x3380]  }
0x20d: {  	s19 =	sor.u32 s17, s17  }
0x20e: {  	s18 =	simm.s32 $0x10;
	s19 =	sor.u32 $0x4380, s19  }
.LBB2_80:
0x20f: {  	p0 =	sne.s32 s18, $0x1F0  }
0x210: {  	[tilespmem:s19+$0x4000] =	vst v0;
	s17 =	sadd.s32 $0x80, s17;
	s20 =	smov.u32 s18;
	s18 =	sadd.s32 $0x10, s18  }
.Ltmp39:
0x211: {  	[tilespmem:s19+$0xC000] =	vst v1;
	(pc) =	sbr.rel @p0 .LBB2_80-.Ltmp39, $3  }
0x212: {  	_ =	sdelay $0x1  }
0x213: {  	s19 =	sor.u32 s17, s20  }
0x214: {  	s19 =	sor.u32 $0x4380, s19  }
0x215: {  	[tilespmem:s19+$0x4000] =	vst v0  }
0x216: {  	[tilespmem:s19+$0xC000] =	vst v1  }
0x217: {  	v0 =	vld [tilespmem:$0x3400]  }
0x218: {  	v1 =	vld [tilespmem:$0x1400]  }
0x219: {  	s17 =	simm.s32 $0x0  }
0x21a: {  	s18 =	sand.u32 $0x70, s17;
	s31 =	sand.u32 $0xC00, s17  }
0x21b: {  	s19 =	sor.u32 s31, s18  }
0x21c: {  	[tilespmem:s19+$0x11000] =	vst v0  }
0x21d: {  	s18 =	simm.s32 $0x10;
	[tilespmem:s19+$0x9000] =	vst v1  }
.LBB2_82:
0x21e: {  	p0 =	sne.s32 s18, $0x1F0  }
.Ltmp40:
0x21f: {  	s19 =	sand.u32 $0x70, s18;
	s17 =	sadd.s32 $0x80, s17;
	(pc) =	sbr.rel @p0 .LBB2_82-.Ltmp40, $4  }
0x220: {  	s18 =	sadd.s32 $0x10, s18;
	s20 =	sand.u32 $0xC00, s17  }
0x221: {  	s19 =	sor.u32 s20, s19  }
0x222: {  	[tilespmem:s19+$0x11000] =	vst v0  }
0x223: {  	[tilespmem:s19+$0x9000] =	vst v1  }
0x224: {  	v0 =	vld [tilespmem:$0x3480]  }
0x225: {  	v1 =	vld [tilespmem:$0x1480]  }
0x226: {  	s17 =	simm.s32 $0x0  }
0x227: {  	s18 =	sand.u32 $0x70, s17;
	s19 =	sand.u32 $0xC00, s17  }
0x228: {  	s19 =	sor.u32 s19, s18  }
0x229: {  	[tilespmem:s19+$0x11080] =	vst v0  }
0x22a: {  	s18 =	simm.s32 $0x10;
	[tilespmem:s19+$0x9080] =	vst v1  }
.LBB2_84:
0x22b: {  	p0 =	sne.s32 s18, $0x1F0  }
.Ltmp41:
0x22c: {  	s19 =	sand.u32 $0x70, s18;
	s17 =	sadd.s32 $0x80, s17;
	(pc) =	sbr.rel @p0 .LBB2_84-.Ltmp41, $4  }
0x22d: {  	s18 =	sadd.s32 $0x10, s18;
	s20 =	sand.u32 $0xC00, s17  }
0x22e: {  	s19 =	sor.u32 s20, s19  }
0x22f: {  	[tilespmem:s19+$0x11080] =	vst v0  }
0x230: {  	[tilespmem:s19+$0x9080] =	vst v1  }
0x231: {  	v0 =	vld [tilespmem:$0x3500]  }
0x232: {  	v1 =	vld [tilespmem:$0x1500]  }
0x233: {  	s17 =	simm.s32 $0x0  }
0x234: {  	s18 =	sand.u32 $0x70, s17;
	s19 =	sand.u32 $0xC00, s17  }
0x235: {  	s19 =	sor.u32 s19, s18  }
0x236: {  	[tilespmem:s19+$0x11100] =	vst v0  }
0x237: {  	s18 =	simm.s32 $0x10;
	[tilespmem:s19+$0x9100] =	vst v1  }
.LBB2_86:
0x238: {  	p0 =	sne.s32 s18, $0x1F0  }
.Ltmp42:
0x239: {  	s19 =	sand.u32 $0x70, s18;
	s17 =	sadd.s32 $0x80, s17;
	(pc) =	sbr.rel @p0 .LBB2_86-.Ltmp42, $4  }
0x23a: {  	s18 =	sadd.s32 $0x10, s18;
	s20 =	sand.u32 $0xC00, s17  }
0x23b: {  	s19 =	sor.u32 s20, s19  }
0x23c: {  	[tilespmem:s19+$0x11100] =	vst v0  }
0x23d: {  	[tilespmem:s19+$0x9100] =	vst v1  }
0x23e: {  	s17 =	simm.s32 $0x0;
	v0 =	vld [tilespmem:$0x1580]  }
0x23f: {  	v1 =	vld [tilespmem:$0x3580];
	s18 =	sand.u32 $0xFFFFFC00, s17  }
0x240: {  	s19 =	sadd.s32 $0x0, s18  }
0x241: {  	s18 =	simm.s32 $0x80;
	s19 =	sor.u32 $0x5180, s19  }
.LBB2_88:
0x242: {  	p0 =	sne.s32 s18, $0xF80  }
0x243: {  	[tilespmem:s19+$0x4000] =	vst v0;
	s17 =	sadd.s32 $0x10, s17;
	s20 =	smov.u32 s18;
	s18 =	sadd.s32 $0x80, s18  }
.Ltmp43:
0x244: {  	[tilespmem:s19+$0xC000] =	vst v1;
	(pc) =	sbr.rel @p0 .LBB2_88-.Ltmp43, $4  }
0x245: {  	_ = 	snop  }
0x246: {  	s19 =	sand.u32 $0xFFFFFC00, s20  }
0x247: {  	s19 =	sadd.s32 s19, s17  }
0x248: {  	s19 =	sor.u32 $0x5180, s19  }
0x249: {  	[tilespmem:s19+$0x4000] =	vst v0  }
0x24a: {  	[tilespmem:s19+$0xC000] =	vst v1  }
0x24b: {  	v0 =	vld [tilespmem:$0x3600]  }
0x24c: {  	v1 =	vld [tilespmem:$0x1600]  }
0x24d: {  	s17 =	simm.s32 $0x0  }
0x24e: {  	s18 =	sand.u32 $0x70, s17;
	s31 =	sand.u32 $0xC00, s17  }
0x24f: {  	s19 =	sor.u32 s31, s18  }
0x250: {  	[tilespmem:s19+$0x11200] =	vst v0  }
0x251: {  	s18 =	simm.s32 $0x10;
	[tilespmem:s19+$0x9200] =	vst v1  }
.LBB2_90:
0x252: {  	p0 =	sne.s32 s18, $0x1F0  }
.Ltmp44:
0x253: {  	s19 =	sand.u32 $0x70, s18;
	s17 =	sadd.s32 $0x80, s17;
	(pc) =	sbr.rel @p0 .LBB2_90-.Ltmp44, $4  }
0x254: {  	s18 =	sadd.s32 $0x10, s18;
	s20 =	sand.u32 $0xC00, s17  }
0x255: {  	s19 =	sor.u32 s20, s19  }
0x256: {  	[tilespmem:s19+$0x11200] =	vst v0  }
0x257: {  	[tilespmem:s19+$0x9200] =	vst v1  }
0x258: {  	v0 =	vld [tilespmem:$0x3680]  }
0x259: {  	v1 =	vld [tilespmem:$0x1680]  }
0x25a: {  	s17 =	simm.s32 $0x0  }
0x25b: {  	s18 =	sand.u32 $0x70, s17;
	s19 =	sand.u32 $0xC00, s17  }
0x25c: {  	s19 =	sor.u32 s19, s18  }
0x25d: {  	[tilespmem:s19+$0x11280] =	vst v0  }
0x25e: {  	s18 =	simm.s32 $0x10;
	[tilespmem:s19+$0x9280] =	vst v1  }
.LBB2_92:
0x25f: {  	p0 =	sne.s32 s18, $0x1F0  }
.Ltmp45:
0x260: {  	s19 =	sand.u32 $0x70, s18;
	s17 =	sadd.s32 $0x80, s17;
	(pc) =	sbr.rel @p0 .LBB2_92-.Ltmp45, $4  }
0x261: {  	s18 =	sadd.s32 $0x10, s18;
	s20 =	sand.u32 $0xC00, s17  }
0x262: {  	s19 =	sor.u32 s20, s19  }
0x263: {  	[tilespmem:s19+$0x11280] =	vst v0  }
0x264: {  	[tilespmem:s19+$0x9280] =	vst v1  }
0x265: {  	v0 =	vld [tilespmem:$0x3700]  }
0x266: {  	v1 =	vld [tilespmem:$0x1700]  }
0x267: {  	s17 =	simm.s32 $0x0  }
0x268: {  	s18 =	sand.u32 $0x70, s17;
	s19 =	sand.u32 $0xC00, s17  }
0x269: {  	s19 =	sor.u32 s19, s18  }
0x26a: {  	[tilespmem:s19+$0x11300] =	vst v0  }
0x26b: {  	s18 =	simm.s32 $0x10;
	[tilespmem:s19+$0x9300] =	vst v1  }
.LBB2_94:
0x26c: {  	p0 =	sne.s32 s18, $0x1F0  }
.Ltmp46:
0x26d: {  	s19 =	sand.u32 $0x70, s18;
	s17 =	sadd.s32 $0x80, s17;
	(pc) =	sbr.rel @p0 .LBB2_94-.Ltmp46, $4  }
0x26e: {  	s18 =	sadd.s32 $0x10, s18;
	s20 =	sand.u32 $0xC00, s17  }
0x26f: {  	s19 =	sor.u32 s20, s19  }
0x270: {  	[tilespmem:s19+$0x11300] =	vst v0  }
0x271: {  	[tilespmem:s19+$0x9300] =	vst v1  }
0x272: {  	v0 =	vld [tilespmem:$0x1780]  }
0x273: {  	s17 =	simm.s32 $0x0;
	v1 =	vld [tilespmem:$0x3780]  }
0x274: {  	s19 =	sor.u32 s17, s17  }
0x275: {  	s18 =	simm.s32 $0x10;
	s19 =	sor.u32 $0x5380, s19  }
.LBB2_96:
0x276: {  	p0 =	sne.s32 s18, $0x1F0  }
0x277: {  	[tilespmem:s19+$0x4000] =	vst v0;
	s17 =	sadd.s32 $0x80, s17;
	s20 =	smov.u32 s18;
	s18 =	sadd.s32 $0x10, s18  }
.Ltmp47:
0x278: {  	[tilespmem:s19+$0xC000] =	vst v1;
	(pc) =	sbr.rel @p0 .LBB2_96-.Ltmp47, $3  }
0x279: {  	_ =	sdelay $0x1  }
0x27a: {  	s19 =	sor.u32 s17, s20  }
0x27b: {  	s19 =	sor.u32 $0x5380, s19  }
0x27c: {  	[tilespmem:s19+$0x4000] =	vst v0  }
0x27d: {  	[tilespmem:s19+$0xC000] =	vst v1  }
0x27e: {  	v0 =	vld [tilespmem:$0x3800]  }
0x27f: {  	v1 =	vld [tilespmem:$0x1800]  }
0x280: {  	s17 =	simm.s32 $0x0  }
0x281: {  	s18 =	sand.u32 $0x70, s17;
	s31 =	sand.u32 $0xC00, s17  }
0x282: {  	s19 =	sor.u32 s31, s18  }
0x283: {  	[tilespmem:s19+$0x12000] =	vst v0  }
0x284: {  	s18 =	simm.s32 $0x10;
	[tilespmem:s19+$0xA000] =	vst v1  }
.LBB2_98:
0x285: {  	p0 =	sne.s32 s18, $0x1F0  }
.Ltmp48:
0x286: {  	s19 =	sand.u32 $0x70, s18;
	s17 =	sadd.s32 $0x80, s17;
	(pc) =	sbr.rel @p0 .LBB2_98-.Ltmp48, $4  }
0x287: {  	s18 =	sadd.s32 $0x10, s18;
	s20 =	sand.u32 $0xC00, s17  }
0x288: {  	s19 =	sor.u32 s20, s19  }
0x289: {  	[tilespmem:s19+$0x12000] =	vst v0  }
0x28a: {  	[tilespmem:s19+$0xA000] =	vst v1  }
0x28b: {  	v0 =	vld [tilespmem:$0x3880]  }
0x28c: {  	v1 =	vld [tilespmem:$0x1880]  }
0x28d: {  	s17 =	simm.s32 $0x0  }
0x28e: {  	s18 =	sand.u32 $0x70, s17;
	s19 =	sand.u32 $0xC00, s17  }
0x28f: {  	s19 =	sor.u32 s19, s18  }
0x290: {  	[tilespmem:s19+$0x12080] =	vst v0  }
0x291: {  	s18 =	simm.s32 $0x10;
	[tilespmem:s19+$0xA080] =	vst v1  }
.LBB2_100:
0x292: {  	p0 =	sne.s32 s18, $0x1F0  }
.Ltmp49:
0x293: {  	s19 =	sand.u32 $0x70, s18;
	s17 =	sadd.s32 $0x80, s17;
	(pc) =	sbr.rel @p0 .LBB2_100-.Ltmp49, $4  }
0x294: {  	s18 =	sadd.s32 $0x10, s18;
	s20 =	sand.u32 $0xC00, s17  }
0x295: {  	s19 =	sor.u32 s20, s19  }
0x296: {  	[tilespmem:s19+$0x12080] =	vst v0  }
0x297: {  	[tilespmem:s19+$0xA080] =	vst v1  }
0x298: {  	v0 =	vld [tilespmem:$0x3900]  }
0x299: {  	v1 =	vld [tilespmem:$0x1900]  }
0x29a: {  	s17 =	simm.s32 $0x0  }
0x29b: {  	s18 =	sand.u32 $0x70, s17;
	s19 =	sand.u32 $0xC00, s17  }
0x29c: {  	s19 =	sor.u32 s19, s18  }
0x29d: {  	[tilespmem:s19+$0x12100] =	vst v0  }
0x29e: {  	s18 =	simm.s32 $0x10;
	[tilespmem:s19+$0xA100] =	vst v1  }
.LBB2_102:
0x29f: {  	p0 =	sne.s32 s18, $0x1F0  }
.Ltmp50:
0x2a0: {  	s19 =	sand.u32 $0x70, s18;
	s17 =	sadd.s32 $0x80, s17;
	(pc) =	sbr.rel @p0 .LBB2_102-.Ltmp50, $4  }
0x2a1: {  	s18 =	sadd.s32 $0x10, s18;
	s20 =	sand.u32 $0xC00, s17  }
0x2a2: {  	s19 =	sor.u32 s20, s19  }
0x2a3: {  	[tilespmem:s19+$0x12100] =	vst v0  }
0x2a4: {  	[tilespmem:s19+$0xA100] =	vst v1  }
0x2a5: {  	s17 =	simm.s32 $0x0;
	v0 =	vld [tilespmem:$0x1980]  }
0x2a6: {  	v1 =	vld [tilespmem:$0x3980];
	s18 =	sand.u32 $0xFFFFFC00, s17  }
0x2a7: {  	s19 =	sadd.s32 $0x0, s18  }
0x2a8: {  	s18 =	simm.s32 $0x80;
	s19 =	sor.u32 $0x6180, s19  }
.LBB2_104:
0x2a9: {  	p0 =	sne.s32 s18, $0xF80  }
0x2aa: {  	[tilespmem:s19+$0x4000] =	vst v0;
	s17 =	sadd.s32 $0x10, s17;
	s20 =	smov.u32 s18;
	s18 =	sadd.s32 $0x80, s18  }
.Ltmp51:
0x2ab: {  	[tilespmem:s19+$0xC000] =	vst v1;
	(pc) =	sbr.rel @p0 .LBB2_104-.Ltmp51, $4  }
0x2ac: {  	_ = 	snop  }
0x2ad: {  	s19 =	sand.u32 $0xFFFFFC00, s20  }
0x2ae: {  	s19 =	sadd.s32 s19, s17  }
0x2af: {  	s19 =	sor.u32 $0x6180, s19  }
0x2b0: {  	[tilespmem:s19+$0x4000] =	vst v0  }
0x2b1: {  	[tilespmem:s19+$0xC000] =	vst v1  }
0x2b2: {  	v0 =	vld [tilespmem:$0x3A00]  }
0x2b3: {  	v1 =	vld [tilespmem:$0x1A00]  }
0x2b4: {  	s17 =	simm.s32 $0x0  }
0x2b5: {  	s18 =	sand.u32 $0x70, s17;
	s31 =	sand.u32 $0xC00, s17  }
0x2b6: {  	s19 =	sor.u32 s31, s18  }
0x2b7: {  	[tilespmem:s19+$0x12200] =	vst v0  }
0x2b8: {  	s18 =	simm.s32 $0x10;
	[tilespmem:s19+$0xA200] =	vst v1  }
.LBB2_106:
0x2b9: {  	p0 =	sne.s32 s18, $0x1F0  }
.Ltmp52:
0x2ba: {  	s19 =	sand.u32 $0x70, s18;
	s17 =	sadd.s32 $0x80, s17;
	(pc) =	sbr.rel @p0 .LBB2_106-.Ltmp52, $4  }
0x2bb: {  	s18 =	sadd.s32 $0x10, s18;
	s20 =	sand.u32 $0xC00, s17  }
0x2bc: {  	s19 =	sor.u32 s20, s19  }
0x2bd: {  	[tilespmem:s19+$0x12200] =	vst v0  }
0x2be: {  	[tilespmem:s19+$0xA200] =	vst v1  }
0x2bf: {  	v0 =	vld [tilespmem:$0x3A80]  }
0x2c0: {  	v1 =	vld [tilespmem:$0x1A80]  }
0x2c1: {  	s17 =	simm.s32 $0x0  }
0x2c2: {  	s18 =	sand.u32 $0x70, s17;
	s19 =	sand.u32 $0xC00, s17  }
0x2c3: {  	s19 =	sor.u32 s19, s18  }
0x2c4: {  	[tilespmem:s19+$0x12280] =	vst v0  }
0x2c5: {  	s18 =	simm.s32 $0x10;
	[tilespmem:s19+$0xA280] =	vst v1  }
.LBB2_108:
0x2c6: {  	p0 =	sne.s32 s18, $0x1F0  }
.Ltmp53:
0x2c7: {  	s19 =	sand.u32 $0x70, s18;
	s17 =	sadd.s32 $0x80, s17;
	(pc) =	sbr.rel @p0 .LBB2_108-.Ltmp53, $4  }
0x2c8: {  	s18 =	sadd.s32 $0x10, s18;
	s20 =	sand.u32 $0xC00, s17  }
0x2c9: {  	s19 =	sor.u32 s20, s19  }
0x2ca: {  	[tilespmem:s19+$0x12280] =	vst v0  }
0x2cb: {  	[tilespmem:s19+$0xA280] =	vst v1  }
0x2cc: {  	v0 =	vld [tilespmem:$0x3B00]  }
0x2cd: {  	v1 =	vld [tilespmem:$0x1B00]  }
0x2ce: {  	s17 =	simm.s32 $0x0  }
0x2cf: {  	s18 =	sand.u32 $0x70, s17;
	s19 =	sand.u32 $0xC00, s17  }
0x2d0: {  	s19 =	sor.u32 s19, s18  }
0x2d1: {  	[tilespmem:s19+$0x12300] =	vst v0  }
0x2d2: {  	s18 =	simm.s32 $0x10;
	[tilespmem:s19+$0xA300] =	vst v1  }
.LBB2_110:
0x2d3: {  	p0 =	sne.s32 s18, $0x1F0  }
.Ltmp54:
0x2d4: {  	s19 =	sand.u32 $0x70, s18;
	s17 =	sadd.s32 $0x80, s17;
	(pc) =	sbr.rel @p0 .LBB2_110-.Ltmp54, $4  }
0x2d5: {  	s18 =	sadd.s32 $0x10, s18;
	s20 =	sand.u32 $0xC00, s17  }
0x2d6: {  	s19 =	sor.u32 s20, s19  }
0x2d7: {  	[tilespmem:s19+$0x12300] =	vst v0  }
0x2d8: {  	[tilespmem:s19+$0xA300] =	vst v1  }
0x2d9: {  	v0 =	vld [tilespmem:$0x1B80]  }
0x2da: {  	s17 =	simm.s32 $0x0;
	v1 =	vld [tilespmem:$0x3B80]  }
0x2db: {  	s19 =	sor.u32 s17, s17  }
0x2dc: {  	s18 =	simm.s32 $0x10;
	s19 =	sor.u32 $0x6380, s19  }
.LBB2_112:
0x2dd: {  	p0 =	sne.s32 s18, $0x1F0  }
0x2de: {  	[tilespmem:s19+$0x4000] =	vst v0;
	s17 =	sadd.s32 $0x80, s17;
	s20 =	smov.u32 s18;
	s18 =	sadd.s32 $0x10, s18  }
.Ltmp55:
0x2df: {  	[tilespmem:s19+$0xC000] =	vst v1;
	(pc) =	sbr.rel @p0 .LBB2_112-.Ltmp55, $3  }
0x2e0: {  	_ =	sdelay $0x1  }
0x2e1: {  	s19 =	sor.u32 s17, s20  }
0x2e2: {  	s19 =	sor.u32 $0x6380, s19  }
0x2e3: {  	[tilespmem:s19+$0x4000] =	vst v0  }
0x2e4: {  	[tilespmem:s19+$0xC000] =	vst v1  }
0x2e5: {  	v0 =	vld [tilespmem:$0x3C00]  }
0x2e6: {  	v1 =	vld [tilespmem:$0x1C00]  }
0x2e7: {  	s17 =	simm.s32 $0x0  }
0x2e8: {  	s18 =	sand.u32 $0x70, s17;
	s31 =	sand.u32 $0xC00, s17  }
0x2e9: {  	s19 =	sor.u32 s31, s18  }
0x2ea: {  	[tilespmem:s19+$0x13000] =	vst v0  }
0x2eb: {  	s18 =	simm.s32 $0x10;
	[tilespmem:s19+$0xB000] =	vst v1  }
.LBB2_114:
0x2ec: {  	p0 =	sne.s32 s18, $0x1F0  }
.Ltmp56:
0x2ed: {  	s19 =	sand.u32 $0x70, s18;
	s17 =	sadd.s32 $0x80, s17;
	(pc) =	sbr.rel @p0 .LBB2_114-.Ltmp56, $4  }
0x2ee: {  	s18 =	sadd.s32 $0x10, s18;
	s20 =	sand.u32 $0xC00, s17  }
0x2ef: {  	s19 =	sor.u32 s20, s19  }
0x2f0: {  	[tilespmem:s19+$0x13000] =	vst v0  }
0x2f1: {  	[tilespmem:s19+$0xB000] =	vst v1  }
0x2f2: {  	v0 =	vld [tilespmem:$0x3C80]  }
0x2f3: {  	v1 =	vld [tilespmem:$0x1C80]  }
0x2f4: {  	s17 =	simm.s32 $0x0  }
0x2f5: {  	s18 =	sand.u32 $0x70, s17;
	s19 =	sand.u32 $0xC00, s17  }
0x2f6: {  	s19 =	sor.u32 s19, s18  }
0x2f7: {  	[tilespmem:s19+$0x13080] =	vst v0  }
0x2f8: {  	s18 =	simm.s32 $0x10;
	[tilespmem:s19+$0xB080] =	vst v1  }
.LBB2_116:
0x2f9: {  	p0 =	sne.s32 s18, $0x1F0  }
.Ltmp57:
0x2fa: {  	s19 =	sand.u32 $0x70, s18;
	s17 =	sadd.s32 $0x80, s17;
	(pc) =	sbr.rel @p0 .LBB2_116-.Ltmp57, $4  }
0x2fb: {  	s18 =	sadd.s32 $0x10, s18;
	s20 =	sand.u32 $0xC00, s17  }
0x2fc: {  	s19 =	sor.u32 s20, s19  }
0x2fd: {  	[tilespmem:s19+$0x13080] =	vst v0  }
0x2fe: {  	[tilespmem:s19+$0xB080] =	vst v1  }
0x2ff: {  	v0 =	vld [tilespmem:$0x3D00]  }
0x300: {  	v1 =	vld [tilespmem:$0x1D00]  }
0x301: {  	s17 =	simm.s32 $0x0  }
0x302: {  	s18 =	sand.u32 $0x70, s17;
	s19 =	sand.u32 $0xC00, s17  }
0x303: {  	s19 =	sor.u32 s19, s18  }
0x304: {  	[tilespmem:s19+$0x13100] =	vst v0  }
0x305: {  	s18 =	simm.s32 $0x10;
	[tilespmem:s19+$0xB100] =	vst v1  }
.LBB2_118:
0x306: {  	p0 =	sne.s32 s18, $0x1F0  }
.Ltmp58:
0x307: {  	s19 =	sand.u32 $0x70, s18;
	s17 =	sadd.s32 $0x80, s17;
	(pc) =	sbr.rel @p0 .LBB2_118-.Ltmp58, $4  }
0x308: {  	s18 =	sadd.s32 $0x10, s18;
	s20 =	sand.u32 $0xC00, s17  }
0x309: {  	s19 =	sor.u32 s20, s19  }
0x30a: {  	[tilespmem:s19+$0x13100] =	vst v0  }
0x30b: {  	[tilespmem:s19+$0xB100] =	vst v1  }
0x30c: {  	s17 =	simm.s32 $0x0;
	v0 =	vld [tilespmem:$0x1D80]  }
0x30d: {  	v1 =	vld [tilespmem:$0x3D80];
	s18 =	sand.u32 $0xFFFFFC00, s17  }
0x30e: {  	s19 =	sadd.s32 $0x0, s18  }
0x30f: {  	s18 =	simm.s32 $0x80;
	s19 =	sor.u32 $0x7180, s19  }
.LBB2_120:
0x310: {  	p0 =	sne.s32 s18, $0xF80  }
0x311: {  	[tilespmem:s19+$0x4000] =	vst v0;
	s17 =	sadd.s32 $0x10, s17;
	s20 =	smov.u32 s18;
	s18 =	sadd.s32 $0x80, s18  }
.Ltmp59:
0x312: {  	[tilespmem:s19+$0xC000] =	vst v1;
	(pc) =	sbr.rel @p0 .LBB2_120-.Ltmp59, $4  }
0x313: {  	_ = 	snop  }
0x314: {  	s19 =	sand.u32 $0xFFFFFC00, s20  }
0x315: {  	s19 =	sadd.s32 s19, s17  }
0x316: {  	s19 =	sor.u32 $0x7180, s19  }
0x317: {  	[tilespmem:s19+$0x4000] =	vst v0  }
0x318: {  	[tilespmem:s19+$0xC000] =	vst v1  }
0x319: {  	v0 =	vld [tilespmem:$0x3E00]  }
0x31a: {  	v1 =	vld [tilespmem:$0x1E00]  }
0x31b: {  	s17 =	simm.s32 $0x0  }
0x31c: {  	s18 =	sand.u32 $0x70, s17;
	s31 =	sand.u32 $0xC00, s17  }
0x31d: {  	s19 =	sor.u32 s31, s18  }
0x31e: {  	[tilespmem:s19+$0x13200] =	vst v0  }
0x31f: {  	s18 =	simm.s32 $0x10;
	[tilespmem:s19+$0xB200] =	vst v1  }
.LBB2_122:
0x320: {  	p0 =	sne.s32 s18, $0x1F0  }
.Ltmp60:
0x321: {  	s19 =	sand.u32 $0x70, s18;
	s17 =	sadd.s32 $0x80, s17;
	(pc) =	sbr.rel @p0 .LBB2_122-.Ltmp60, $4  }
0x322: {  	s18 =	sadd.s32 $0x10, s18;
	s20 =	sand.u32 $0xC00, s17  }
0x323: {  	s19 =	sor.u32 s20, s19  }
0x324: {  	[tilespmem:s19+$0x13200] =	vst v0  }
0x325: {  	[tilespmem:s19+$0xB200] =	vst v1  }
0x326: {  	v0 =	vld [tilespmem:$0x3E80]  }
0x327: {  	v1 =	vld [tilespmem:$0x1E80]  }
0x328: {  	s17 =	simm.s32 $0x0  }
0x329: {  	s18 =	sand.u32 $0x70, s17;
	s19 =	sand.u32 $0xC00, s17  }
0x32a: {  	s19 =	sor.u32 s19, s18  }
0x32b: {  	[tilespmem:s19+$0x13280] =	vst v0  }
0x32c: {  	s18 =	simm.s32 $0x10;
	[tilespmem:s19+$0xB280] =	vst v1  }
.LBB2_124:
0x32d: {  	p0 =	sne.s32 s18, $0x1F0  }
.Ltmp61:
0x32e: {  	s19 =	sand.u32 $0x70, s18;
	s17 =	sadd.s32 $0x80, s17;
	(pc) =	sbr.rel @p0 .LBB2_124-.Ltmp61, $4  }
0x32f: {  	s18 =	sadd.s32 $0x10, s18;
	s20 =	sand.u32 $0xC00, s17  }
0x330: {  	s19 =	sor.u32 s20, s19  }
0x331: {  	[tilespmem:s19+$0x13280] =	vst v0  }
0x332: {  	[tilespmem:s19+$0xB280] =	vst v1  }
0x333: {  	v0 =	vld [tilespmem:$0x3F00]  }
0x334: {  	v1 =	vld [tilespmem:$0x1F00]  }
0x335: {  	s17 =	simm.s32 $0x0  }
0x336: {  	s18 =	sand.u32 $0x70, s17;
	s19 =	sand.u32 $0xC00, s17  }
0x337: {  	s19 =	sor.u32 s19, s18  }
0x338: {  	[tilespmem:s19+$0x13300] =	vst v0  }
0x339: {  	s18 =	simm.s32 $0x10;
	[tilespmem:s19+$0xB300] =	vst v1  }
.LBB2_126:
0x33a: {  	p0 =	sne.s32 s18, $0x1F0  }
.Ltmp62:
0x33b: {  	s19 =	sand.u32 $0x70, s18;
	s17 =	sadd.s32 $0x80, s17;
	(pc) =	sbr.rel @p0 .LBB2_126-.Ltmp62, $4  }
0x33c: {  	s18 =	sadd.s32 $0x10, s18;
	s20 =	sand.u32 $0xC00, s17  }
0x33d: {  	s19 =	sor.u32 s20, s19  }
0x33e: {  	[tilespmem:s19+$0x13300] =	vst v0  }
0x33f: {  	[tilespmem:s19+$0xB300] =	vst v1  }
0x340: {  	v0 =	vld [tilespmem:$0x1F80]  }
0x341: {  	s17 =	simm.s32 $0x0;
	v1 =	vld [tilespmem:$0x3F80]  }
0x342: {  	s19 =	sor.u32 s17, s17  }
0x343: {  	s18 =	simm.s32 $0x10;
	s19 =	sor.u32 $0x7380, s19  }
.LBB2_128:
0x344: {  	p0 =	sne.s32 s18, $0x1F0  }
0x345: {  	[tilespmem:s19+$0x4000] =	vst v0;
	s17 =	sadd.s32 $0x80, s17;
	s20 =	smov.u32 s18;
	s18 =	sadd.s32 $0x10, s18  }
.Ltmp63:
0x346: {  	[tilespmem:s19+$0xC000] =	vst v1;
	(pc) =	sbr.rel @p0 .LBB2_128-.Ltmp63, $3  }
0x347: {  	_ =	sdelay $0x1  }
0x348: {  	s19 =	sor.u32 s17, s20  }
0x349: {  	s19 =	sor.u32 $0x7380, s19  }
0x34a: {  	[tilespmem:s19+$0x4000] =	vst v0  }
0x34b: {  	[tilespmem:s19+$0xC000] =	vst v1  }
0x34c: {  	[hbm4b:s5+s10] =	stream.strided.scatter [tilespmem:s12], [sflag:$0x1], $0x8000, s11, s10, $0x38;
	[tilespmem:$0x14000] =	vst v63  }
0x34d: {  	s16 =	sadd.s32 $0x1, s16  }
0x34e: {  	[hbm4b:s6+s10] =	stream.strided.scatter [tilespmem:s13], [sflag:$0x2], $0x8000, s11, s10, $0x38;
	[tilespmem:$0x14000] =	vst v63  }
0x34f: {  	p0 =	sne.s32 s16, s7;
	_ =	swait.ge [sflag:s14], $0x8000  }
.Ltmp64:
0x350: {  	[sflag:s14] =	ssyncset.done $0x0;
	(pc) =	sbr.rel @p0 .LBB2_1-.Ltmp64, $4  }
0x351: {  	[sflag:s14] =	ssyncadd.s32 $0xFFFF8000  }
0x352: {  	_ =	swait.ge [sflag:s15], $0x8000  }
0x353: {  	[sflag:s15] =	ssyncset.done $0x0  }
0x354: {  	[sflag:s15] =	ssyncadd.s32 $0xFFFF8000  }
0x355: {  	_ =	sfence.sel $0x180000  }
0x356: {  	[bflag:$0x0] =	sbarrier.arrive $0xFFFF  }
0x357: {  	p0 =	sne.s32 s2, $0x0;
	_ =	strace $0x90000047  }
0x358: {  	s0 =	sadd.s32 @!p0 $0x100000, s0;
	[bflag:$0x2] =	sbarrier.arrive $0xFFFF  }
0x359: {  	[sflag:s0] =	ssyncadd.tile.s32 @!p0 $0x1;
	_ =	shalt  }
.Lfunc_end2:
_tile_overlayer_lowered:
.L_overlay_start_2:
0x35a: {  	(tag) =	ssettag $0x2  }
0x35b: {  	s0 =	rddreg [dreg:$0x0];
	s2 =	stileid.u32  }
0x35c: {  	s1 =	rddreg [dreg:$0x1];
	p0 =	sne.s32 s2, $0x0  }
0x35d: {  	s3 =	rddreg [dreg:$0x2];
	[bflag:$0x3] =	sbarrier.arrive $0xFFFF;
	s2 =	simm.s32 @!p0 $0x1C03  }
0x35e: {  	[timem:s3], [sflag:s2] =	dma.local @!p0 [hbm:s0], s1  }
0x35f: {  	s0 =	simm.s32 @!p0 $0x3  }
0x360: {  	_ =	swait.ge @!p0 [sflag:s0], s1  }
0x361: {  	s1 =	ssub.s32 @!p0 $0x0, s1;
	[sflag:s0] =	ssyncset.done @!p0 $0x0  }
0x362: {  	[sflag:s0] =	ssyncadd.s32 @!p0 s1  }
0x363: {  	[bflag:$0x3] =	sbarrier.arrive $0xFFFF  }
0x364: {  	_ =	shalt  }

</sc_bundles>
